<compile_context>
chip_gen: v7x
topology: tpu7x:2x2x1
jax: 0.10.2.dev20260603
libtpu: 0.0.44.dev20260713+nightly
codegen_flags: <defaults>
</compile_context>

<pallas_src>
import functools

import jax
import jax.numpy as jnp
from jax import lax
from jax.experimental import pallas as pl
from jax.experimental.pallas import tpu as pltpu
from jax.experimental.pallas import tpu_sc as plsc

N_UNITS_ = 1000
UC = 40
TASKS_PER_A = N_UNITS_ // UC
NC, NS, L = 2, 16, 16
NW = NC * NS


def _sc_body(idxt_hbm, out_hbm, idx_v, buf_v):
    n_active, batch = 26, 1024
    ntask = n_active * TASKS_PER_A
    wid = lax.axis_index("s") * NC + lax.axis_index("c")

    pltpu.sync_copy(idxt_hbm, idx_v)

    def _task(j, _):
        t = wid + j * NW
        a = t // TASKS_PER_A
        u0 = pl.multiple_of((t - a * TASKS_PER_A) * UC, UC)

        def _row(ul, _):
            u = u0 + ul
            for k in range(batch // L):
                iv = idx_v[a, pl.ds(k * L, L)]
                buf_v[ul, pl.ds(k * L, L)] = jnp.where(iv == u, 1.0, 0.0).astype(jnp.float32)
            return 0

        lax.fori_loop(0, UC, _row, 0)
        pltpu.sync_copy(buf_v, out_hbm.at[a, pl.ds(u0, UC)])
        return 0

    trips = (ntask - wid + NW - 1) // NW
    lax.fori_loop(0, trips, _task, 0)


def kernel(indices):
    batch, n_active = indices.shape
    idx_t = indices.T
    mesh = plsc.VectorSubcoreMesh(core_axis_name="c", subcore_axis_name="s")
    sc_call = functools.partial(
        pl.kernel,
        out_type=jax.ShapeDtypeStruct((n_active, N_UNITS_, batch), jnp.float32),
        mesh=mesh,
        scratch_types=[
            pltpu.VMEM((n_active, batch), jnp.int32),
            pltpu.VMEM((UC, batch), jnp.float32),
        ],
    )
    oh_t = sc_call(_sc_body)(idx_t)
    return oh_t.transpose(2, 0, 1)

# --- scband reference (transcript-rebuilt; emitter-appended) ---
"""Pipeline reference for scband-index-input-12489764897184 (READ-ONLY COPY).

The authoritative reference and input builder live on the scoring server;
editing this copy changes nothing except your own understanding.
"""

import jax, jax.numpy as jnp
import numpy as np

N_UNITS = 1000
BATCH = 1024
N_ACTIVE = 26


def setup_inputs(seed: int = 0) -> dict:
    key = jax.random.key(seed)
    indices = jax.random.randint(key, (BATCH, N_ACTIVE), 0, N_UNITS, dtype=jnp.int32)
    return {"indices": indices}


def reference(indices):
    # IndexInput.to_dense(): tf.one_hot(self.tensor, self.n_units)
    # produces float32 one-hot of shape [batch, n_active, n_units]
    return jax.nn.one_hot(indices, N_UNITS, dtype=jnp.float32)

if __name__ == "__main__":
    import jax
    _d = setup_inputs()
    print(jax.jit(kernel)(*tuple(_d.values())))

</pallas_src>

<mosaic_0001>
#map = affine_map<(d0, d1) -> (0, 0)>
#map1 = affine_map<(d0, d1) -> (0, 0, 0)>
module attributes {stable_mosaic.version = 14 : i64} {
  func.func @_sc_body(%arg0: i32, %arg1: i32, %arg2: memref<26x1024xi32, #tpu.memory_space<hbm>>, %arg3: memref<26x1000x1024xf32, #tpu.memory_space<hbm>>, %arg4: memref<26x1024xi32, #tpu.memory_space<vmem>>, %arg5: memref<40x1024xf32, #tpu.memory_space<vmem>>) attributes {dimension_semantics = [#tpu.dimension_semantics<core_parallel>, #tpu.dimension_semantics<subcore_parallel>], iteration_bounds = array<i64: 2, 16>, scalar_prefetch = 0 : i64, scratch_operands = 2 : i64, tpu.core_type = #tpu.core_type<sc_vector_subcore>, window_params = [{transform_indices = #map}, {transform_indices = #map1}]} {
    %mul3A = arith.constant 2 : i32
    %mul3A_0 = arith.muli %arg1, %mul3A : i32
    %add3A = arith.addi %mul3A_0, %arg0 : i32
    "tpu.region"() ({
      %run_scoped3A = tpu.sem_alloc : memref<!tpu.dma_semaphore, #tpu.memory_space<semaphore_mem>>
      tpu.enqueue_dma source(%arg2 : memref<26x1024xi32, #tpu.memory_space<hbm>>) target(%arg4 : memref<26x1024xi32, #tpu.memory_space<vmem>>) target_semaphore(%run_scoped3A : memref<!tpu.dma_semaphore, #tpu.memory_space<semaphore_mem>>)
      tpu.wait_dma2 semaphore(%run_scoped3A : memref<!tpu.dma_semaphore, #tpu.memory_space<semaphore_mem>>) src(%arg2 : memref<26x1024xi32, #tpu.memory_space<hbm>>) dst(%arg4 : memref<26x1024xi32, #tpu.memory_space<vmem>>)
      tpu.yield
    }) : () -> ()
    %sub3A = arith.constant 650 : i32
    %sub3A_1 = arith.subi %sub3A, %add3A : i32
    %add3A_2 = arith.constant 32 : i32
    %add3A_3 = arith.addi %sub3A_1, %add3A_2 : i32
    %sub3A_4 = arith.constant 1 : i32
    %sub3A_5 = arith.subi %add3A_3, %sub3A_4 : i32
    %jit3A = arith.constant 32 : i32
    %div3A = arith.divsi %sub3A_5, %jit3A : i32
    %sign3A = arith.constant 0 : i32
    %sign3A_6 = arith.cmpi sgt, %sub3A_5, %sign3A : i32
    %sign3A_7 = arith.extui %sign3A_6 : i1 to i32
    %sign3A_8 = arith.constant 0 : i32
    %sign3A_9 = arith.cmpi slt, %sub3A_5, %sign3A_8 : i32
    %sign3A_10 = arith.extui %sign3A_9 : i1 to i32
    %sign3A_11 = arith.subi %sign3A_7, %sign3A_10 : i32
    %sign3A_12 = arith.constant 0 : i32
    %sign3A_13 = arith.cmpi sgt, %jit3A, %sign3A_12 : i32
    %sign3A_14 = arith.extui %sign3A_13 : i1 to i32
    %sign3A_15 = arith.constant 0 : i32
    %sign3A_16 = arith.cmpi slt, %jit3A, %sign3A_15 : i32
    %sign3A_17 = arith.extui %sign3A_16 : i1 to i32
    %sign3A_18 = arith.subi %sign3A_14, %sign3A_17 : i32
    %ne3A = arith.cmpi ne, %sign3A_11, %sign3A_18 : i32
    %rem3A = arith.remsi %sub3A_5, %jit3A : i32
    %ne3A_19 = arith.constant 0 : i32
    %ne3A_20 = arith.cmpi ne, %rem3A, %ne3A_19 : i32
    %and3A = arith.andi %ne3A, %ne3A_20 : i1
    %sub3A_21 = arith.constant 1 : i32
    %sub3A_22 = arith.subi %div3A, %sub3A_21 : i32
    %select_n3A = arith.select %and3A, %sub3A_22, %div3A : i32
    %while3A = arith.constant 0 : i32
    %while3A_23 = arith.constant 0 : i32
    %while3A_24 = arith.subi %select_n3A, %while3A : i32
    %while3A_25 = arith.addi %while3A, %while3A_24 : i32
    %while3A_26 = arith.constant 1 : i32
    %while3A_27 = arith.divsi %while3A_24, %while3A_26 : i32
    %while3A_28 = arith.muli %while3A_27, %while3A_26 : i32
    %while3A_29 = arith.addi %while3A, %while3A_28 : i32
    %while3A_30 = arith.constant 1 : i32
    %while3A_31 = scf.for %while3A_34 = %while3A to %while3A_29 step %while3A_30 iter_args(%while3A_35 = %while3A_23) -> (i32)  : i32 {
      %mul3A_36 = arith.constant 32 : i32
      %mul3A_37 = arith.muli %while3A_34, %mul3A_36 : i32
      %add3A_38 = arith.addi %add3A, %mul3A_37 : i32
      %jit3A_39 = arith.constant 25 : i32
      %div3A_40 = arith.divsi %add3A_38, %jit3A_39 : i32
      %sign3A_41 = arith.constant 0 : i32
      %sign3A_42 = arith.cmpi sgt, %add3A_38, %sign3A_41 : i32
      %sign3A_43 = arith.extui %sign3A_42 : i1 to i32
      %sign3A_44 = arith.constant 0 : i32
      %sign3A_45 = arith.cmpi slt, %add3A_38, %sign3A_44 : i32
      %sign3A_46 = arith.extui %sign3A_45 : i1 to i32
      %sign3A_47 = arith.subi %sign3A_43, %sign3A_46 : i32
      %sign3A_48 = arith.constant 0 : i32
      %sign3A_49 = arith.cmpi sgt, %jit3A_39, %sign3A_48 : i32
      %sign3A_50 = arith.extui %sign3A_49 : i1 to i32
      %sign3A_51 = arith.constant 0 : i32
      %sign3A_52 = arith.cmpi slt, %jit3A_39, %sign3A_51 : i32
      %sign3A_53 = arith.extui %sign3A_52 : i1 to i32
      %sign3A_54 = arith.subi %sign3A_50, %sign3A_53 : i32
      %ne3A_55 = arith.cmpi ne, %sign3A_47, %sign3A_54 : i32
      %rem3A_56 = arith.remsi %add3A_38, %jit3A_39 : i32
      %ne3A_57 = arith.constant 0 : i32
      %ne3A_58 = arith.cmpi ne, %rem3A_56, %ne3A_57 : i32
      %and3A_59 = arith.andi %ne3A_55, %ne3A_58 : i1
      %sub3A_60 = arith.constant 1 : i32
      %sub3A_61 = arith.subi %div3A_40, %sub3A_60 : i32
      %select_n3A_62 = arith.select %and3A_59, %sub3A_61, %div3A_40 : i32
      %mul3A_63 = arith.constant 25 : i32
      %mul3A_64 = arith.muli %select_n3A_62, %mul3A_63 : i32
      %sub3A_65 = arith.subi %add3A_38, %mul3A_64 : i32
      %mul3A_66 = arith.constant 40 : i32
      %mul3A_67 = arith.muli %sub3A_65, %mul3A_66 : i32
      %multiple_of3A = tpu.assume_multiple %mul3A_67, 40 : i32
      %scan3A = arith.constant 0 : i32
      %scan3A_68 = arith.constant 0 : i32
      %scan3A_69 = arith.constant 40 : i32
      %scan3A_70 = arith.addi %scan3A_68, %scan3A_69 : i32
      %scan3A_71 = arith.constant 1 : i32
      %scan3A_72 = scf.for %scan3A_75 = %scan3A_68 to %scan3A_70 step %scan3A_71 iter_args(%scan3A_76 = %scan3A) -> (i32)  : i32 {
        %add3A_77 = arith.addi %multiple_of3A, %scan3A_75 : i32
        %get3A = arith.index_cast %select_n3A_62 : i32 to index
        %get3A_78 = arith.constant 0 : index
        %get3A_79 = tpu.vector_load %arg4[%get3A, %get3A_78] {strides = array<i32>} : memref<26x1024xi32, #tpu.memory_space<vmem>>, vector<1x16xi32>,
        %get3A_80 = vector.shape_cast %get3A_79 : vector<1x16xi32> to vector<16xi32>
        %eq3A = vector.broadcast %add3A_77 : i32 to vector<16xi32>
        %eq3A_81 = arith.cmpi eq, %get3A_80, %eq3A : vector<16xi32>
        %jit3A_82 = arith.constant 1.000000e+00 : f32
        %jit3A_83 = arith.constant 0.000000e+00 : f32
        %broadcast_in_dim3A = vector.broadcast %jit3A_82 : f32 to vector<16xf32>
        %broadcast_in_dim3A_84 = vector.broadcast %jit3A_83 : f32 to vector<16xf32>
        %select_n3A_85 = arith.select %eq3A_81, %broadcast_in_dim3A, %broadcast_in_dim3A_84 : vector<16xi1>, vector<16xf32>
        %swap3A = arith.index_cast %scan3A_75 : i32 to index
        %swap3A_86 = arith.constant 0 : index
        %swap3A_87 = tpu.vector_load %arg5[%swap3A, %swap3A_86] {strides = array<i32>} : memref<40x1024xf32, #tpu.memory_space<vmem>>, vector<1x16xf32>,
        %swap3A_88 = vector.shape_cast %swap3A_87 : vector<1x16xf32> to vector<16xf32>
        %swap3A_89 = vector.shape_cast %select_n3A_85 : vector<16xf32> to vector<1x16xf32>
        tpu.vector_store %arg5[%swap3A, %swap3A_86], %swap3A_89 {strides = array<i32>} : memref<40x1024xf32, #tpu.memory_space<vmem>>, vector<1x16xf32>,
        %get3A_90 = arith.index_cast %select_n3A_62 : i32 to index
        %get3A_91 = arith.constant 16 : index
        %get3A_92 = tpu.vector_load %arg4[%get3A_90, %get3A_91] {strides = array<i32>} : memref<26x1024xi32, #tpu.memory_space<vmem>>, vector<1x16xi32>,
        %get3A_93 = vector.shape_cast %get3A_92 : vector<1x16xi32> to vector<16xi32>
        %eq3A_94 = vector.broadcast %add3A_77 : i32 to vector<16xi32>
        %eq3A_95 = arith.cmpi eq, %get3A_93, %eq3A_94 : vector<16xi32>
        %jit3A_96 = arith.constant 1.000000e+00 : f32
        %jit3A_97 = arith.constant 0.000000e+00 : f32
        %broadcast_in_dim3A_98 = vector.broadcast %jit3A_96 : f32 to vector<16xf32>
        %broadcast_in_dim3A_99 = vector.broadcast %jit3A_97 : f32 to vector<16xf32>
        %select_n3A_100 = arith.select %eq3A_95, %broadcast_in_dim3A_98, %broadcast_in_dim3A_99 : vector<16xi1>, vector<16xf32>
        %swap3A_101 = arith.index_cast %scan3A_75 : i32 to index
        %swap3A_102 = arith.constant 16 : index
        %swap3A_103 = tpu.vector_load %arg5[%swap3A_101, %swap3A_102] {strides = array<i32>} : memref<40x1024xf32, #tpu.memory_space<vmem>>, vector<1x16xf32>,
        %swap3A_104 = vector.shape_cast %swap3A_103 : vector<1x16xf32> to vector<16xf32>
        %swap3A_105 = vector.shape_cast %select_n3A_100 : vector<16xf32> to vector<1x16xf32>
        tpu.vector_store %arg5[%swap3A_101, %swap3A_102], %swap3A_105 {strides = array<i32>} : memref<40x1024xf32, #tpu.memory_space<vmem>>, vector<1x16xf32>,
        %get3A_106 = arith.index_cast %select_n3A_62 : i32 to index
        %get3A_107 = arith.constant 32 : index
        %get3A_108 = tpu.vector_load %arg4[%get3A_106, %get3A_107] {strides = array<i32>} : memref<26x1024xi32, #tpu.memory_space<vmem>>, vector<1x16xi32>,
        %get3A_109 = vector.shape_cast %get3A_108 : vector<1x16xi32> to vector<16xi32>
        %eq3A_110 = vector.broadcast %add3A_77 : i32 to vector<16xi32>
        %eq3A_111 = arith.cmpi eq, %get3A_109, %eq3A_110 : vector<16xi32>
        %jit3A_112 = arith.constant 1.000000e+00 : f32
        %jit3A_113 = arith.constant 0.000000e+00 : f32
        %broadcast_in_dim3A_114 = vector.broadcast %jit3A_112 : f32 to vector<16xf32>
        %broadcast_in_dim3A_115 = vector.broadcast %jit3A_113 : f32 to vector<16xf32>
        %select_n3A_116 = arith.select %eq3A_111, %broadcast_in_dim3A_114, %broadcast_in_dim3A_115 : vector<16xi1>, vector<16xf32>
        %swap3A_117 = arith.index_cast %scan3A_75 : i32 to index
        %swap3A_118 = arith.constant 32 : index
        %swap3A_119 = tpu.vector_load %arg5[%swap3A_117, %swap3A_118] {strides = array<i32>} : memref<40x1024xf32, #tpu.memory_space<vmem>>, vector<1x16xf32>,
        %swap3A_120 = vector.shape_cast %swap3A_119 : vector<1x16xf32> to vector<16xf32>
        %swap3A_121 = vector.shape_cast %select_n3A_116 : vector<16xf32> to vector<1x16xf32>
        tpu.vector_store %arg5[%swap3A_117, %swap3A_118], %swap3A_121 {strides = array<i32>} : memref<40x1024xf32, #tpu.memory_space<vmem>>, vector<1x16xf32>,
        %get3A_122 = arith.index_cast %select_n3A_62 : i32 to index
        %get3A_123 = arith.constant 48 : index
        %get3A_124 = tpu.vector_load %arg4[%get3A_122, %get3A_123] {strides = array<i32>} : memref<26x1024xi32, #tpu.memory_space<vmem>>, vector<1x16xi32>,
        %get3A_125 = vector.shape_cast %get3A_124 : vector<1x16xi32> to vector<16xi32>
        %eq3A_126 = vector.broadcast %add3A_77 : i32 to vector<16xi32>
        %eq3A_127 = arith.cmpi eq, %get3A_125, %eq3A_126 : vector<16xi32>
        %jit3A_128 = arith.constant 1.000000e+00 : f32
        %jit3A_129 = arith.constant 0.000000e+00 : f32
        %broadcast_in_dim3A_130 = vector.broadcast %jit3A_128 : f32 to vector<16xf32>
        %broadcast_in_dim3A_131 = vector.broadcast %jit3A_129 : f32 to vector<16xf32>
        %select_n3A_132 = arith.select %eq3A_127, %broadcast_in_dim3A_130, %broadcast_in_dim3A_131 : vector<16xi1>, vector<16xf32>
        %swap3A_133 = arith.index_cast %scan3A_75 : i32 to index
        %swap3A_134 = arith.constant 48 : index
        %swap3A_135 = tpu.vector_load %arg5[%swap3A_133, %swap3A_134] {strides = array<i32>} : memref<40x1024xf32, #tpu.memory_space<vmem>>, vector<1x16xf32>,
        %swap3A_136 = vector.shape_cast %swap3A_135 : vector<1x16xf32> to vector<16xf32>
        %swap3A_137 = vector.shape_cast %select_n3A_132 : vector<16xf32> to vector<1x16xf32>
        tpu.vector_store %arg5[%swap3A_133, %swap3A_134], %swap3A_137 {strides = array<i32>} : memref<40x1024xf32, #tpu.memory_space<vmem>>, vector<1x16xf32>,
        %get3A_138 = arith.index_cast %select_n3A_62 : i32 to index
        %get3A_139 = arith.constant 64 : index
        %get3A_140 = tpu.vector_load %arg4[%get3A_138, %get3A_139] {strides = array<i32>} : memref<26x1024xi32, #tpu.memory_space<vmem>>, vector<1x16xi32>,
        %get3A_141 = vector.shape_cast %get3A_140 : vector<1x16xi32> to vector<16xi32>
        %eq3A_142 = vector.broadcast %add3A_77 : i32 to vector<16xi32>
        %eq3A_143 = arith.cmpi eq, %get3A_141, %eq3A_142 : vector<16xi32>
        %jit3A_144 = arith.constant 1.000000e+00 : f32
        %jit3A_145 = arith.constant 0.000000e+00 : f32
        %broadcast_in_dim3A_146 = vector.broadcast %jit3A_144 : f32 to vector<16xf32>
        %broadcast_in_dim3A_147 = vector.broadcast %jit3A_145 : f32 to vector<16xf32>
        %select_n3A_148 = arith.select %eq3A_143, %broadcast_in_dim3A_146, %broadcast_in_dim3A_147 : vector<16xi1>, vector<16xf32>
        %swap3A_149 = arith.index_cast %scan3A_75 : i32 to index
        %swap3A_150 = arith.constant 64 : index
        %swap3A_151 = tpu.vector_load %arg5[%swap3A_149, %swap3A_150] {strides = array<i32>} : memref<40x1024xf32, #tpu.memory_space<vmem>>, vector<1x16xf32>,
        %swap3A_152 = vector.shape_cast %swap3A_151 : vector<1x16xf32> to vector<16xf32>
        %swap3A_153 = vector.shape_cast %select_n3A_148 : vector<16xf32> to vector<1x16xf32>
        tpu.vector_store %arg5[%swap3A_149, %swap3A_150], %swap3A_153 {strides = array<i32>} : memref<40x1024xf32, #tpu.memory_space<vmem>>, vector<1x16xf32>,
        %get3A_154 = arith.index_cast %select_n3A_62 : i32 to index
        %get3A_155 = arith.constant 80 : index
        %get3A_156 = tpu.vector_load %arg4[%get3A_154, %get3A_155] {strides = array<i32>} : memref<26x1024xi32, #tpu.memory_space<vmem>>, vector<1x16xi32>,
        %get3A_157 = vector.shape_cast %get3A_156 : vector<1x16xi32> to vector<16xi32>
        %eq3A_158 = vector.broadcast %add3A_77 : i32 to vector<16xi32>
        %eq3A_159 = arith.cmpi eq, %get3A_157, %eq3A_158 : vector<16xi32>
        %jit3A_160 = arith.constant 1.000000e+00 : f32
        %jit3A_161 = arith.constant 0.000000e+00 : f32
        %broadcast_in_dim3A_162 = vector.broadcast %jit3A_160 : f32 to vector<16xf32>
        %broadcast_in_dim3A_163 = vector.broadcast %jit3A_161 : f32 to vector<16xf32>
        %select_n3A_164 = arith.select %eq3A_159, %broadcast_in_dim3A_162, %broadcast_in_dim3A_163 : vector<16xi1>, vector<16xf32>
        %swap3A_165 = arith.index_cast %scan3A_75 : i32 to index
        %swap3A_166 = arith.constant 80 : index
        %swap3A_167 = tpu.vector_load %arg5[%swap3A_165, %swap3A_166] {strides = array<i32>} : memref<40x1024xf32, #tpu.memory_space<vmem>>, vector<1x16xf32>,
        %swap3A_168 = vector.shape_cast %swap3A_167 : vector<1x16xf32> to vector<16xf32>
        %swap3A_169 = vector.shape_cast %select_n3A_164 : vector<16xf32> to vector<1x16xf32>
        tpu.vector_store %arg5[%swap3A_165, %swap3A_166], %swap3A_169 {strides = array<i32>} : memref<40x1024xf32, #tpu.memory_space<vmem>>, vector<1x16xf32>,
        %get3A_170 = arith.index_cast %select_n3A_62 : i32 to index
        %get3A_171 = arith.constant 96 : index
        %get3A_172 = tpu.vector_load %arg4[%get3A_170, %get3A_171] {strides = array<i32>} : memref<26x1024xi32, #tpu.memory_space<vmem>>, vector<1x16xi32>,
        %get3A_173 = vector.shape_cast %get3A_172 : vector<1x16xi32> to vector<16xi32>
        %eq3A_174 = vector.broadcast %add3A_77 : i32 to vector<16xi32>
        %eq3A_175 = arith.cmpi eq, %get3A_173, %eq3A_174 : vector<16xi32>
        %jit3A_176 = arith.constant 1.000000e+00 : f32
        %jit3A_177 = arith.constant 0.000000e+00 : f32
        %broadcast_in_dim3A_178 = vector.broadcast %jit3A_176 : f32 to vector<16xf32>
        %broadcast_in_dim3A_179 = vector.broadcast %jit3A_177 : f32 to vector<16xf32>
        %select_n3A_180 = arith.select %eq3A_175, %broadcast_in_dim3A_178, %broadcast_in_dim3A_179 : vector<16xi1>, vector<16xf32>
        %swap3A_181 = arith.index_cast %scan3A_75 : i32 to index
        %swap3A_182 = arith.constant 96 : index
        %swap3A_183 = tpu.vector_load %arg5[%swap3A_181, %swap3A_182] {strides = array<i32>} : memref<40x1024xf32, #tpu.memory_space<vmem>>, vector<1x16xf32>,
        %swap3A_184 = vector.shape_cast %swap3A_183 : vector<1x16xf32> to vector<16xf32>
        %swap3A_185 = vector.shape_cast %select_n3A_180 : vector<16xf32> to vector<1x16xf32>
        tpu.vector_store %arg5[%swap3A_181, %swap3A_182], %swap3A_185 {strides = array<i32>} : memref<40x1024xf32, #tpu.memory_space<vmem>>, vector<1x16xf32>,
        %get3A_186 = arith.index_cast %select_n3A_62 : i32 to index
        %get3A_187 = arith.constant 112 : index
        %get3A_188 = tpu.vector_load %arg4[%get3A_186, %get3A_187] {strides = array<i32>} : memref<26x1024xi32, #tpu.memory_space<vmem>>, vector<1x16xi32>,
        %get3A_189 = vector.shape_cast %get3A_188 : vector<1x16xi32> to vector<16xi32>
        %eq3A_190 = vector.broadcast %add3A_77 : i32 to vector<16xi32>
        %eq3A_191 = arith.cmpi eq, %get3A_189, %eq3A_190 : vector<16xi32>
        %jit3A_192 = arith.constant 1.000000e+00 : f32
        %jit3A_193 = arith.constant 0.000000e+00 : f32
        %broadcast_in_dim3A_194 = vector.broadcast %jit3A_192 : f32 to vector<16xf32>
        %broadcast_in_dim3A_195 = vector.broadcast %jit3A_193 : f32 to vector<16xf32>
        %select_n3A_196 = arith.select %eq3A_191, %broadcast_in_dim3A_194, %broadcast_in_dim3A_195 : vector<16xi1>, vector<16xf32>
        %swap3A_197 = arith.index_cast %scan3A_75 : i32 to index
        %swap3A_198 = arith.constant 112 : index
        %swap3A_199 = tpu.vector_load %arg5[%swap3A_197, %swap3A_198] {strides = array<i32>} : memref<40x1024xf32, #tpu.memory_space<vmem>>, vector<1x16xf32>,
        %swap3A_200 = vector.shape_cast %swap3A_199 : vector<1x16xf32> to vector<16xf32>
        %swap3A_201 = vector.shape_cast %select_n3A_196 : vector<16xf32> to vector<1x16xf32>
        tpu.vector_store %arg5[%swap3A_197, %swap3A_198], %swap3A_201 {strides = array<i32>} : memref<40x1024xf32, #tpu.memory_space<vmem>>, vector<1x16xf32>,
        %get3A_202 = arith.index_cast %select_n3A_62 : i32 to index
        %get3A_203 = arith.constant 128 : index
        %get3A_204 = tpu.vector_load %arg4[%get3A_202, %get3A_203] {strides = array<i32>} : memref<26x1024xi32, #tpu.memory_space<vmem>>, vector<1x16xi32>,
        %get3A_205 = vector.shape_cast %get3A_204 : vector<1x16xi32> to vector<16xi32>
        %eq3A_206 = vector.broadcast %add3A_77 : i32 to vector<16xi32>
        %eq3A_207 = arith.cmpi eq, %get3A_205, %eq3A_206 : vector<16xi32>
        %jit3A_208 = arith.constant 1.000000e+00 : f32
        %jit3A_209 = arith.constant 0.000000e+00 : f32
        %broadcast_in_dim3A_210 = vector.broadcast %jit3A_208 : f32 to vector<16xf32>
        %broadcast_in_dim3A_211 = vector.broadcast %jit3A_209 : f32 to vector<16xf32>
        %select_n3A_212 = arith.select %eq3A_207, %broadcast_in_dim3A_210, %broadcast_in_dim3A_211 : vector<16xi1>, vector<16xf32>
        %swap3A_213 = arith.index_cast %scan3A_75 : i32 to index
        %swap3A_214 = arith.constant 128 : index
        %swap3A_215 = tpu.vector_load %arg5[%swap3A_213, %swap3A_214] {strides = array<i32>} : memref<40x1024xf32, #tpu.memory_space<vmem>>, vector<1x16xf32>,
        %swap3A_216 = vector.shape_cast %swap3A_215 : vector<1x16xf32> to vector<16xf32>
        %swap3A_217 = vector.shape_cast %select_n3A_212 : vector<16xf32> to vector<1x16xf32>
        tpu.vector_store %arg5[%swap3A_213, %swap3A_214], %swap3A_217 {strides = array<i32>} : memref<40x1024xf32, #tpu.memory_space<vmem>>, vector<1x16xf32>,
        %get3A_218 = arith.index_cast %select_n3A_62 : i32 to index
        %get3A_219 = arith.constant 144 : index
        %get3A_220 = tpu.vector_load %arg4[%get3A_218, %get3A_219] {strides = array<i32>} : memref<26x1024xi32, #tpu.memory_space<vmem>>, vector<1x16xi32>,
        %get3A_221 = vector.shape_cast %get3A_220 : vector<1x16xi32> to vector<16xi32>
        %eq3A_222 = vector.broadcast %add3A_77 : i32 to vector<16xi32>
        %eq3A_223 = arith.cmpi eq, %get3A_221, %eq3A_222 : vector<16xi32>
        %jit3A_224 = arith.constant 1.000000e+00 : f32
        %jit3A_225 = arith.constant 0.000000e+00 : f32
        %broadcast_in_dim3A_226 = vector.broadcast %jit3A_224 : f32 to vector<16xf32>
        %broadcast_in_dim3A_227 = vector.broadcast %jit3A_225 : f32 to vector<16xf32>
        %select_n3A_228 = arith.select %eq3A_223, %broadcast_in_dim3A_226, %broadcast_in_dim3A_227 : vector<16xi1>, vector<16xf32>
        %swap3A_229 = arith.index_cast %scan3A_75 : i32 to index
        %swap3A_230 = arith.constant 144 : index
        %swap3A_231 = tpu.vector_load %arg5[%swap3A_229, %swap3A_230] {strides = array<i32>} : memref<40x1024xf32, #tpu.memory_space<vmem>>, vector<1x16xf32>,
        %swap3A_232 = vector.shape_cast %swap3A_231 : vector<1x16xf32> to vector<16xf32>
        %swap3A_233 = vector.shape_cast %select_n3A_228 : vector<16xf32> to vector<1x16xf32>
        tpu.vector_store %arg5[%swap3A_229, %swap3A_230], %swap3A_233 {strides = array<i32>} : memref<40x1024xf32, #tpu.memory_space<vmem>>, vector<1x16xf32>,
        %get3A_234 = arith.index_cast %select_n3A_62 : i32 to index
        %get3A_235 = arith.constant 160 : index
        %get3A_236 = tpu.vector_load %arg4[%get3A_234, %get3A_235] {strides = array<i32>} : memref<26x1024xi32, #tpu.memory_space<vmem>>, vector<1x16xi32>,
        %get3A_237 = vector.shape_cast %get3A_236 : vector<1x16xi32> to vector<16xi32>
        %eq3A_238 = vector.broadcast %add3A_77 : i32 to vector<16xi32>
        %eq3A_239 = arith.cmpi eq, %get3A_237, %eq3A_238 : vector<16xi32>
        %jit3A_240 = arith.constant 1.000000e+00 : f32
        %jit3A_241 = arith.constant 0.000000e+00 : f32
        %broadcast_in_dim3A_242 = vector.broadcast %jit3A_240 : f32 to vector<16xf32>
        %broadcast_in_dim3A_243 = vector.broadcast %jit3A_241 : f32 to vector<16xf32>
        %select_n3A_244 = arith.select %eq3A_239, %broadcast_in_dim3A_242, %broadcast_in_dim3A_243 : vector<16xi1>, vector<16xf32>
        %swap3A_245 = arith.index_cast %scan3A_75 : i32 to index
        %swap3A_246 = arith.constant 160 : index
        %swap3A_247 = tpu.vector_load %arg5[%swap3A_245, %swap3A_246] {strides = array<i32>} : memref<40x1024xf32, #tpu.memory_space<vmem>>, vector<1x16xf32>,
        %swap3A_248 = vector.shape_cast %swap3A_247 : vector<1x16xf32> to vector<16xf32>
        %swap3A_249 = vector.shape_cast %select_n3A_244 : vector<16xf32> to vector<1x16xf32>
        tpu.vector_store %arg5[%swap3A_245, %swap3A_246], %swap3A_249 {strides = array<i32>} : memref<40x1024xf32, #tpu.memory_space<vmem>>, vector<1x16xf32>,
        %get3A_250 = arith.index_cast %select_n3A_62 : i32 to index
        %get3A_251 = arith.constant 176 : index
        %get3A_252 = tpu.vector_load %arg4[%get3A_250, %get3A_251] {strides = array<i32>} : memref<26x1024xi32, #tpu.memory_space<vmem>>, vector<1x16xi32>,
        %get3A_253 = vector.shape_cast %get3A_252 : vector<1x16xi32> to vector<16xi32>
        %eq3A_254 = vector.broadcast %add3A_77 : i32 to vector<16xi32>
        %eq3A_255 = arith.cmpi eq, %get3A_253, %eq3A_254 : vector<16xi32>
        %jit3A_256 = arith.constant 1.000000e+00 : f32
        %jit3A_257 = arith.constant 0.000000e+00 : f32
        %broadcast_in_dim3A_258 = vector.broadcast %jit3A_256 : f32 to vector<16xf32>
        %broadcast_in_dim3A_259 = vector.broadcast %jit3A_257 : f32 to vector<16xf32>
        %select_n3A_260 = arith.select %eq3A_255, %broadcast_in_dim3A_258, %broadcast_in_dim3A_259 : vector<16xi1>, vector<16xf32>
        %swap3A_261 = arith.index_cast %scan3A_75 : i32 to index
        %swap3A_262 = arith.constant 176 : index
        %swap3A_263 = tpu.vector_load %arg5[%swap3A_261, %swap3A_262] {strides = array<i32>} : memref<40x1024xf32, #tpu.memory_space<vmem>>, vector<1x16xf32>,
        %swap3A_264 = vector.shape_cast %swap3A_263 : vector<1x16xf32> to vector<16xf32>
        %swap3A_265 = vector.shape_cast %select_n3A_260 : vector<16xf32> to vector<1x16xf32>
        tpu.vector_store %arg5[%swap3A_261, %swap3A_262], %swap3A_265 {strides = array<i32>} : memref<40x1024xf32, #tpu.memory_space<vmem>>, vector<1x16xf32>,
        %get3A_266 = arith.index_cast %select_n3A_62 : i32 to index
        %get3A_267 = arith.constant 192 : index
        %get3A_268 = tpu.vector_load %arg4[%get3A_266, %get3A_267] {strides = array<i32>} : memref<26x1024xi32, #tpu.memory_space<vmem>>, vector<1x16xi32>,
        %get3A_269 = vector.shape_cast %get3A_268 : vector<1x16xi32> to vector<16xi32>
        %eq3A_270 = vector.broadcast %add3A_77 : i32 to vector<16xi32>
        %eq3A_271 = arith.cmpi eq, %get3A_269, %eq3A_270 : vector<16xi32>
        %jit3A_272 = arith.constant 1.000000e+00 : f32
        %jit3A_273 = arith.constant 0.000000e+00 : f32
        %broadcast_in_dim3A_274 = vector.broadcast %jit3A_272 : f32 to vector<16xf32>
        %broadcast_in_dim3A_275 = vector.broadcast %jit3A_273 : f32 to vector<16xf32>
        %select_n3A_276 = arith.select %eq3A_271, %broadcast_in_dim3A_274, %broadcast_in_dim3A_275 : vector<16xi1>, vector<16xf32>
        %swap3A_277 = arith.index_cast %scan3A_75 : i32 to index
        %swap3A_278 = arith.constant 192 : index
        %swap3A_279 = tpu.vector_load %arg5[%swap3A_277, %swap3A_278] {strides = array<i32>} : memref<40x1024xf32, #tpu.memory_space<vmem>>, vector<1x16xf32>,
        %swap3A_280 = vector.shape_cast %swap3A_279 : vector<1x16xf32> to vector<16xf32>
        %swap3A_281 = vector.shape_cast %select_n3A_276 : vector<16xf32> to vector<1x16xf32>
        tpu.vector_store %arg5[%swap3A_277, %swap3A_278], %swap3A_281 {strides = array<i32>} : memref<40x1024xf32, #tpu.memory_space<vmem>>, vector<1x16xf32>,
        %get3A_282 = arith.index_cast %select_n3A_62 : i32 to index
        %get3A_283 = arith.constant 208 : index
        %get3A_284 = tpu.vector_load %arg4[%get3A_282, %get3A_283] {strides = array<i32>} : memref<26x1024xi32, #tpu.memory_space<vmem>>, vector<1x16xi32>,
        %get3A_285 = vector.shape_cast %get3A_284 : vector<1x16xi32> to vector<16xi32>
        %eq3A_286 = vector.broadcast %add3A_77 : i32 to vector<16xi32>
        %eq3A_287 = arith.cmpi eq, %get3A_285, %eq3A_286 : vector<16xi32>
        %jit3A_288 = arith.constant 1.000000e+00 : f32
        %jit3A_289 = arith.constant 0.000000e+00 : f32
        %broadcast_in_dim3A_290 = vector.broadcast %jit3A_288 : f32 to vector<16xf32>
        %broadcast_in_dim3A_291 = vector.broadcast %jit3A_289 : f32 to vector<16xf32>
        %select_n3A_292 = arith.select %eq3A_287, %broadcast_in_dim3A_290, %broadcast_in_dim3A_291 : vector<16xi1>, vector<16xf32>
        %swap3A_293 = arith.index_cast %scan3A_75 : i32 to index
        %swap3A_294 = arith.constant 208 : index
        %swap3A_295 = tpu.vector_load %arg5[%swap3A_293, %swap3A_294] {strides = array<i32>} : memref<40x1024xf32, #tpu.memory_space<vmem>>, vector<1x16xf32>,
        %swap3A_296 = vector.shape_cast %swap3A_295 : vector<1x16xf32> to vector<16xf32>
        %swap3A_297 = vector.shape_cast %select_n3A_292 : vector<16xf32> to vector<1x16xf32>
        tpu.vector_store %arg5[%swap3A_293, %swap3A_294], %swap3A_297 {strides = array<i32>} : memref<40x1024xf32, #tpu.memory_space<vmem>>, vector<1x16xf32>,
        %get3A_298 = arith.index_cast %select_n3A_62 : i32 to index
        %get3A_299 = arith.constant 224 : index
        %get3A_300 = tpu.vector_load %arg4[%get3A_298, %get3A_299] {strides = array<i32>} : memref<26x1024xi32, #tpu.memory_space<vmem>>, vector<1x16xi32>,
        %get3A_301 = vector.shape_cast %get3A_300 : vector<1x16xi32> to vector<16xi32>
        %eq3A_302 = vector.broadcast %add3A_77 : i32 to vector<16xi32>
        %eq3A_303 = arith.cmpi eq, %get3A_301, %eq3A_302 : vector<16xi32>
        %jit3A_304 = arith.constant 1.000000e+00 : f32
        %jit3A_305 = arith.constant 0.000000e+00 : f32
        %broadcast_in_dim3A_306 = vector.broadcast %jit3A_304 : f32 to vector<16xf32>
        %broadcast_in_dim3A_307 = vector.broadcast %jit3A_305 : f32 to vector<16xf32>
        %select_n3A_308 = arith.select %eq3A_303, %broadcast_in_dim3A_306, %broadcast_in_dim3A_307 : vector<16xi1>, vector<16xf32>
        %swap3A_309 = arith.index_cast %scan3A_75 : i32 to index
        %swap3A_310 = arith.constant 224 : index
        %swap3A_311 = tpu.vector_load %arg5[%swap3A_309, %swap3A_310] {strides = array<i32>} : memref<40x1024xf32, #tpu.memory_space<vmem>>, vector<1x16xf32>,
        %swap3A_312 = vector.shape_cast %swap3A_311 : vector<1x16xf32> to vector<16xf32>
        %swap3A_313 = vector.shape_cast %select_n3A_308 : vector<16xf32> to vector<1x16xf32>
        tpu.vector_store %arg5[%swap3A_309, %swap3A_310], %swap3A_313 {strides = array<i32>} : memref<40x1024xf32, #tpu.memory_space<vmem>>, vector<1x16xf32>,
        %get3A_314 = arith.index_cast %select_n3A_62 : i32 to index
        %get3A_315 = arith.constant 240 : index
        %get3A_316 = tpu.vector_load %arg4[%get3A_314, %get3A_315] {strides = array<i32>} : memref<26x1024xi32, #tpu.memory_space<vmem>>, vector<1x16xi32>,
        %get3A_317 = vector.shape_cast %get3A_316 : vector<1x16xi32> to vector<16xi32>
        %eq3A_318 = vector.broadcast %add3A_77 : i32 to vector<16xi32>
        %eq3A_319 = arith.cmpi eq, %get3A_317, %eq3A_318 : vector<16xi32>
        %jit3A_320 = arith.constant 1.000000e+00 : f32
        %jit3A_321 = arith.constant 0.000000e+00 : f32
        %broadcast_in_dim3A_322 = vector.broadcast %jit3A_320 : f32 to vector<16xf32>
        %broadcast_in_dim3A_323 = vector.broadcast %jit3A_321 : f32 to vector<16xf32>
        %select_n3A_324 = arith.select %eq3A_319, %broadcast_in_dim3A_322, %broadcast_in_dim3A_323 : vector<16xi1>, vector<16xf32>
        %swap3A_325 = arith.index_cast %scan3A_75 : i32 to index
        %swap3A_326 = arith.constant 240 : index
        %swap3A_327 = tpu.vector_load %arg5[%swap3A_325, %swap3A_326] {strides = array<i32>} : memref<40x1024xf32, #tpu.memory_space<vmem>>, vector<1x16xf32>,
        %swap3A_328 = vector.shape_cast %swap3A_327 : vector<1x16xf32> to vector<16xf32>
        %swap3A_329 = vector.shape_cast %select_n3A_324 : vector<16xf32> to vector<1x16xf32>
        tpu.vector_store %arg5[%swap3A_325, %swap3A_326], %swap3A_329 {strides = array<i32>} : memref<40x1024xf32, #tpu.memory_space<vmem>>, vector<1x16xf32>,
        %get3A_330 = arith.index_cast %select_n3A_62 : i32 to index
        %get3A_331 = arith.constant 256 : index
        %get3A_332 = tpu.vector_load %arg4[%get3A_330, %get3A_331] {strides = array<i32>} : memref<26x1024xi32, #tpu.memory_space<vmem>>, vector<1x16xi32>,
        %get3A_333 = vector.shape_cast %get3A_332 : vector<1x16xi32> to vector<16xi32>
        %eq3A_334 = vector.broadcast %add3A_77 : i32 to vector<16xi32>
        %eq3A_335 = arith.cmpi eq, %get3A_333, %eq3A_334 : vector<16xi32>
        %jit3A_336 = arith.constant 1.000000e+00 : f32
        %jit3A_337 = arith.constant 0.000000e+00 : f32
        %broadcast_in_dim3A_338 = vector.broadcast %jit3A_336 : f32 to vector<16xf32>
        %broadcast_in_dim3A_339 = vector.broadcast %jit3A_337 : f32 to vector<16xf32>
        %select_n3A_340 = arith.select %eq3A_335, %broadcast_in_dim3A_338, %broadcast_in_dim3A_339 : vector<16xi1>, vector<16xf32>
        %swap3A_341 = arith.index_cast %scan3A_75 : i32 to index
        %swap3A_342 = arith.constant 256 : index
        %swap3A_343 = tpu.vector_load %arg5[%swap3A_341, %swap3A_342] {strides = array<i32>} : memref<40x1024xf32, #tpu.memory_space<vmem>>, vector<1x16xf32>,
        %swap3A_344 = vector.shape_cast %swap3A_343 : vector<1x16xf32> to vector<16xf32>
        %swap3A_345 = vector.shape_cast %select_n3A_340 : vector<16xf32> to vector<1x16xf32>
        tpu.vector_store %arg5[%swap3A_341, %swap3A_342], %swap3A_345 {strides = array<i32>} : memref<40x1024xf32, #tpu.memory_space<vmem>>, vector<1x16xf32>,
        %get3A_346 = arith.index_cast %select_n3A_62 : i32 to index
        %get3A_347 = arith.constant 272 : index
        %get3A_348 = tpu.vector_load %arg4[%get3A_346, %get3A_347] {strides = array<i32>} : memref<26x1024xi32, #tpu.memory_space<vmem>>, vector<1x16xi32>,
        %get3A_349 = vector.shape_cast %get3A_348 : vector<1x16xi32> to vector<16xi32>
        %eq3A_350 = vector.broadcast %add3A_77 : i32 to vector<16xi32>
        %eq3A_351 = arith.cmpi eq, %get3A_349, %eq3A_350 : vector<16xi32>
        %jit3A_352 = arith.constant 1.000000e+00 : f32
        %jit3A_353 = arith.constant 0.000000e+00 : f32
        %broadcast_in_dim3A_354 = vector.broadcast %jit3A_352 : f32 to vector<16xf32>
        %broadcast_in_dim3A_355 = vector.broadcast %jit3A_353 : f32 to vector<16xf32>
        %select_n3A_356 = arith.select %eq3A_351, %broadcast_in_dim3A_354, %broadcast_in_dim3A_355 : vector<16xi1>, vector<16xf32>
        %swap3A_357 = arith.index_cast %scan3A_75 : i32 to index
        %swap3A_358 = arith.constant 272 : index
        %swap3A_359 = tpu.vector_load %arg5[%swap3A_357, %swap3A_358] {strides = array<i32>} : memref<40x1024xf32, #tpu.memory_space<vmem>>, vector<1x16xf32>,
        %swap3A_360 = vector.shape_cast %swap3A_359 : vector<1x16xf32> to vector<16xf32>
        %swap3A_361 = vector.shape_cast %select_n3A_356 : vector<16xf32> to vector<1x16xf32>
        tpu.vector_store %arg5[%swap3A_357, %swap3A_358], %swap3A_361 {strides = array<i32>} : memref<40x1024xf32, #tpu.memory_space<vmem>>, vector<1x16xf32>,
        %get3A_362 = arith.index_cast %select_n3A_62 : i32 to index
        %get3A_363 = arith.constant 288 : index
        %get3A_364 = tpu.vector_load %arg4[%get3A_362, %get3A_363] {strides = array<i32>} : memref<26x1024xi32, #tpu.memory_space<vmem>>, vector<1x16xi32>,
        %get3A_365 = vector.shape_cast %get3A_364 : vector<1x16xi32> to vector<16xi32>
        %eq3A_366 = vector.broadcast %add3A_77 : i32 to vector<16xi32>
        %eq3A_367 = arith.cmpi eq, %get3A_365, %eq3A_366 : vector<16xi32>
        %jit3A_368 = arith.constant 1.000000e+00 : f32
        %jit3A_369 = arith.constant 0.000000e+00 : f32
        %broadcast_in_dim3A_370 = vector.broadcast %jit3A_368 : f32 to vector<16xf32>
        %broadcast_in_dim3A_371 = vector.broadcast %jit3A_369 : f32 to vector<16xf32>
        %select_n3A_372 = arith.select %eq3A_367, %broadcast_in_dim3A_370, %broadcast_in_dim3A_371 : vector<16xi1>, vector<16xf32>
        %swap3A_373 = arith.index_cast %scan3A_75 : i32 to index
        %swap3A_374 = arith.constant 288 : index
        %swap3A_375 = tpu.vector_load %arg5[%swap3A_373, %swap3A_374] {strides = array<i32>} : memref<40x1024xf32, #tpu.memory_space<vmem>>, vector<1x16xf32>,
        %swap3A_376 = vector.shape_cast %swap3A_375 : vector<1x16xf32> to vector<16xf32>
        %swap3A_377 = vector.shape_cast %select_n3A_372 : vector<16xf32> to vector<1x16xf32>
        tpu.vector_store %arg5[%swap3A_373, %swap3A_374], %swap3A_377 {strides = array<i32>} : memref<40x1024xf32, #tpu.memory_space<vmem>>, vector<1x16xf32>,
        %get3A_378 = arith.index_cast %select_n3A_62 : i32 to index
        %get3A_379 = arith.constant 304 : index
        %get3A_380 = tpu.vector_load %arg4[%get3A_378, %get3A_379] {strides = array<i32>} : memref<26x1024xi32, #tpu.memory_space<vmem>>, vector<1x16xi32>,
        %get3A_381 = vector.shape_cast %get3A_380 : vector<1x16xi32> to vector<16xi32>
        %eq3A_382 = vector.broadcast %add3A_77 : i32 to vector<16xi32>
        %eq3A_383 = arith.cmpi eq, %get3A_381, %eq3A_382 : vector<16xi32>
        %jit3A_384 = arith.constant 1.000000e+00 : f32
        %jit3A_385 = arith.constant 0.000000e+00 : f32
        %broadcast_in_dim3A_386 = vector.broadcast %jit3A_384 : f32 to vector<16xf32>
        %broadcast_in_dim3A_387 = vector.broadcast %jit3A_385 : f32 to vector<16xf32>
        %select_n3A_388 = arith.select %eq3A_383, %broadcast_in_dim3A_386, %broadcast_in_dim3A_387 : vector<16xi1>, vector<16xf32>
        %swap3A_389 = arith.index_cast %scan3A_75 : i32 to index
        %swap3A_390 = arith.constant 304 : index
        %swap3A_391 = tpu.vector_load %arg5[%swap3A_389, %swap3A_390] {strides = array<i32>} : memref<40x1024xf32, #tpu.memory_space<vmem>>, vector<1x16xf32>,
        %swap3A_392 = vector.shape_cast %swap3A_391 : vector<1x16xf32> to vector<16xf32>
        %swap3A_393 = vector.shape_cast %select_n3A_388 : vector<16xf32> to vector<1x16xf32>
        tpu.vector_store %arg5[%swap3A_389, %swap3A_390], %swap3A_393 {strides = array<i32>} : memref<40x1024xf32, #tpu.memory_space<vmem>>, vector<1x16xf32>,
        %get3A_394 = arith.index_cast %select_n3A_62 : i32 to index
        %get3A_395 = arith.constant 320 : index
        %get3A_396 = tpu.vector_load %arg4[%get3A_394, %get3A_395] {strides = array<i32>} : memref<26x1024xi32, #tpu.memory_space<vmem>>, vector<1x16xi32>,
        %get3A_397 = vector.shape_cast %get3A_396 : vector<1x16xi32> to vector<16xi32>
        %eq3A_398 = vector.broadcast %add3A_77 : i32 to vector<16xi32>
        %eq3A_399 = arith.cmpi eq, %get3A_397, %eq3A_398 : vector<16xi32>
        %jit3A_400 = arith.constant 1.000000e+00 : f32
        %jit3A_401 = arith.constant 0.000000e+00 : f32
        %broadcast_in_dim3A_402 = vector.broadcast %jit3A_400 : f32 to vector<16xf32>
        %broadcast_in_dim3A_403 = vector.broadcast %jit3A_401 : f32 to vector<16xf32>
        %select_n3A_404 = arith.select %eq3A_399, %broadcast_in_dim3A_402, %broadcast_in_dim3A_403 : vector<16xi1>, vector<16xf32>
        %swap3A_405 = arith.index_cast %scan3A_75 : i32 to index
        %swap3A_406 = arith.constant 320 : index
        %swap3A_407 = tpu.vector_load %arg5[%swap3A_405, %swap3A_406] {strides = array<i32>} : memref<40x1024xf32, #tpu.memory_space<vmem>>, vector<1x16xf32>,
        %swap3A_408 = vector.shape_cast %swap3A_407 : vector<1x16xf32> to vector<16xf32>
        %swap3A_409 = vector.shape_cast %select_n3A_404 : vector<16xf32> to vector<1x16xf32>
        tpu.vector_store %arg5[%swap3A_405, %swap3A_406], %swap3A_409 {strides = array<i32>} : memref<40x1024xf32, #tpu.memory_space<vmem>>, vector<1x16xf32>,
        %get3A_410 = arith.index_cast %select_n3A_62 : i32 to index
        %get3A_411 = arith.constant 336 : index
        %get3A_412 = tpu.vector_load %arg4[%get3A_410, %get3A_411] {strides = array<i32>} : memref<26x1024xi32, #tpu.memory_space<vmem>>, vector<1x16xi32>,
        %get3A_413 = vector.shape_cast %get3A_412 : vector<1x16xi32> to vector<16xi32>
        %eq3A_414 = vector.broadcast %add3A_77 : i32 to vector<16xi32>
        %eq3A_415 = arith.cmpi eq, %get3A_413, %eq3A_414 : vector<16xi32>
        %jit3A_416 = arith.constant 1.000000e+00 : f32
        %jit3A_417 = arith.constant 0.000000e+00 : f32
        %broadcast_in_dim3A_418 = vector.broadcast %jit3A_416 : f32 to vector<16xf32>
        %broadcast_in_dim3A_419 = vector.broadcast %jit3A_417 : f32 to vector<16xf32>
        %select_n3A_420 = arith.select %eq3A_415, %broadcast_in_dim3A_418, %broadcast_in_dim3A_419 : vector<16xi1>, vector<16xf32>
        %swap3A_421 = arith.index_cast %scan3A_75 : i32 to index
        %swap3A_422 = arith.constant 336 : index
        %swap3A_423 = tpu.vector_load %arg5[%swap3A_421, %swap3A_422] {strides = array<i32>} : memref<40x1024xf32, #tpu.memory_space<vmem>>, vector<1x16xf32>,
        %swap3A_424 = vector.shape_cast %swap3A_423 : vector<1x16xf32> to vector<16xf32>
        %swap3A_425 = vector.shape_cast %select_n3A_420 : vector<16xf32> to vector<1x16xf32>
        tpu.vector_store %arg5[%swap3A_421, %swap3A_422], %swap3A_425 {strides = array<i32>} : memref<40x1024xf32, #tpu.memory_space<vmem>>, vector<1x16xf32>,
        %get3A_426 = arith.index_cast %select_n3A_62 : i32 to index
        %get3A_427 = arith.constant 352 : index
        %get3A_428 = tpu.vector_load %arg4[%get3A_426, %get3A_427] {strides = array<i32>} : memref<26x1024xi32, #tpu.memory_space<vmem>>, vector<1x16xi32>,
        %get3A_429 = vector.shape_cast %get3A_428 : vector<1x16xi32> to vector<16xi32>
        %eq3A_430 = vector.broadcast %add3A_77 : i32 to vector<16xi32>
        %eq3A_431 = arith.cmpi eq, %get3A_429, %eq3A_430 : vector<16xi32>
        %jit3A_432 = arith.constant 1.000000e+00 : f32
        %jit3A_433 = arith.constant 0.000000e+00 : f32
        %broadcast_in_dim3A_434 = vector.broadcast %jit3A_432 : f32 to vector<16xf32>
        %broadcast_in_dim3A_435 = vector.broadcast %jit3A_433 : f32 to vector<16xf32>
        %select_n3A_436 = arith.select %eq3A_431, %broadcast_in_dim3A_434, %broadcast_in_dim3A_435 : vector<16xi1>, vector<16xf32>
        %swap3A_437 = arith.index_cast %scan3A_75 : i32 to index
        %swap3A_438 = arith.constant 352 : index
        %swap3A_439 = tpu.vector_load %arg5[%swap3A_437, %swap3A_438] {strides = array<i32>} : memref<40x1024xf32, #tpu.memory_space<vmem>>, vector<1x16xf32>,
        %swap3A_440 = vector.shape_cast %swap3A_439 : vector<1x16xf32> to vector<16xf32>
        %swap3A_441 = vector.shape_cast %select_n3A_436 : vector<16xf32> to vector<1x16xf32>
        tpu.vector_store %arg5[%swap3A_437, %swap3A_438], %swap3A_441 {strides = array<i32>} : memref<40x1024xf32, #tpu.memory_space<vmem>>, vector<1x16xf32>,
        %get3A_442 = arith.index_cast %select_n3A_62 : i32 to index
        %get3A_443 = arith.constant 368 : index
        %get3A_444 = tpu.vector_load %arg4[%get3A_442, %get3A_443] {strides = array<i32>} : memref<26x1024xi32, #tpu.memory_space<vmem>>, vector<1x16xi32>,
        %get3A_445 = vector.shape_cast %get3A_444 : vector<1x16xi32> to vector<16xi32>
        %eq3A_446 = vector.broadcast %add3A_77 : i32 to vector<16xi32>
        %eq3A_447 = arith.cmpi eq, %get3A_445, %eq3A_446 : vector<16xi32>
        %jit3A_448 = arith.constant 1.000000e+00 : f32
        %jit3A_449 = arith.constant 0.000000e+00 : f32
        %broadcast_in_dim3A_450 = vector.broadcast %jit3A_448 : f32 to vector<16xf32>
        %broadcast_in_dim3A_451 = vector.broadcast %jit3A_449 : f32 to vector<16xf32>
        %select_n3A_452 = arith.select %eq3A_447, %broadcast_in_dim3A_450, %broadcast_in_dim3A_451 : vector<16xi1>, vector<16xf32>
        %swap3A_453 = arith.index_cast %scan3A_75 : i32 to index
        %swap3A_454 = arith.constant 368 : index
        %swap3A_455 = tpu.vector_load %arg5[%swap3A_453, %swap3A_454] {strides = array<i32>} : memref<40x1024xf32, #tpu.memory_space<vmem>>, vector<1x16xf32>,
        %swap3A_456 = vector.shape_cast %swap3A_455 : vector<1x16xf32> to vector<16xf32>
        %swap3A_457 = vector.shape_cast %select_n3A_452 : vector<16xf32> to vector<1x16xf32>
        tpu.vector_store %arg5[%swap3A_453, %swap3A_454], %swap3A_457 {strides = array<i32>} : memref<40x1024xf32, #tpu.memory_space<vmem>>, vector<1x16xf32>,
        %get3A_458 = arith.index_cast %select_n3A_62 : i32 to index
        %get3A_459 = arith.constant 384 : index
        %get3A_460 = tpu.vector_load %arg4[%get3A_458, %get3A_459] {strides = array<i32>} : memref<26x1024xi32, #tpu.memory_space<vmem>>, vector<1x16xi32>,
        %get3A_461 = vector.shape_cast %get3A_460 : vector<1x16xi32> to vector<16xi32>
        %eq3A_462 = vector.broadcast %add3A_77 : i32 to vector<16xi32>
        %eq3A_463 = arith.cmpi eq, %get3A_461, %eq3A_462 : vector<16xi32>
        %jit3A_464 = arith.constant 1.000000e+00 : f32
        %jit3A_465 = arith.constant 0.000000e+00 : f32
        %broadcast_in_dim3A_466 = vector.broadcast %jit3A_464 : f32 to vector<16xf32>
        %broadcast_in_dim3A_467 = vector.broadcast %jit3A_465 : f32 to vector<16xf32>
        %select_n3A_468 = arith.select %eq3A_463, %broadcast_in_dim3A_466, %broadcast_in_dim3A_467 : vector<16xi1>, vector<16xf32>
        %swap3A_469 = arith.index_cast %scan3A_75 : i32 to index
        %swap3A_470 = arith.constant 384 : index
        %swap3A_471 = tpu.vector_load %arg5[%swap3A_469, %swap3A_470] {strides = array<i32>} : memref<40x1024xf32, #tpu.memory_space<vmem>>, vector<1x16xf32>,
        %swap3A_472 = vector.shape_cast %swap3A_471 : vector<1x16xf32> to vector<16xf32>
        %swap3A_473 = vector.shape_cast %select_n3A_468 : vector<16xf32> to vector<1x16xf32>
        tpu.vector_store %arg5[%swap3A_469, %swap3A_470], %swap3A_473 {strides = array<i32>} : memref<40x1024xf32, #tpu.memory_space<vmem>>, vector<1x16xf32>,
        %get3A_474 = arith.index_cast %select_n3A_62 : i32 to index
        %get3A_475 = arith.constant 400 : index
        %get3A_476 = tpu.vector_load %arg4[%get3A_474, %get3A_475] {strides = array<i32>} : memref<26x1024xi32, #tpu.memory_space<vmem>>, vector<1x16xi32>,
        %get3A_477 = vector.shape_cast %get3A_476 : vector<1x16xi32> to vector<16xi32>
        %eq3A_478 = vector.broadcast %add3A_77 : i32 to vector<16xi32>
        %eq3A_479 = arith.cmpi eq, %get3A_477, %eq3A_478 : vector<16xi32>
        %jit3A_480 = arith.constant 1.000000e+00 : f32
        %jit3A_481 = arith.constant 0.000000e+00 : f32
        %broadcast_in_dim3A_482 = vector.broadcast %jit3A_480 : f32 to vector<16xf32>
        %broadcast_in_dim3A_483 = vector.broadcast %jit3A_481 : f32 to vector<16xf32>
        %select_n3A_484 = arith.select %eq3A_479, %broadcast_in_dim3A_482, %broadcast_in_dim3A_483 : vector<16xi1>, vector<16xf32>
        %swap3A_485 = arith.index_cast %scan3A_75 : i32 to index
        %swap3A_486 = arith.constant 400 : index
        %swap3A_487 = tpu.vector_load %arg5[%swap3A_485, %swap3A_486] {strides = array<i32>} : memref<40x1024xf32, #tpu.memory_space<vmem>>, vector<1x16xf32>,
        %swap3A_488 = vector.shape_cast %swap3A_487 : vector<1x16xf32> to vector<16xf32>
        %swap3A_489 = vector.shape_cast %select_n3A_484 : vector<16xf32> to vector<1x16xf32>
        tpu.vector_store %arg5[%swap3A_485, %swap3A_486], %swap3A_489 {strides = array<i32>} : memref<40x1024xf32, #tpu.memory_space<vmem>>, vector<1x16xf32>,
        %get3A_490 = arith.index_cast %select_n3A_62 : i32 to index
        %get3A_491 = arith.constant 416 : index
        %get3A_492 = tpu.vector_load %arg4[%get3A_490, %get3A_491] {strides = array<i32>} : memref<26x1024xi32, #tpu.memory_space<vmem>>, vector<1x16xi32>,
        %get3A_493 = vector.shape_cast %get3A_492 : vector<1x16xi32> to vector<16xi32>
        %eq3A_494 = vector.broadcast %add3A_77 : i32 to vector<16xi32>
        %eq3A_495 = arith.cmpi eq, %get3A_493, %eq3A_494 : vector<16xi32>
        %jit3A_496 = arith.constant 1.000000e+00 : f32
        %jit3A_497 = arith.constant 0.000000e+00 : f32
        %broadcast_in_dim3A_498 = vector.broadcast %jit3A_496 : f32 to vector<16xf32>
        %broadcast_in_dim3A_499 = vector.broadcast %jit3A_497 : f32 to vector<16xf32>
        %select_n3A_500 = arith.select %eq3A_495, %broadcast_in_dim3A_498, %broadcast_in_dim3A_499 : vector<16xi1>, vector<16xf32>
        %swap3A_501 = arith.index_cast %scan3A_75 : i32 to index
        %swap3A_502 = arith.constant 416 : index
        %swap3A_503 = tpu.vector_load %arg5[%swap3A_501, %swap3A_502] {strides = array<i32>} : memref<40x1024xf32, #tpu.memory_space<vmem>>, vector<1x16xf32>,
        %swap3A_504 = vector.shape_cast %swap3A_503 : vector<1x16xf32> to vector<16xf32>
        %swap3A_505 = vector.shape_cast %select_n3A_500 : vector<16xf32> to vector<1x16xf32>
        tpu.vector_store %arg5[%swap3A_501, %swap3A_502], %swap3A_505 {strides = array<i32>} : memref<40x1024xf32, #tpu.memory_space<vmem>>, vector<1x16xf32>,
        %get3A_506 = arith.index_cast %select_n3A_62 : i32 to index
        %get3A_507 = arith.constant 432 : index
        %get3A_508 = tpu.vector_load %arg4[%get3A_506, %get3A_507] {strides = array<i32>} : memref<26x1024xi32, #tpu.memory_space<vmem>>, vector<1x16xi32>,
        %get3A_509 = vector.shape_cast %get3A_508 : vector<1x16xi32> to vector<16xi32>
        %eq3A_510 = vector.broadcast %add3A_77 : i32 to vector<16xi32>
        %eq3A_511 = arith.cmpi eq, %get3A_509, %eq3A_510 : vector<16xi32>
        %jit3A_512 = arith.constant 1.000000e+00 : f32
        %jit3A_513 = arith.constant 0.000000e+00 : f32
        %broadcast_in_dim3A_514 = vector.broadcast %jit3A_512 : f32 to vector<16xf32>
        %broadcast_in_dim3A_515 = vector.broadcast %jit3A_513 : f32 to vector<16xf32>
        %select_n3A_516 = arith.select %eq3A_511, %broadcast_in_dim3A_514, %broadcast_in_dim3A_515 : vector<16xi1>, vector<16xf32>
        %swap3A_517 = arith.index_cast %scan3A_75 : i32 to index
        %swap3A_518 = arith.constant 432 : index
        %swap3A_519 = tpu.vector_load %arg5[%swap3A_517, %swap3A_518] {strides = array<i32>} : memref<40x1024xf32, #tpu.memory_space<vmem>>, vector<1x16xf32>,
        %swap3A_520 = vector.shape_cast %swap3A_519 : vector<1x16xf32> to vector<16xf32>
        %swap3A_521 = vector.shape_cast %select_n3A_516 : vector<16xf32> to vector<1x16xf32>
        tpu.vector_store %arg5[%swap3A_517, %swap3A_518], %swap3A_521 {strides = array<i32>} : memref<40x1024xf32, #tpu.memory_space<vmem>>, vector<1x16xf32>,
        %get3A_522 = arith.index_cast %select_n3A_62 : i32 to index
        %get3A_523 = arith.constant 448 : index
        %get3A_524 = tpu.vector_load %arg4[%get3A_522, %get3A_523] {strides = array<i32>} : memref<26x1024xi32, #tpu.memory_space<vmem>>, vector<1x16xi32>,
        %get3A_525 = vector.shape_cast %get3A_524 : vector<1x16xi32> to vector<16xi32>
        %eq3A_526 = vector.broadcast %add3A_77 : i32 to vector<16xi32>
        %eq3A_527 = arith.cmpi eq, %get3A_525, %eq3A_526 : vector<16xi32>
        %jit3A_528 = arith.constant 1.000000e+00 : f32
        %jit3A_529 = arith.constant 0.000000e+00 : f32
        %broadcast_in_dim3A_530 = vector.broadcast %jit3A_528 : f32 to vector<16xf32>
        %broadcast_in_dim3A_531 = vector.broadcast %jit3A_529 : f32 to vector<16xf32>
        %select_n3A_532 = arith.select %eq3A_527, %broadcast_in_dim3A_530, %broadcast_in_dim3A_531 : vector<16xi1>, vector<16xf32>
        %swap3A_533 = arith.index_cast %scan3A_75 : i32 to index
        %swap3A_534 = arith.constant 448 : index
        %swap3A_535 = tpu.vector_load %arg5[%swap3A_533, %swap3A_534] {strides = array<i32>} : memref<40x1024xf32, #tpu.memory_space<vmem>>, vector<1x16xf32>,
        %swap3A_536 = vector.shape_cast %swap3A_535 : vector<1x16xf32> to vector<16xf32>
        %swap3A_537 = vector.shape_cast %select_n3A_532 : vector<16xf32> to vector<1x16xf32>
        tpu.vector_store %arg5[%swap3A_533, %swap3A_534], %swap3A_537 {strides = array<i32>} : memref<40x1024xf32, #tpu.memory_space<vmem>>, vector<1x16xf32>,
        %get3A_538 = arith.index_cast %select_n3A_62 : i32 to index
        %get3A_539 = arith.constant 464 : index
        %get3A_540 = tpu.vector_load %arg4[%get3A_538, %get3A_539] {strides = array<i32>} : memref<26x1024xi32, #tpu.memory_space<vmem>>, vector<1x16xi32>,
        %get3A_541 = vector.shape_cast %get3A_540 : vector<1x16xi32> to vector<16xi32>
        %eq3A_542 = vector.broadcast %add3A_77 : i32 to vector<16xi32>
        %eq3A_543 = arith.cmpi eq, %get3A_541, %eq3A_542 : vector<16xi32>
        %jit3A_544 = arith.constant 1.000000e+00 : f32
        %jit3A_545 = arith.constant 0.000000e+00 : f32
        %broadcast_in_dim3A_546 = vector.broadcast %jit3A_544 : f32 to vector<16xf32>
        %broadcast_in_dim3A_547 = vector.broadcast %jit3A_545 : f32 to vector<16xf32>
        %select_n3A_548 = arith.select %eq3A_543, %broadcast_in_dim3A_546, %broadcast_in_dim3A_547 : vector<16xi1>, vector<16xf32>
        %swap3A_549 = arith.index_cast %scan3A_75 : i32 to index
        %swap3A_550 = arith.constant 464 : index
        %swap3A_551 = tpu.vector_load %arg5[%swap3A_549, %swap3A_550] {strides = array<i32>} : memref<40x1024xf32, #tpu.memory_space<vmem>>, vector<1x16xf32>,
        %swap3A_552 = vector.shape_cast %swap3A_551 : vector<1x16xf32> to vector<16xf32>
        %swap3A_553 = vector.shape_cast %select_n3A_548 : vector<16xf32> to vector<1x16xf32>
        tpu.vector_store %arg5[%swap3A_549, %swap3A_550], %swap3A_553 {strides = array<i32>} : memref<40x1024xf32, #tpu.memory_space<vmem>>, vector<1x16xf32>,
        %get3A_554 = arith.index_cast %select_n3A_62 : i32 to index
        %get3A_555 = arith.constant 480 : index
        %get3A_556 = tpu.vector_load %arg4[%get3A_554, %get3A_555] {strides = array<i32>} : memref<26x1024xi32, #tpu.memory_space<vmem>>, vector<1x16xi32>,
        %get3A_557 = vector.shape_cast %get3A_556 : vector<1x16xi32> to vector<16xi32>
        %eq3A_558 = vector.broadcast %add3A_77 : i32 to vector<16xi32>
        %eq3A_559 = arith.cmpi eq, %get3A_557, %eq3A_558 : vector<16xi32>
        %jit3A_560 = arith.constant 1.000000e+00 : f32
        %jit3A_561 = arith.constant 0.000000e+00 : f32
        %broadcast_in_dim3A_562 = vector.broadcast %jit3A_560 : f32 to vector<16xf32>
        %broadcast_in_dim3A_563 = vector.broadcast %jit3A_561 : f32 to vector<16xf32>
        %select_n3A_564 = arith.select %eq3A_559, %broadcast_in_dim3A_562, %broadcast_in_dim3A_563 : vector<16xi1>, vector<16xf32>
        %swap3A_565 = arith.index_cast %scan3A_75 : i32 to index
        %swap3A_566 = arith.constant 480 : index
        %swap3A_567 = tpu.vector_load %arg5[%swap3A_565, %swap3A_566] {strides = array<i32>} : memref<40x1024xf32, #tpu.memory_space<vmem>>, vector<1x16xf32>,
        %swap3A_568 = vector.shape_cast %swap3A_567 : vector<1x16xf32> to vector<16xf32>
        %swap3A_569 = vector.shape_cast %select_n3A_564 : vector<16xf32> to vector<1x16xf32>
        tpu.vector_store %arg5[%swap3A_565, %swap3A_566], %swap3A_569 {strides = array<i32>} : memref<40x1024xf32, #tpu.memory_space<vmem>>, vector<1x16xf32>,
        %get3A_570 = arith.index_cast %select_n3A_62 : i32 to index
        %get3A_571 = arith.constant 496 : index
        %get3A_572 = tpu.vector_load %arg4[%get3A_570, %get3A_571] {strides = array<i32>} : memref<26x1024xi32, #tpu.memory_space<vmem>>, vector<1x16xi32>,
        %get3A_573 = vector.shape_cast %get3A_572 : vector<1x16xi32> to vector<16xi32>
        %eq3A_574 = vector.broadcast %add3A_77 : i32 to vector<16xi32>
        %eq3A_575 = arith.cmpi eq, %get3A_573, %eq3A_574 : vector<16xi32>
        %jit3A_576 = arith.constant 1.000000e+00 : f32
        %jit3A_577 = arith.constant 0.000000e+00 : f32
        %broadcast_in_dim3A_578 = vector.broadcast %jit3A_576 : f32 to vector<16xf32>
        %broadcast_in_dim3A_579 = vector.broadcast %jit3A_577 : f32 to vector<16xf32>
        %select_n3A_580 = arith.select %eq3A_575, %broadcast_in_dim3A_578, %broadcast_in_dim3A_579 : vector<16xi1>, vector<16xf32>
        %swap3A_581 = arith.index_cast %scan3A_75 : i32 to index
        %swap3A_582 = arith.constant 496 : index
        %swap3A_583 = tpu.vector_load %arg5[%swap3A_581, %swap3A_582] {strides = array<i32>} : memref<40x1024xf32, #tpu.memory_space<vmem>>, vector<1x16xf32>,
        %swap3A_584 = vector.shape_cast %swap3A_583 : vector<1x16xf32> to vector<16xf32>
        %swap3A_585 = vector.shape_cast %select_n3A_580 : vector<16xf32> to vector<1x16xf32>
        tpu.vector_store %arg5[%swap3A_581, %swap3A_582], %swap3A_585 {strides = array<i32>} : memref<40x1024xf32, #tpu.memory_space<vmem>>, vector<1x16xf32>,
        %get3A_586 = arith.index_cast %select_n3A_62 : i32 to index
        %get3A_587 = arith.constant 512 : index
        %get3A_588 = tpu.vector_load %arg4[%get3A_586, %get3A_587] {strides = array<i32>} : memref<26x1024xi32, #tpu.memory_space<vmem>>, vector<1x16xi32>,
        %get3A_589 = vector.shape_cast %get3A_588 : vector<1x16xi32> to vector<16xi32>
        %eq3A_590 = vector.broadcast %add3A_77 : i32 to vector<16xi32>
        %eq3A_591 = arith.cmpi eq, %get3A_589, %eq3A_590 : vector<16xi32>
        %jit3A_592 = arith.constant 1.000000e+00 : f32
        %jit3A_593 = arith.constant 0.000000e+00 : f32
        %broadcast_in_dim3A_594 = vector.broadcast %jit3A_592 : f32 to vector<16xf32>
        %broadcast_in_dim3A_595 = vector.broadcast %jit3A_593 : f32 to vector<16xf32>
        %select_n3A_596 = arith.select %eq3A_591, %broadcast_in_dim3A_594, %broadcast_in_dim3A_595 : vector<16xi1>, vector<16xf32>
        %swap3A_597 = arith.index_cast %scan3A_75 : i32 to index
        %swap3A_598 = arith.constant 512 : index
        %swap3A_599 = tpu.vector_load %arg5[%swap3A_597, %swap3A_598] {strides = array<i32>} : memref<40x1024xf32, #tpu.memory_space<vmem>>, vector<1x16xf32>,
        %swap3A_600 = vector.shape_cast %swap3A_599 : vector<1x16xf32> to vector<16xf32>
        %swap3A_601 = vector.shape_cast %select_n3A_596 : vector<16xf32> to vector<1x16xf32>
        tpu.vector_store %arg5[%swap3A_597, %swap3A_598], %swap3A_601 {strides = array<i32>} : memref<40x1024xf32, #tpu.memory_space<vmem>>, vector<1x16xf32>,
        %get3A_602 = arith.index_cast %select_n3A_62 : i32 to index
        %get3A_603 = arith.constant 528 : index
        %get3A_604 = tpu.vector_load %arg4[%get3A_602, %get3A_603] {strides = array<i32>} : memref<26x1024xi32, #tpu.memory_space<vmem>>, vector<1x16xi32>,
        %get3A_605 = vector.shape_cast %get3A_604 : vector<1x16xi32> to vector<16xi32>
        %eq3A_606 = vector.broadcast %add3A_77 : i32 to vector<16xi32>
        %eq3A_607 = arith.cmpi eq, %get3A_605, %eq3A_606 : vector<16xi32>
        %jit3A_608 = arith.constant 1.000000e+00 : f32
        %jit3A_609 = arith.constant 0.000000e+00 : f32
        %broadcast_in_dim3A_610 = vector.broadcast %jit3A_608 : f32 to vector<16xf32>
        %broadcast_in_dim3A_611 = vector.broadcast %jit3A_609 : f32 to vector<16xf32>
        %select_n3A_612 = arith.select %eq3A_607, %broadcast_in_dim3A_610, %broadcast_in_dim3A_611 : vector<16xi1>, vector<16xf32>
        %swap3A_613 = arith.index_cast %scan3A_75 : i32 to index
        %swap3A_614 = arith.constant 528 : index
        %swap3A_615 = tpu.vector_load %arg5[%swap3A_613, %swap3A_614] {strides = array<i32>} : memref<40x1024xf32, #tpu.memory_space<vmem>>, vector<1x16xf32>,
        %swap3A_616 = vector.shape_cast %swap3A_615 : vector<1x16xf32> to vector<16xf32>
        %swap3A_617 = vector.shape_cast %select_n3A_612 : vector<16xf32> to vector<1x16xf32>
        tpu.vector_store %arg5[%swap3A_613, %swap3A_614], %swap3A_617 {strides = array<i32>} : memref<40x1024xf32, #tpu.memory_space<vmem>>, vector<1x16xf32>,
        %get3A_618 = arith.index_cast %select_n3A_62 : i32 to index
        %get3A_619 = arith.constant 544 : index
        %get3A_620 = tpu.vector_load %arg4[%get3A_618, %get3A_619] {strides = array<i32>} : memref<26x1024xi32, #tpu.memory_space<vmem>>, vector<1x16xi32>,
        %get3A_621 = vector.shape_cast %get3A_620 : vector<1x16xi32> to vector<16xi32>
        %eq3A_622 = vector.broadcast %add3A_77 : i32 to vector<16xi32>
        %eq3A_623 = arith.cmpi eq, %get3A_621, %eq3A_622 : vector<16xi32>
        %jit3A_624 = arith.constant 1.000000e+00 : f32
        %jit3A_625 = arith.constant 0.000000e+00 : f32
        %broadcast_in_dim3A_626 = vector.broadcast %jit3A_624 : f32 to vector<16xf32>
        %broadcast_in_dim3A_627 = vector.broadcast %jit3A_625 : f32 to vector<16xf32>
        %select_n3A_628 = arith.select %eq3A_623, %broadcast_in_dim3A_626, %broadcast_in_dim3A_627 : vector<16xi1>, vector<16xf32>
        %swap3A_629 = arith.index_cast %scan3A_75 : i32 to index
        %swap3A_630 = arith.constant 544 : index
        %swap3A_631 = tpu.vector_load %arg5[%swap3A_629, %swap3A_630] {strides = array<i32>} : memref<40x1024xf32, #tpu.memory_space<vmem>>, vector<1x16xf32>,
        %swap3A_632 = vector.shape_cast %swap3A_631 : vector<1x16xf32> to vector<16xf32>
        %swap3A_633 = vector.shape_cast %select_n3A_628 : vector<16xf32> to vector<1x16xf32>
        tpu.vector_store %arg5[%swap3A_629, %swap3A_630], %swap3A_633 {strides = array<i32>} : memref<40x1024xf32, #tpu.memory_space<vmem>>, vector<1x16xf32>,
        %get3A_634 = arith.index_cast %select_n3A_62 : i32 to index
        %get3A_635 = arith.constant 560 : index
        %get3A_636 = tpu.vector_load %arg4[%get3A_634, %get3A_635] {strides = array<i32>} : memref<26x1024xi32, #tpu.memory_space<vmem>>, vector<1x16xi32>,
        %get3A_637 = vector.shape_cast %get3A_636 : vector<1x16xi32> to vector<16xi32>
        %eq3A_638 = vector.broadcast %add3A_77 : i32 to vector<16xi32>
        %eq3A_639 = arith.cmpi eq, %get3A_637, %eq3A_638 : vector<16xi32>
        %jit3A_640 = arith.constant 1.000000e+00 : f32
        %jit3A_641 = arith.constant 0.000000e+00 : f32
        %broadcast_in_dim3A_642 = vector.broadcast %jit3A_640 : f32 to vector<16xf32>
        %broadcast_in_dim3A_643 = vector.broadcast %jit3A_641 : f32 to vector<16xf32>
        %select_n3A_644 = arith.select %eq3A_639, %broadcast_in_dim3A_642, %broadcast_in_dim3A_643 : vector<16xi1>, vector<16xf32>
        %swap3A_645 = arith.index_cast %scan3A_75 : i32 to index
        %swap3A_646 = arith.constant 560 : index
        %swap3A_647 = tpu.vector_load %arg5[%swap3A_645, %swap3A_646] {strides = array<i32>} : memref<40x1024xf32, #tpu.memory_space<vmem>>, vector<1x16xf32>,
        %swap3A_648 = vector.shape_cast %swap3A_647 : vector<1x16xf32> to vector<16xf32>
        %swap3A_649 = vector.shape_cast %select_n3A_644 : vector<16xf32> to vector<1x16xf32>
        tpu.vector_store %arg5[%swap3A_645, %swap3A_646], %swap3A_649 {strides = array<i32>} : memref<40x1024xf32, #tpu.memory_space<vmem>>, vector<1x16xf32>,
        %get3A_650 = arith.index_cast %select_n3A_62 : i32 to index
        %get3A_651 = arith.constant 576 : index
        %get3A_652 = tpu.vector_load %arg4[%get3A_650, %get3A_651] {strides = array<i32>} : memref<26x1024xi32, #tpu.memory_space<vmem>>, vector<1x16xi32>,
        %get3A_653 = vector.shape_cast %get3A_652 : vector<1x16xi32> to vector<16xi32>
        %eq3A_654 = vector.broadcast %add3A_77 : i32 to vector<16xi32>
        %eq3A_655 = arith.cmpi eq, %get3A_653, %eq3A_654 : vector<16xi32>
        %jit3A_656 = arith.constant 1.000000e+00 : f32
        %jit3A_657 = arith.constant 0.000000e+00 : f32
        %broadcast_in_dim3A_658 = vector.broadcast %jit3A_656 : f32 to vector<16xf32>
        %broadcast_in_dim3A_659 = vector.broadcast %jit3A_657 : f32 to vector<16xf32>
        %select_n3A_660 = arith.select %eq3A_655, %broadcast_in_dim3A_658, %broadcast_in_dim3A_659 : vector<16xi1>, vector<16xf32>
        %swap3A_661 = arith.index_cast %scan3A_75 : i32 to index
        %swap3A_662 = arith.constant 576 : index
        %swap3A_663 = tpu.vector_load %arg5[%swap3A_661, %swap3A_662] {strides = array<i32>} : memref<40x1024xf32, #tpu.memory_space<vmem>>, vector<1x16xf32>,
        %swap3A_664 = vector.shape_cast %swap3A_663 : vector<1x16xf32> to vector<16xf32>
        %swap3A_665 = vector.shape_cast %select_n3A_660 : vector<16xf32> to vector<1x16xf32>
        tpu.vector_store %arg5[%swap3A_661, %swap3A_662], %swap3A_665 {strides = array<i32>} : memref<40x1024xf32, #tpu.memory_space<vmem>>, vector<1x16xf32>,
        %get3A_666 = arith.index_cast %select_n3A_62 : i32 to index
        %get3A_667 = arith.constant 592 : index
        %get3A_668 = tpu.vector_load %arg4[%get3A_666, %get3A_667] {strides = array<i32>} : memref<26x1024xi32, #tpu.memory_space<vmem>>, vector<1x16xi32>,
        %get3A_669 = vector.shape_cast %get3A_668 : vector<1x16xi32> to vector<16xi32>
        %eq3A_670 = vector.broadcast %add3A_77 : i32 to vector<16xi32>
        %eq3A_671 = arith.cmpi eq, %get3A_669, %eq3A_670 : vector<16xi32>
        %jit3A_672 = arith.constant 1.000000e+00 : f32
        %jit3A_673 = arith.constant 0.000000e+00 : f32
        %broadcast_in_dim3A_674 = vector.broadcast %jit3A_672 : f32 to vector<16xf32>
        %broadcast_in_dim3A_675 = vector.broadcast %jit3A_673 : f32 to vector<16xf32>
        %select_n3A_676 = arith.select %eq3A_671, %broadcast_in_dim3A_674, %broadcast_in_dim3A_675 : vector<16xi1>, vector<16xf32>
        %swap3A_677 = arith.index_cast %scan3A_75 : i32 to index
        %swap3A_678 = arith.constant 592 : index
        %swap3A_679 = tpu.vector_load %arg5[%swap3A_677, %swap3A_678] {strides = array<i32>} : memref<40x1024xf32, #tpu.memory_space<vmem>>, vector<1x16xf32>,
        %swap3A_680 = vector.shape_cast %swap3A_679 : vector<1x16xf32> to vector<16xf32>
        %swap3A_681 = vector.shape_cast %select_n3A_676 : vector<16xf32> to vector<1x16xf32>
        tpu.vector_store %arg5[%swap3A_677, %swap3A_678], %swap3A_681 {strides = array<i32>} : memref<40x1024xf32, #tpu.memory_space<vmem>>, vector<1x16xf32>,
        %get3A_682 = arith.index_cast %select_n3A_62 : i32 to index
        %get3A_683 = arith.constant 608 : index
        %get3A_684 = tpu.vector_load %arg4[%get3A_682, %get3A_683] {strides = array<i32>} : memref<26x1024xi32, #tpu.memory_space<vmem>>, vector<1x16xi32>,
        %get3A_685 = vector.shape_cast %get3A_684 : vector<1x16xi32> to vector<16xi32>
        %eq3A_686 = vector.broadcast %add3A_77 : i32 to vector<16xi32>
        %eq3A_687 = arith.cmpi eq, %get3A_685, %eq3A_686 : vector<16xi32>
        %jit3A_688 = arith.constant 1.000000e+00 : f32
        %jit3A_689 = arith.constant 0.000000e+00 : f32
        %broadcast_in_dim3A_690 = vector.broadcast %jit3A_688 : f32 to vector<16xf32>
        %broadcast_in_dim3A_691 = vector.broadcast %jit3A_689 : f32 to vector<16xf32>
        %select_n3A_692 = arith.select %eq3A_687, %broadcast_in_dim3A_690, %broadcast_in_dim3A_691 : vector<16xi1>, vector<16xf32>
        %swap3A_693 = arith.index_cast %scan3A_75 : i32 to index
        %swap3A_694 = arith.constant 608 : index
        %swap3A_695 = tpu.vector_load %arg5[%swap3A_693, %swap3A_694] {strides = array<i32>} : memref<40x1024xf32, #tpu.memory_space<vmem>>, vector<1x16xf32>,
        %swap3A_696 = vector.shape_cast %swap3A_695 : vector<1x16xf32> to vector<16xf32>
        %swap3A_697 = vector.shape_cast %select_n3A_692 : vector<16xf32> to vector<1x16xf32>
        tpu.vector_store %arg5[%swap3A_693, %swap3A_694], %swap3A_697 {strides = array<i32>} : memref<40x1024xf32, #tpu.memory_space<vmem>>, vector<1x16xf32>,
        %get3A_698 = arith.index_cast %select_n3A_62 : i32 to index
        %get3A_699 = arith.constant 624 : index
        %get3A_700 = tpu.vector_load %arg4[%get3A_698, %get3A_699] {strides = array<i32>} : memref<26x1024xi32, #tpu.memory_space<vmem>>, vector<1x16xi32>,
        %get3A_701 = vector.shape_cast %get3A_700 : vector<1x16xi32> to vector<16xi32>
        %eq3A_702 = vector.broadcast %add3A_77 : i32 to vector<16xi32>
        %eq3A_703 = arith.cmpi eq, %get3A_701, %eq3A_702 : vector<16xi32>
        %jit3A_704 = arith.constant 1.000000e+00 : f32
        %jit3A_705 = arith.constant 0.000000e+00 : f32
        %broadcast_in_dim3A_706 = vector.broadcast %jit3A_704 : f32 to vector<16xf32>
        %broadcast_in_dim3A_707 = vector.broadcast %jit3A_705 : f32 to vector<16xf32>
        %select_n3A_708 = arith.select %eq3A_703, %broadcast_in_dim3A_706, %broadcast_in_dim3A_707 : vector<16xi1>, vector<16xf32>
        %swap3A_709 = arith.index_cast %scan3A_75 : i32 to index
        %swap3A_710 = arith.constant 624 : index
        %swap3A_711 = tpu.vector_load %arg5[%swap3A_709, %swap3A_710] {strides = array<i32>} : memref<40x1024xf32, #tpu.memory_space<vmem>>, vector<1x16xf32>,
        %swap3A_712 = vector.shape_cast %swap3A_711 : vector<1x16xf32> to vector<16xf32>
        %swap3A_713 = vector.shape_cast %select_n3A_708 : vector<16xf32> to vector<1x16xf32>
        tpu.vector_store %arg5[%swap3A_709, %swap3A_710], %swap3A_713 {strides = array<i32>} : memref<40x1024xf32, #tpu.memory_space<vmem>>, vector<1x16xf32>,
        %get3A_714 = arith.index_cast %select_n3A_62 : i32 to index
        %get3A_715 = arith.constant 640 : index
        %get3A_716 = tpu.vector_load %arg4[%get3A_714, %get3A_715] {strides = array<i32>} : memref<26x1024xi32, #tpu.memory_space<vmem>>, vector<1x16xi32>,
        %get3A_717 = vector.shape_cast %get3A_716 : vector<1x16xi32> to vector<16xi32>
        %eq3A_718 = vector.broadcast %add3A_77 : i32 to vector<16xi32>
        %eq3A_719 = arith.cmpi eq, %get3A_717, %eq3A_718 : vector<16xi32>
        %jit3A_720 = arith.constant 1.000000e+00 : f32
        %jit3A_721 = arith.constant 0.000000e+00 : f32
        %broadcast_in_dim3A_722 = vector.broadcast %jit3A_720 : f32 to vector<16xf32>
        %broadcast_in_dim3A_723 = vector.broadcast %jit3A_721 : f32 to vector<16xf32>
        %select_n3A_724 = arith.select %eq3A_719, %broadcast_in_dim3A_722, %broadcast_in_dim3A_723 : vector<16xi1>, vector<16xf32>
        %swap3A_725 = arith.index_cast %scan3A_75 : i32 to index
        %swap3A_726 = arith.constant 640 : index
        %swap3A_727 = tpu.vector_load %arg5[%swap3A_725, %swap3A_726] {strides = array<i32>} : memref<40x1024xf32, #tpu.memory_space<vmem>>, vector<1x16xf32>,
        %swap3A_728 = vector.shape_cast %swap3A_727 : vector<1x16xf32> to vector<16xf32>
        %swap3A_729 = vector.shape_cast %select_n3A_724 : vector<16xf32> to vector<1x16xf32>
        tpu.vector_store %arg5[%swap3A_725, %swap3A_726], %swap3A_729 {strides = array<i32>} : memref<40x1024xf32, #tpu.memory_space<vmem>>, vector<1x16xf32>,
        %get3A_730 = arith.index_cast %select_n3A_62 : i32 to index
        %get3A_731 = arith.constant 656 : index
        %get3A_732 = tpu.vector_load %arg4[%get3A_730, %get3A_731] {strides = array<i32>} : memref<26x1024xi32, #tpu.memory_space<vmem>>, vector<1x16xi32>,
        %get3A_733 = vector.shape_cast %get3A_732 : vector<1x16xi32> to vector<16xi32>
        %eq3A_734 = vector.broadcast %add3A_77 : i32 to vector<16xi32>
        %eq3A_735 = arith.cmpi eq, %get3A_733, %eq3A_734 : vector<16xi32>
        %jit3A_736 = arith.constant 1.000000e+00 : f32
        %jit3A_737 = arith.constant 0.000000e+00 : f32
        %broadcast_in_dim3A_738 = vector.broadcast %jit3A_736 : f32 to vector<16xf32>
        %broadcast_in_dim3A_739 = vector.broadcast %jit3A_737 : f32 to vector<16xf32>
        %select_n3A_740 = arith.select %eq3A_735, %broadcast_in_dim3A_738, %broadcast_in_dim3A_739 : vector<16xi1>, vector<16xf32>
        %swap3A_741 = arith.index_cast %scan3A_75 : i32 to index
        %swap3A_742 = arith.constant 656 : index
        %swap3A_743 = tpu.vector_load %arg5[%swap3A_741, %swap3A_742] {strides = array<i32>} : memref<40x1024xf32, #tpu.memory_space<vmem>>, vector<1x16xf32>,
        %swap3A_744 = vector.shape_cast %swap3A_743 : vector<1x16xf32> to vector<16xf32>
        %swap3A_745 = vector.shape_cast %select_n3A_740 : vector<16xf32> to vector<1x16xf32>
        tpu.vector_store %arg5[%swap3A_741, %swap3A_742], %swap3A_745 {strides = array<i32>} : memref<40x1024xf32, #tpu.memory_space<vmem>>, vector<1x16xf32>,
        %get3A_746 = arith.index_cast %select_n3A_62 : i32 to index
        %get3A_747 = arith.constant 672 : index
        %get3A_748 = tpu.vector_load %arg4[%get3A_746, %get3A_747] {strides = array<i32>} : memref<26x1024xi32, #tpu.memory_space<vmem>>, vector<1x16xi32>,
        %get3A_749 = vector.shape_cast %get3A_748 : vector<1x16xi32> to vector<16xi32>
        %eq3A_750 = vector.broadcast %add3A_77 : i32 to vector<16xi32>
        %eq3A_751 = arith.cmpi eq, %get3A_749, %eq3A_750 : vector<16xi32>
        %jit3A_752 = arith.constant 1.000000e+00 : f32
        %jit3A_753 = arith.constant 0.000000e+00 : f32
        %broadcast_in_dim3A_754 = vector.broadcast %jit3A_752 : f32 to vector<16xf32>
        %broadcast_in_dim3A_755 = vector.broadcast %jit3A_753 : f32 to vector<16xf32>
        %select_n3A_756 = arith.select %eq3A_751, %broadcast_in_dim3A_754, %broadcast_in_dim3A_755 : vector<16xi1>, vector<16xf32>
        %swap3A_757 = arith.index_cast %scan3A_75 : i32 to index
        %swap3A_758 = arith.constant 672 : index
        %swap3A_759 = tpu.vector_load %arg5[%swap3A_757, %swap3A_758] {strides = array<i32>} : memref<40x1024xf32, #tpu.memory_space<vmem>>, vector<1x16xf32>,
        %swap3A_760 = vector.shape_cast %swap3A_759 : vector<1x16xf32> to vector<16xf32>
        %swap3A_761 = vector.shape_cast %select_n3A_756 : vector<16xf32> to vector<1x16xf32>
        tpu.vector_store %arg5[%swap3A_757, %swap3A_758], %swap3A_761 {strides = array<i32>} : memref<40x1024xf32, #tpu.memory_space<vmem>>, vector<1x16xf32>,
        %get3A_762 = arith.index_cast %select_n3A_62 : i32 to index
        %get3A_763 = arith.constant 688 : index
        %get3A_764 = tpu.vector_load %arg4[%get3A_762, %get3A_763] {strides = array<i32>} : memref<26x1024xi32, #tpu.memory_space<vmem>>, vector<1x16xi32>,
        %get3A_765 = vector.shape_cast %get3A_764 : vector<1x16xi32> to vector<16xi32>
        %eq3A_766 = vector.broadcast %add3A_77 : i32 to vector<16xi32>
        %eq3A_767 = arith.cmpi eq, %get3A_765, %eq3A_766 : vector<16xi32>
        %jit3A_768 = arith.constant 1.000000e+00 : f32
        %jit3A_769 = arith.constant 0.000000e+00 : f32
        %broadcast_in_dim3A_770 = vector.broadcast %jit3A_768 : f32 to vector<16xf32>
        %broadcast_in_dim3A_771 = vector.broadcast %jit3A_769 : f32 to vector<16xf32>
        %select_n3A_772 = arith.select %eq3A_767, %broadcast_in_dim3A_770, %broadcast_in_dim3A_771 : vector<16xi1>, vector<16xf32>
        %swap3A_773 = arith.index_cast %scan3A_75 : i32 to index
        %swap3A_774 = arith.constant 688 : index
        %swap3A_775 = tpu.vector_load %arg5[%swap3A_773, %swap3A_774] {strides = array<i32>} : memref<40x1024xf32, #tpu.memory_space<vmem>>, vector<1x16xf32>,
        %swap3A_776 = vector.shape_cast %swap3A_775 : vector<1x16xf32> to vector<16xf32>
        %swap3A_777 = vector.shape_cast %select_n3A_772 : vector<16xf32> to vector<1x16xf32>
        tpu.vector_store %arg5[%swap3A_773, %swap3A_774], %swap3A_777 {strides = array<i32>} : memref<40x1024xf32, #tpu.memory_space<vmem>>, vector<1x16xf32>,
        %get3A_778 = arith.index_cast %select_n3A_62 : i32 to index
        %get3A_779 = arith.constant 704 : index
        %get3A_780 = tpu.vector_load %arg4[%get3A_778, %get3A_779] {strides = array<i32>} : memref<26x1024xi32, #tpu.memory_space<vmem>>, vector<1x16xi32>,
        %get3A_781 = vector.shape_cast %get3A_780 : vector<1x16xi32> to vector<16xi32>
        %eq3A_782 = vector.broadcast %add3A_77 : i32 to vector<16xi32>
        %eq3A_783 = arith.cmpi eq, %get3A_781, %eq3A_782 : vector<16xi32>
        %jit3A_784 = arith.constant 1.000000e+00 : f32
        %jit3A_785 = arith.constant 0.000000e+00 : f32
        %broadcast_in_dim3A_786 = vector.broadcast %jit3A_784 : f32 to vector<16xf32>
        %broadcast_in_dim3A_787 = vector.broadcast %jit3A_785 : f32 to vector<16xf32>
        %select_n3A_788 = arith.select %eq3A_783, %broadcast_in_dim3A_786, %broadcast_in_dim3A_787 : vector<16xi1>, vector<16xf32>
        %swap3A_789 = arith.index_cast %scan3A_75 : i32 to index
        %swap3A_790 = arith.constant 704 : index
        %swap3A_791 = tpu.vector_load %arg5[%swap3A_789, %swap3A_790] {strides = array<i32>} : memref<40x1024xf32, #tpu.memory_space<vmem>>, vector<1x16xf32>,
        %swap3A_792 = vector.shape_cast %swap3A_791 : vector<1x16xf32> to vector<16xf32>
        %swap3A_793 = vector.shape_cast %select_n3A_788 : vector<16xf32> to vector<1x16xf32>
        tpu.vector_store %arg5[%swap3A_789, %swap3A_790], %swap3A_793 {strides = array<i32>} : memref<40x1024xf32, #tpu.memory_space<vmem>>, vector<1x16xf32>,
        %get3A_794 = arith.index_cast %select_n3A_62 : i32 to index
        %get3A_795 = arith.constant 720 : index
        %get3A_796 = tpu.vector_load %arg4[%get3A_794, %get3A_795] {strides = array<i32>} : memref<26x1024xi32, #tpu.memory_space<vmem>>, vector<1x16xi32>,
        %get3A_797 = vector.shape_cast %get3A_796 : vector<1x16xi32> to vector<16xi32>
        %eq3A_798 = vector.broadcast %add3A_77 : i32 to vector<16xi32>
        %eq3A_799 = arith.cmpi eq, %get3A_797, %eq3A_798 : vector<16xi32>
        %jit3A_800 = arith.constant 1.000000e+00 : f32
        %jit3A_801 = arith.constant 0.000000e+00 : f32
        %broadcast_in_dim3A_802 = vector.broadcast %jit3A_800 : f32 to vector<16xf32>
        %broadcast_in_dim3A_803 = vector.broadcast %jit3A_801 : f32 to vector<16xf32>
        %select_n3A_804 = arith.select %eq3A_799, %broadcast_in_dim3A_802, %broadcast_in_dim3A_803 : vector<16xi1>, vector<16xf32>
        %swap3A_805 = arith.index_cast %scan3A_75 : i32 to index
        %swap3A_806 = arith.constant 720 : index
        %swap3A_807 = tpu.vector_load %arg5[%swap3A_805, %swap3A_806] {strides = array<i32>} : memref<40x1024xf32, #tpu.memory_space<vmem>>, vector<1x16xf32>,
        %swap3A_808 = vector.shape_cast %swap3A_807 : vector<1x16xf32> to vector<16xf32>
        %swap3A_809 = vector.shape_cast %select_n3A_804 : vector<16xf32> to vector<1x16xf32>
        tpu.vector_store %arg5[%swap3A_805, %swap3A_806], %swap3A_809 {strides = array<i32>} : memref<40x1024xf32, #tpu.memory_space<vmem>>, vector<1x16xf32>,
        %get3A_810 = arith.index_cast %select_n3A_62 : i32 to index
        %get3A_811 = arith.constant 736 : index
        %get3A_812 = tpu.vector_load %arg4[%get3A_810, %get3A_811] {strides = array<i32>} : memref<26x1024xi32, #tpu.memory_space<vmem>>, vector<1x16xi32>,
        %get3A_813 = vector.shape_cast %get3A_812 : vector<1x16xi32> to vector<16xi32>
        %eq3A_814 = vector.broadcast %add3A_77 : i32 to vector<16xi32>
        %eq3A_815 = arith.cmpi eq, %get3A_813, %eq3A_814 : vector<16xi32>
        %jit3A_816 = arith.constant 1.000000e+00 : f32
        %jit3A_817 = arith.constant 0.000000e+00 : f32
        %broadcast_in_dim3A_818 = vector.broadcast %jit3A_816 : f32 to vector<16xf32>
        %broadcast_in_dim3A_819 = vector.broadcast %jit3A_817 : f32 to vector<16xf32>
        %select_n3A_820 = arith.select %eq3A_815, %broadcast_in_dim3A_818, %broadcast_in_dim3A_819 : vector<16xi1>, vector<16xf32>
        %swap3A_821 = arith.index_cast %scan3A_75 : i32 to index
        %swap3A_822 = arith.constant 736 : index
        %swap3A_823 = tpu.vector_load %arg5[%swap3A_821, %swap3A_822] {strides = array<i32>} : memref<40x1024xf32, #tpu.memory_space<vmem>>, vector<1x16xf32>,
        %swap3A_824 = vector.shape_cast %swap3A_823 : vector<1x16xf32> to vector<16xf32>
        %swap3A_825 = vector.shape_cast %select_n3A_820 : vector<16xf32> to vector<1x16xf32>
        tpu.vector_store %arg5[%swap3A_821, %swap3A_822], %swap3A_825 {strides = array<i32>} : memref<40x1024xf32, #tpu.memory_space<vmem>>, vector<1x16xf32>,
        %get3A_826 = arith.index_cast %select_n3A_62 : i32 to index
        %get3A_827 = arith.constant 752 : index
        %get3A_828 = tpu.vector_load %arg4[%get3A_826, %get3A_827] {strides = array<i32>} : memref<26x1024xi32, #tpu.memory_space<vmem>>, vector<1x16xi32>,
        %get3A_829 = vector.shape_cast %get3A_828 : vector<1x16xi32> to vector<16xi32>
        %eq3A_830 = vector.broadcast %add3A_77 : i32 to vector<16xi32>
        %eq3A_831 = arith.cmpi eq, %get3A_829, %eq3A_830 : vector<16xi32>
        %jit3A_832 = arith.constant 1.000000e+00 : f32
        %jit3A_833 = arith.constant 0.000000e+00 : f32
        %broadcast_in_dim3A_834 = vector.broadcast %jit3A_832 : f32 to vector<16xf32>
        %broadcast_in_dim3A_835 = vector.broadcast %jit3A_833 : f32 to vector<16xf32>
        %select_n3A_836 = arith.select %eq3A_831, %broadcast_in_dim3A_834, %broadcast_in_dim3A_835 : vector<16xi1>, vector<16xf32>
        %swap3A_837 = arith.index_cast %scan3A_75 : i32 to index
        %swap3A_838 = arith.constant 752 : index
        %swap3A_839 = tpu.vector_load %arg5[%swap3A_837, %swap3A_838] {strides = array<i32>} : memref<40x1024xf32, #tpu.memory_space<vmem>>, vector<1x16xf32>,
        %swap3A_840 = vector.shape_cast %swap3A_839 : vector<1x16xf32> to vector<16xf32>
        %swap3A_841 = vector.shape_cast %select_n3A_836 : vector<16xf32> to vector<1x16xf32>
        tpu.vector_store %arg5[%swap3A_837, %swap3A_838], %swap3A_841 {strides = array<i32>} : memref<40x1024xf32, #tpu.memory_space<vmem>>, vector<1x16xf32>,
        %get3A_842 = arith.index_cast %select_n3A_62 : i32 to index
        %get3A_843 = arith.constant 768 : index
        %get3A_844 = tpu.vector_load %arg4[%get3A_842, %get3A_843] {strides = array<i32>} : memref<26x1024xi32, #tpu.memory_space<vmem>>, vector<1x16xi32>,
        %get3A_845 = vector.shape_cast %get3A_844 : vector<1x16xi32> to vector<16xi32>
        %eq3A_846 = vector.broadcast %add3A_77 : i32 to vector<16xi32>
        %eq3A_847 = arith.cmpi eq, %get3A_845, %eq3A_846 : vector<16xi32>
        %jit3A_848 = arith.constant 1.000000e+00 : f32
        %jit3A_849 = arith.constant 0.000000e+00 : f32
        %broadcast_in_dim3A_850 = vector.broadcast %jit3A_848 : f32 to vector<16xf32>
        %broadcast_in_dim3A_851 = vector.broadcast %jit3A_849 : f32 to vector<16xf32>
        %select_n3A_852 = arith.select %eq3A_847, %broadcast_in_dim3A_850, %broadcast_in_dim3A_851 : vector<16xi1>, vector<16xf32>
        %swap3A_853 = arith.index_cast %scan3A_75 : i32 to index
        %swap3A_854 = arith.constant 768 : index
        %swap3A_855 = tpu.vector_load %arg5[%swap3A_853, %swap3A_854] {strides = array<i32>} : memref<40x1024xf32, #tpu.memory_space<vmem>>, vector<1x16xf32>,
        %swap3A_856 = vector.shape_cast %swap3A_855 : vector<1x16xf32> to vector<16xf32>
        %swap3A_857 = vector.shape_cast %select_n3A_852 : vector<16xf32> to vector<1x16xf32>
        tpu.vector_store %arg5[%swap3A_853, %swap3A_854], %swap3A_857 {strides = array<i32>} : memref<40x1024xf32, #tpu.memory_space<vmem>>, vector<1x16xf32>,
        %get3A_858 = arith.index_cast %select_n3A_62 : i32 to index
        %get3A_859 = arith.constant 784 : index
        %get3A_860 = tpu.vector_load %arg4[%get3A_858, %get3A_859] {strides = array<i32>} : memref<26x1024xi32, #tpu.memory_space<vmem>>, vector<1x16xi32>,
        %get3A_861 = vector.shape_cast %get3A_860 : vector<1x16xi32> to vector<16xi32>
        %eq3A_862 = vector.broadcast %add3A_77 : i32 to vector<16xi32>
        %eq3A_863 = arith.cmpi eq, %get3A_861, %eq3A_862 : vector<16xi32>
        %jit3A_864 = arith.constant 1.000000e+00 : f32
        %jit3A_865 = arith.constant 0.000000e+00 : f32
        %broadcast_in_dim3A_866 = vector.broadcast %jit3A_864 : f32 to vector<16xf32>
        %broadcast_in_dim3A_867 = vector.broadcast %jit3A_865 : f32 to vector<16xf32>
        %select_n3A_868 = arith.select %eq3A_863, %broadcast_in_dim3A_866, %broadcast_in_dim3A_867 : vector<16xi1>, vector<16xf32>
        %swap3A_869 = arith.index_cast %scan3A_75 : i32 to index
        %swap3A_870 = arith.constant 784 : index
        %swap3A_871 = tpu.vector_load %arg5[%swap3A_869, %swap3A_870] {strides = array<i32>} : memref<40x1024xf32, #tpu.memory_space<vmem>>, vector<1x16xf32>,
        %swap3A_872 = vector.shape_cast %swap3A_871 : vector<1x16xf32> to vector<16xf32>
        %swap3A_873 = vector.shape_cast %select_n3A_868 : vector<16xf32> to vector<1x16xf32>
        tpu.vector_store %arg5[%swap3A_869, %swap3A_870], %swap3A_873 {strides = array<i32>} : memref<40x1024xf32, #tpu.memory_space<vmem>>, vector<1x16xf32>,
        %get3A_874 = arith.index_cast %select_n3A_62 : i32 to index
        %get3A_875 = arith.constant 800 : index
        %get3A_876 = tpu.vector_load %arg4[%get3A_874, %get3A_875] {strides = array<i32>} : memref<26x1024xi32, #tpu.memory_space<vmem>>, vector<1x16xi32>,
        %get3A_877 = vector.shape_cast %get3A_876 : vector<1x16xi32> to vector<16xi32>
        %eq3A_878 = vector.broadcast %add3A_77 : i32 to vector<16xi32>
        %eq3A_879 = arith.cmpi eq, %get3A_877, %eq3A_878 : vector<16xi32>
        %jit3A_880 = arith.constant 1.000000e+00 : f32
        %jit3A_881 = arith.constant 0.000000e+00 : f32
        %broadcast_in_dim3A_882 = vector.broadcast %jit3A_880 : f32 to vector<16xf32>
        %broadcast_in_dim3A_883 = vector.broadcast %jit3A_881 : f32 to vector<16xf32>
        %select_n3A_884 = arith.select %eq3A_879, %broadcast_in_dim3A_882, %broadcast_in_dim3A_883 : vector<16xi1>, vector<16xf32>
        %swap3A_885 = arith.index_cast %scan3A_75 : i32 to index
        %swap3A_886 = arith.constant 800 : index
        %swap3A_887 = tpu.vector_load %arg5[%swap3A_885, %swap3A_886] {strides = array<i32>} : memref<40x1024xf32, #tpu.memory_space<vmem>>, vector<1x16xf32>,
        %swap3A_888 = vector.shape_cast %swap3A_887 : vector<1x16xf32> to vector<16xf32>
        %swap3A_889 = vector.shape_cast %select_n3A_884 : vector<16xf32> to vector<1x16xf32>
        tpu.vector_store %arg5[%swap3A_885, %swap3A_886], %swap3A_889 {strides = array<i32>} : memref<40x1024xf32, #tpu.memory_space<vmem>>, vector<1x16xf32>,
        %get3A_890 = arith.index_cast %select_n3A_62 : i32 to index
        %get3A_891 = arith.constant 816 : index
        %get3A_892 = tpu.vector_load %arg4[%get3A_890, %get3A_891] {strides = array<i32>} : memref<26x1024xi32, #tpu.memory_space<vmem>>, vector<1x16xi32>,
        %get3A_893 = vector.shape_cast %get3A_892 : vector<1x16xi32> to vector<16xi32>
        %eq3A_894 = vector.broadcast %add3A_77 : i32 to vector<16xi32>
        %eq3A_895 = arith.cmpi eq, %get3A_893, %eq3A_894 : vector<16xi32>
        %jit3A_896 = arith.constant 1.000000e+00 : f32
        %jit3A_897 = arith.constant 0.000000e+00 : f32
        %broadcast_in_dim3A_898 = vector.broadcast %jit3A_896 : f32 to vector<16xf32>
        %broadcast_in_dim3A_899 = vector.broadcast %jit3A_897 : f32 to vector<16xf32>
        %select_n3A_900 = arith.select %eq3A_895, %broadcast_in_dim3A_898, %broadcast_in_dim3A_899 : vector<16xi1>, vector<16xf32>
        %swap3A_901 = arith.index_cast %scan3A_75 : i32 to index
        %swap3A_902 = arith.constant 816 : index
        %swap3A_903 = tpu.vector_load %arg5[%swap3A_901, %swap3A_902] {strides = array<i32>} : memref<40x1024xf32, #tpu.memory_space<vmem>>, vector<1x16xf32>,
        %swap3A_904 = vector.shape_cast %swap3A_903 : vector<1x16xf32> to vector<16xf32>
        %swap3A_905 = vector.shape_cast %select_n3A_900 : vector<16xf32> to vector<1x16xf32>
        tpu.vector_store %arg5[%swap3A_901, %swap3A_902], %swap3A_905 {strides = array<i32>} : memref<40x1024xf32, #tpu.memory_space<vmem>>, vector<1x16xf32>,
        %get3A_906 = arith.index_cast %select_n3A_62 : i32 to index
        %get3A_907 = arith.constant 832 : index
        %get3A_908 = tpu.vector_load %arg4[%get3A_906, %get3A_907] {strides = array<i32>} : memref<26x1024xi32, #tpu.memory_space<vmem>>, vector<1x16xi32>,
        %get3A_909 = vector.shape_cast %get3A_908 : vector<1x16xi32> to vector<16xi32>
        %eq3A_910 = vector.broadcast %add3A_77 : i32 to vector<16xi32>
        %eq3A_911 = arith.cmpi eq, %get3A_909, %eq3A_910 : vector<16xi32>
        %jit3A_912 = arith.constant 1.000000e+00 : f32
        %jit3A_913 = arith.constant 0.000000e+00 : f32
        %broadcast_in_dim3A_914 = vector.broadcast %jit3A_912 : f32 to vector<16xf32>
        %broadcast_in_dim3A_915 = vector.broadcast %jit3A_913 : f32 to vector<16xf32>
        %select_n3A_916 = arith.select %eq3A_911, %broadcast_in_dim3A_914, %broadcast_in_dim3A_915 : vector<16xi1>, vector<16xf32>
        %swap3A_917 = arith.index_cast %scan3A_75 : i32 to index
        %swap3A_918 = arith.constant 832 : index
        %swap3A_919 = tpu.vector_load %arg5[%swap3A_917, %swap3A_918] {strides = array<i32>} : memref<40x1024xf32, #tpu.memory_space<vmem>>, vector<1x16xf32>,
        %swap3A_920 = vector.shape_cast %swap3A_919 : vector<1x16xf32> to vector<16xf32>
        %swap3A_921 = vector.shape_cast %select_n3A_916 : vector<16xf32> to vector<1x16xf32>
        tpu.vector_store %arg5[%swap3A_917, %swap3A_918], %swap3A_921 {strides = array<i32>} : memref<40x1024xf32, #tpu.memory_space<vmem>>, vector<1x16xf32>,
        %get3A_922 = arith.index_cast %select_n3A_62 : i32 to index
        %get3A_923 = arith.constant 848 : index
        %get3A_924 = tpu.vector_load %arg4[%get3A_922, %get3A_923] {strides = array<i32>} : memref<26x1024xi32, #tpu.memory_space<vmem>>, vector<1x16xi32>,
        %get3A_925 = vector.shape_cast %get3A_924 : vector<1x16xi32> to vector<16xi32>
        %eq3A_926 = vector.broadcast %add3A_77 : i32 to vector<16xi32>
        %eq3A_927 = arith.cmpi eq, %get3A_925, %eq3A_926 : vector<16xi32>
        %jit3A_928 = arith.constant 1.000000e+00 : f32
        %jit3A_929 = arith.constant 0.000000e+00 : f32
        %broadcast_in_dim3A_930 = vector.broadcast %jit3A_928 : f32 to vector<16xf32>
        %broadcast_in_dim3A_931 = vector.broadcast %jit3A_929 : f32 to vector<16xf32>
        %select_n3A_932 = arith.select %eq3A_927, %broadcast_in_dim3A_930, %broadcast_in_dim3A_931 : vector<16xi1>, vector<16xf32>
        %swap3A_933 = arith.index_cast %scan3A_75 : i32 to index
        %swap3A_934 = arith.constant 848 : index
        %swap3A_935 = tpu.vector_load %arg5[%swap3A_933, %swap3A_934] {strides = array<i32>} : memref<40x1024xf32, #tpu.memory_space<vmem>>, vector<1x16xf32>,
        %swap3A_936 = vector.shape_cast %swap3A_935 : vector<1x16xf32> to vector<16xf32>
        %swap3A_937 = vector.shape_cast %select_n3A_932 : vector<16xf32> to vector<1x16xf32>
        tpu.vector_store %arg5[%swap3A_933, %swap3A_934], %swap3A_937 {strides = array<i32>} : memref<40x1024xf32, #tpu.memory_space<vmem>>, vector<1x16xf32>,
        %get3A_938 = arith.index_cast %select_n3A_62 : i32 to index
        %get3A_939 = arith.constant 864 : index
        %get3A_940 = tpu.vector_load %arg4[%get3A_938, %get3A_939] {strides = array<i32>} : memref<26x1024xi32, #tpu.memory_space<vmem>>, vector<1x16xi32>,
        %get3A_941 = vector.shape_cast %get3A_940 : vector<1x16xi32> to vector<16xi32>
        %eq3A_942 = vector.broadcast %add3A_77 : i32 to vector<16xi32>
        %eq3A_943 = arith.cmpi eq, %get3A_941, %eq3A_942 : vector<16xi32>
        %jit3A_944 = arith.constant 1.000000e+00 : f32
        %jit3A_945 = arith.constant 0.000000e+00 : f32
        %broadcast_in_dim3A_946 = vector.broadcast %jit3A_944 : f32 to vector<16xf32>
        %broadcast_in_dim3A_947 = vector.broadcast %jit3A_945 : f32 to vector<16xf32>
        %select_n3A_948 = arith.select %eq3A_943, %broadcast_in_dim3A_946, %broadcast_in_dim3A_947 : vector<16xi1>, vector<16xf32>
        %swap3A_949 = arith.index_cast %scan3A_75 : i32 to index
        %swap3A_950 = arith.constant 864 : index
        %swap3A_951 = tpu.vector_load %arg5[%swap3A_949, %swap3A_950] {strides = array<i32>} : memref<40x1024xf32, #tpu.memory_space<vmem>>, vector<1x16xf32>,
        %swap3A_952 = vector.shape_cast %swap3A_951 : vector<1x16xf32> to vector<16xf32>
        %swap3A_953 = vector.shape_cast %select_n3A_948 : vector<16xf32> to vector<1x16xf32>
        tpu.vector_store %arg5[%swap3A_949, %swap3A_950], %swap3A_953 {strides = array<i32>} : memref<40x1024xf32, #tpu.memory_space<vmem>>, vector<1x16xf32>,
        %get3A_954 = arith.index_cast %select_n3A_62 : i32 to index
        %get3A_955 = arith.constant 880 : index
        %get3A_956 = tpu.vector_load %arg4[%get3A_954, %get3A_955] {strides = array<i32>} : memref<26x1024xi32, #tpu.memory_space<vmem>>, vector<1x16xi32>,
        %get3A_957 = vector.shape_cast %get3A_956 : vector<1x16xi32> to vector<16xi32>
        %eq3A_958 = vector.broadcast %add3A_77 : i32 to vector<16xi32>
        %eq3A_959 = arith.cmpi eq, %get3A_957, %eq3A_958 : vector<16xi32>
        %jit3A_960 = arith.constant 1.000000e+00 : f32
        %jit3A_961 = arith.constant 0.000000e+00 : f32
        %broadcast_in_dim3A_962 = vector.broadcast %jit3A_960 : f32 to vector<16xf32>
        %broadcast_in_dim3A_963 = vector.broadcast %jit3A_961 : f32 to vector<16xf32>
        %select_n3A_964 = arith.select %eq3A_959, %broadcast_in_dim3A_962, %broadcast_in_dim3A_963 : vector<16xi1>, vector<16xf32>
        %swap3A_965 = arith.index_cast %scan3A_75 : i32 to index
        %swap3A_966 = arith.constant 880 : index
        %swap3A_967 = tpu.vector_load %arg5[%swap3A_965, %swap3A_966] {strides = array<i32>} : memref<40x1024xf32, #tpu.memory_space<vmem>>, vector<1x16xf32>,
        %swap3A_968 = vector.shape_cast %swap3A_967 : vector<1x16xf32> to vector<16xf32>
        %swap3A_969 = vector.shape_cast %select_n3A_964 : vector<16xf32> to vector<1x16xf32>
        tpu.vector_store %arg5[%swap3A_965, %swap3A_966], %swap3A_969 {strides = array<i32>} : memref<40x1024xf32, #tpu.memory_space<vmem>>, vector<1x16xf32>,
        %get3A_970 = arith.index_cast %select_n3A_62 : i32 to index
        %get3A_971 = arith.constant 896 : index
        %get3A_972 = tpu.vector_load %arg4[%get3A_970, %get3A_971] {strides = array<i32>} : memref<26x1024xi32, #tpu.memory_space<vmem>>, vector<1x16xi32>,
        %get3A_973 = vector.shape_cast %get3A_972 : vector<1x16xi32> to vector<16xi32>
        %eq3A_974 = vector.broadcast %add3A_77 : i32 to vector<16xi32>
        %eq3A_975 = arith.cmpi eq, %get3A_973, %eq3A_974 : vector<16xi32>
        %jit3A_976 = arith.constant 1.000000e+00 : f32
        %jit3A_977 = arith.constant 0.000000e+00 : f32
        %broadcast_in_dim3A_978 = vector.broadcast %jit3A_976 : f32 to vector<16xf32>
        %broadcast_in_dim3A_979 = vector.broadcast %jit3A_977 : f32 to vector<16xf32>
        %select_n3A_980 = arith.select %eq3A_975, %broadcast_in_dim3A_978, %broadcast_in_dim3A_979 : vector<16xi1>, vector<16xf32>
        %swap3A_981 = arith.index_cast %scan3A_75 : i32 to index
        %swap3A_982 = arith.constant 896 : index
        %swap3A_983 = tpu.vector_load %arg5[%swap3A_981, %swap3A_982] {strides = array<i32>} : memref<40x1024xf32, #tpu.memory_space<vmem>>, vector<1x16xf32>,
        %swap3A_984 = vector.shape_cast %swap3A_983 : vector<1x16xf32> to vector<16xf32>
        %swap3A_985 = vector.shape_cast %select_n3A_980 : vector<16xf32> to vector<1x16xf32>
        tpu.vector_store %arg5[%swap3A_981, %swap3A_982], %swap3A_985 {strides = array<i32>} : memref<40x1024xf32, #tpu.memory_space<vmem>>, vector<1x16xf32>,
        %get3A_986 = arith.index_cast %select_n3A_62 : i32 to index
        %get3A_987 = arith.constant 912 : index
        %get3A_988 = tpu.vector_load %arg4[%get3A_986, %get3A_987] {strides = array<i32>} : memref<26x1024xi32, #tpu.memory_space<vmem>>, vector<1x16xi32>,
        %get3A_989 = vector.shape_cast %get3A_988 : vector<1x16xi32> to vector<16xi32>
        %eq3A_990 = vector.broadcast %add3A_77 : i32 to vector<16xi32>
        %eq3A_991 = arith.cmpi eq, %get3A_989, %eq3A_990 : vector<16xi32>
        %jit3A_992 = arith.constant 1.000000e+00 : f32
        %jit3A_993 = arith.constant 0.000000e+00 : f32
        %broadcast_in_dim3A_994 = vector.broadcast %jit3A_992 : f32 to vector<16xf32>
        %broadcast_in_dim3A_995 = vector.broadcast %jit3A_993 : f32 to vector<16xf32>
        %select_n3A_996 = arith.select %eq3A_991, %broadcast_in_dim3A_994, %broadcast_in_dim3A_995 : vector<16xi1>, vector<16xf32>
        %swap3A_997 = arith.index_cast %scan3A_75 : i32 to index
        %swap3A_998 = arith.constant 912 : index
        %swap3A_999 = tpu.vector_load %arg5[%swap3A_997, %swap3A_998] {strides = array<i32>} : memref<40x1024xf32, #tpu.memory_space<vmem>>, vector<1x16xf32>,
        %swap3A_1000 = vector.shape_cast %swap3A_999 : vector<1x16xf32> to vector<16xf32>
        %swap3A_1001 = vector.shape_cast %select_n3A_996 : vector<16xf32> to vector<1x16xf32>
        tpu.vector_store %arg5[%swap3A_997, %swap3A_998], %swap3A_1001 {strides = array<i32>} : memref<40x1024xf32, #tpu.memory_space<vmem>>, vector<1x16xf32>,
        %get3A_1002 = arith.index_cast %select_n3A_62 : i32 to index
        %get3A_1003 = arith.constant 928 : index
        %get3A_1004 = tpu.vector_load %arg4[%get3A_1002, %get3A_1003] {strides = array<i32>} : memref<26x1024xi32, #tpu.memory_space<vmem>>, vector<1x16xi32>,
        %get3A_1005 = vector.shape_cast %get3A_1004 : vector<1x16xi32> to vector<16xi32>
        %eq3A_1006 = vector.broadcast %add3A_77 : i32 to vector<16xi32>
        %eq3A_1007 = arith.cmpi eq, %get3A_1005, %eq3A_1006 : vector<16xi32>
        %jit3A_1008 = arith.constant 1.000000e+00 : f32
        %jit3A_1009 = arith.constant 0.000000e+00 : f32
        %broadcast_in_dim3A_1010 = vector.broadcast %jit3A_1008 : f32 to vector<16xf32>
        %broadcast_in_dim3A_1011 = vector.broadcast %jit3A_1009 : f32 to vector<16xf32>
        %select_n3A_1012 = arith.select %eq3A_1007, %broadcast_in_dim3A_1010, %broadcast_in_dim3A_1011 : vector<16xi1>, vector<16xf32>
        %swap3A_1013 = arith.index_cast %scan3A_75 : i32 to index
        %swap3A_1014 = arith.constant 928 : index
        %swap3A_1015 = tpu.vector_load %arg5[%swap3A_1013, %swap3A_1014] {strides = array<i32>} : memref<40x1024xf32, #tpu.memory_space<vmem>>, vector<1x16xf32>,
        %swap3A_1016 = vector.shape_cast %swap3A_1015 : vector<1x16xf32> to vector<16xf32>
        %swap3A_1017 = vector.shape_cast %select_n3A_1012 : vector<16xf32> to vector<1x16xf32>
        tpu.vector_store %arg5[%swap3A_1013, %swap3A_1014], %swap3A_1017 {strides = array<i32>} : memref<40x1024xf32, #tpu.memory_space<vmem>>, vector<1x16xf32>,
        %get3A_1018 = arith.index_cast %select_n3A_62 : i32 to index
        %get3A_1019 = arith.constant 944 : index
        %get3A_1020 = tpu.vector_load %arg4[%get3A_1018, %get3A_1019] {strides = array<i32>} : memref<26x1024xi32, #tpu.memory_space<vmem>>, vector<1x16xi32>,
        %get3A_1021 = vector.shape_cast %get3A_1020 : vector<1x16xi32> to vector<16xi32>
        %eq3A_1022 = vector.broadcast %add3A_77 : i32 to vector<16xi32>
        %eq3A_1023 = arith.cmpi eq, %get3A_1021, %eq3A_1022 : vector<16xi32>
        %jit3A_1024 = arith.constant 1.000000e+00 : f32
        %jit3A_1025 = arith.constant 0.000000e+00 : f32
        %broadcast_in_dim3A_1026 = vector.broadcast %jit3A_1024 : f32 to vector<16xf32>
        %broadcast_in_dim3A_1027 = vector.broadcast %jit3A_1025 : f32 to vector<16xf32>
        %select_n3A_1028 = arith.select %eq3A_1023, %broadcast_in_dim3A_1026, %broadcast_in_dim3A_1027 : vector<16xi1>, vector<16xf32>
        %swap3A_1029 = arith.index_cast %scan3A_75 : i32 to index
        %swap3A_1030 = arith.constant 944 : index
        %swap3A_1031 = tpu.vector_load %arg5[%swap3A_1029, %swap3A_1030] {strides = array<i32>} : memref<40x1024xf32, #tpu.memory_space<vmem>>, vector<1x16xf32>,
        %swap3A_1032 = vector.shape_cast %swap3A_1031 : vector<1x16xf32> to vector<16xf32>
        %swap3A_1033 = vector.shape_cast %select_n3A_1028 : vector<16xf32> to vector<1x16xf32>
        tpu.vector_store %arg5[%swap3A_1029, %swap3A_1030], %swap3A_1033 {strides = array<i32>} : memref<40x1024xf32, #tpu.memory_space<vmem>>, vector<1x16xf32>,
        %get3A_1034 = arith.index_cast %select_n3A_62 : i32 to index
        %get3A_1035 = arith.constant 960 : index
        %get3A_1036 = tpu.vector_load %arg4[%get3A_1034, %get3A_1035] {strides = array<i32>} : memref<26x1024xi32, #tpu.memory_space<vmem>>, vector<1x16xi32>,
        %get3A_1037 = vector.shape_cast %get3A_1036 : vector<1x16xi32> to vector<16xi32>
        %eq3A_1038 = vector.broadcast %add3A_77 : i32 to vector<16xi32>
        %eq3A_1039 = arith.cmpi eq, %get3A_1037, %eq3A_1038 : vector<16xi32>
        %jit3A_1040 = arith.constant 1.000000e+00 : f32
        %jit3A_1041 = arith.constant 0.000000e+00 : f32
        %broadcast_in_dim3A_1042 = vector.broadcast %jit3A_1040 : f32 to vector<16xf32>
        %broadcast_in_dim3A_1043 = vector.broadcast %jit3A_1041 : f32 to vector<16xf32>
        %select_n3A_1044 = arith.select %eq3A_1039, %broadcast_in_dim3A_1042, %broadcast_in_dim3A_1043 : vector<16xi1>, vector<16xf32>
        %swap3A_1045 = arith.index_cast %scan3A_75 : i32 to index
        %swap3A_1046 = arith.constant 960 : index
        %swap3A_1047 = tpu.vector_load %arg5[%swap3A_1045, %swap3A_1046] {strides = array<i32>} : memref<40x1024xf32, #tpu.memory_space<vmem>>, vector<1x16xf32>,
        %swap3A_1048 = vector.shape_cast %swap3A_1047 : vector<1x16xf32> to vector<16xf32>
        %swap3A_1049 = vector.shape_cast %select_n3A_1044 : vector<16xf32> to vector<1x16xf32>
        tpu.vector_store %arg5[%swap3A_1045, %swap3A_1046], %swap3A_1049 {strides = array<i32>} : memref<40x1024xf32, #tpu.memory_space<vmem>>, vector<1x16xf32>,
        %get3A_1050 = arith.index_cast %select_n3A_62 : i32 to index
        %get3A_1051 = arith.constant 976 : index
        %get3A_1052 = tpu.vector_load %arg4[%get3A_1050, %get3A_1051] {strides = array<i32>} : memref<26x1024xi32, #tpu.memory_space<vmem>>, vector<1x16xi32>,
        %get3A_1053 = vector.shape_cast %get3A_1052 : vector<1x16xi32> to vector<16xi32>
        %eq3A_1054 = vector.broadcast %add3A_77 : i32 to vector<16xi32>
        %eq3A_1055 = arith.cmpi eq, %get3A_1053, %eq3A_1054 : vector<16xi32>
        %jit3A_1056 = arith.constant 1.000000e+00 : f32
        %jit3A_1057 = arith.constant 0.000000e+00 : f32
        %broadcast_in_dim3A_1058 = vector.broadcast %jit3A_1056 : f32 to vector<16xf32>
        %broadcast_in_dim3A_1059 = vector.broadcast %jit3A_1057 : f32 to vector<16xf32>
        %select_n3A_1060 = arith.select %eq3A_1055, %broadcast_in_dim3A_1058, %broadcast_in_dim3A_1059 : vector<16xi1>, vector<16xf32>
        %swap3A_1061 = arith.index_cast %scan3A_75 : i32 to index
        %swap3A_1062 = arith.constant 976 : index
        %swap3A_1063 = tpu.vector_load %arg5[%swap3A_1061, %swap3A_1062] {strides = array<i32>} : memref<40x1024xf32, #tpu.memory_space<vmem>>, vector<1x16xf32>,
        %swap3A_1064 = vector.shape_cast %swap3A_1063 : vector<1x16xf32> to vector<16xf32>
        %swap3A_1065 = vector.shape_cast %select_n3A_1060 : vector<16xf32> to vector<1x16xf32>
        tpu.vector_store %arg5[%swap3A_1061, %swap3A_1062], %swap3A_1065 {strides = array<i32>} : memref<40x1024xf32, #tpu.memory_space<vmem>>, vector<1x16xf32>,
        %get3A_1066 = arith.index_cast %select_n3A_62 : i32 to index
        %get3A_1067 = arith.constant 992 : index
        %get3A_1068 = tpu.vector_load %arg4[%get3A_1066, %get3A_1067] {strides = array<i32>} : memref<26x1024xi32, #tpu.memory_space<vmem>>, vector<1x16xi32>,
        %get3A_1069 = vector.shape_cast %get3A_1068 : vector<1x16xi32> to vector<16xi32>
        %eq3A_1070 = vector.broadcast %add3A_77 : i32 to vector<16xi32>
        %eq3A_1071 = arith.cmpi eq, %get3A_1069, %eq3A_1070 : vector<16xi32>
        %jit3A_1072 = arith.constant 1.000000e+00 : f32
        %jit3A_1073 = arith.constant 0.000000e+00 : f32
        %broadcast_in_dim3A_1074 = vector.broadcast %jit3A_1072 : f32 to vector<16xf32>
        %broadcast_in_dim3A_1075 = vector.broadcast %jit3A_1073 : f32 to vector<16xf32>
        %select_n3A_1076 = arith.select %eq3A_1071, %broadcast_in_dim3A_1074, %broadcast_in_dim3A_1075 : vector<16xi1>, vector<16xf32>
        %swap3A_1077 = arith.index_cast %scan3A_75 : i32 to index
        %swap3A_1078 = arith.constant 992 : index
        %swap3A_1079 = tpu.vector_load %arg5[%swap3A_1077, %swap3A_1078] {strides = array<i32>} : memref<40x1024xf32, #tpu.memory_space<vmem>>, vector<1x16xf32>,
        %swap3A_1080 = vector.shape_cast %swap3A_1079 : vector<1x16xf32> to vector<16xf32>
        %swap3A_1081 = vector.shape_cast %select_n3A_1076 : vector<16xf32> to vector<1x16xf32>
        tpu.vector_store %arg5[%swap3A_1077, %swap3A_1078], %swap3A_1081 {strides = array<i32>} : memref<40x1024xf32, #tpu.memory_space<vmem>>, vector<1x16xf32>,
        %get3A_1082 = arith.index_cast %select_n3A_62 : i32 to index
        %get3A_1083 = arith.constant 1008 : index
        %get3A_1084 = tpu.vector_load %arg4[%get3A_1082, %get3A_1083] {strides = array<i32>} : memref<26x1024xi32, #tpu.memory_space<vmem>>, vector<1x16xi32>,
        %get3A_1085 = vector.shape_cast %get3A_1084 : vector<1x16xi32> to vector<16xi32>
        %eq3A_1086 = vector.broadcast %add3A_77 : i32 to vector<16xi32>
        %eq3A_1087 = arith.cmpi eq, %get3A_1085, %eq3A_1086 : vector<16xi32>
        %jit3A_1088 = arith.constant 1.000000e+00 : f32
        %jit3A_1089 = arith.constant 0.000000e+00 : f32
        %broadcast_in_dim3A_1090 = vector.broadcast %jit3A_1088 : f32 to vector<16xf32>
        %broadcast_in_dim3A_1091 = vector.broadcast %jit3A_1089 : f32 to vector<16xf32>
        %select_n3A_1092 = arith.select %eq3A_1087, %broadcast_in_dim3A_1090, %broadcast_in_dim3A_1091 : vector<16xi1>, vector<16xf32>
        %swap3A_1093 = arith.index_cast %scan3A_75 : i32 to index
        %swap3A_1094 = arith.constant 1008 : index
        %swap3A_1095 = tpu.vector_load %arg5[%swap3A_1093, %swap3A_1094] {strides = array<i32>} : memref<40x1024xf32, #tpu.memory_space<vmem>>, vector<1x16xf32>,
        %swap3A_1096 = vector.shape_cast %swap3A_1095 : vector<1x16xf32> to vector<16xf32>
        %swap3A_1097 = vector.shape_cast %select_n3A_1092 : vector<16xf32> to vector<1x16xf32>
        tpu.vector_store %arg5[%swap3A_1093, %swap3A_1094], %swap3A_1097 {strides = array<i32>} : memref<40x1024xf32, #tpu.memory_space<vmem>>, vector<1x16xf32>,
        %scan3A_1098 = arith.constant 0 : i32
        scf.yield %scan3A_1098 : i32
      }
      %scan3A_73 = arith.constant 40 : i32
      "tpu.region"() ({
        %run_scoped3A = tpu.sem_alloc : memref<!tpu.dma_semaphore, #tpu.memory_space<semaphore_mem>>
        %dma_start3A = arith.constant 0 : i32
        %dma_start3A_75 = tpu.memref_slice %arg3[%select_n3A_62, %multiple_of3A, %dma_start3A] : memref<26x1000x1024xf32, #tpu.memory_space<hbm>> -> memref<1x40x1024xf32, #tpu.memory_space<hbm>>
        %dma_start3A_76 = tpu.memref_squeeze %dma_start3A_75 : memref<1x40x1024xf32, #tpu.memory_space<hbm>> -> memref<40x1024xf32, #tpu.memory_space<hbm>>
        %dma_start3A_77 = arith.constant 0 : i32
        %dma_start3A_78 = tpu.memref_slice %arg3[%select_n3A_62, %multiple_of3A, %dma_start3A_77] : memref<26x1000x1024xf32, #tpu.memory_space<hbm>> -> memref<1x40x1024xf32, #tpu.memory_space<hbm>>
        %dma_start3A_79 = tpu.memref_squeeze %dma_start3A_78 : memref<1x40x1024xf32, #tpu.memory_space<hbm>> -> memref<40x1024xf32, #tpu.memory_space<hbm>>
        tpu.enqueue_dma source(%arg5 : memref<40x1024xf32, #tpu.memory_space<vmem>>) target(%dma_start3A_79 : memref<40x1024xf32, #tpu.memory_space<hbm>>) target_semaphore(%run_scoped3A : memref<!tpu.dma_semaphore, #tpu.memory_space<semaphore_mem>>)
        %dma_wait3A = arith.constant 0 : i32
        %dma_wait3A_80 = tpu.memref_slice %arg3[%select_n3A_62, %multiple_of3A, %dma_wait3A] : memref<26x1000x1024xf32, #tpu.memory_space<hbm>> -> memref<1x40x1024xf32, #tpu.memory_space<hbm>>
        %dma_wait3A_81 = tpu.memref_squeeze %dma_wait3A_80 : memref<1x40x1024xf32, #tpu.memory_space<hbm>> -> memref<40x1024xf32, #tpu.memory_space<hbm>>
        %dma_wait3A_82 = arith.constant 0 : i32
        %dma_wait3A_83 = tpu.memref_slice %arg3[%select_n3A_62, %multiple_of3A, %dma_wait3A_82] : memref<26x1000x1024xf32, #tpu.memory_space<hbm>> -> memref<1x40x1024xf32, #tpu.memory_space<hbm>>
        %dma_wait3A_84 = tpu.memref_squeeze %dma_wait3A_83 : memref<1x40x1024xf32, #tpu.memory_space<hbm>> -> memref<40x1024xf32, #tpu.memory_space<hbm>>
        tpu.wait_dma2 semaphore(%run_scoped3A : memref<!tpu.dma_semaphore, #tpu.memory_space<semaphore_mem>>) src(%arg5 : memref<40x1024xf32, #tpu.memory_space<vmem>>) dst(%dma_wait3A_84 : memref<40x1024xf32, #tpu.memory_space<hbm>>)
        tpu.yield
      }) : () -> ()
      %while3A_74 = arith.constant 0 : i32
      scf.yield %while3A_74 : i32
    }
    %while3A_32 = arith.constant 1 : i32
    %while3A_33 = scf.for %while3A_34 = %while3A_29 to %while3A_25 step %while3A_32 iter_args(%while3A_35 = %while3A_31) -> (i32)  : i32 {
      %mul3A_36 = arith.constant 32 : i32
      %mul3A_37 = arith.muli %while3A_34, %mul3A_36 : i32
      %add3A_38 = arith.addi %add3A, %mul3A_37 : i32
      %jit3A_39 = arith.constant 25 : i32
      %div3A_40 = arith.divsi %add3A_38, %jit3A_39 : i32
      %sign3A_41 = arith.constant 0 : i32
      %sign3A_42 = arith.cmpi sgt, %add3A_38, %sign3A_41 : i32
      %sign3A_43 = arith.extui %sign3A_42 : i1 to i32
      %sign3A_44 = arith.constant 0 : i32
      %sign3A_45 = arith.cmpi slt, %add3A_38, %sign3A_44 : i32
      %sign3A_46 = arith.extui %sign3A_45 : i1 to i32
      %sign3A_47 = arith.subi %sign3A_43, %sign3A_46 : i32
      %sign3A_48 = arith.constant 0 : i32
      %sign3A_49 = arith.cmpi sgt, %jit3A_39, %sign3A_48 : i32
      %sign3A_50 = arith.extui %sign3A_49 : i1 to i32
      %sign3A_51 = arith.constant 0 : i32
      %sign3A_52 = arith.cmpi slt, %jit3A_39, %sign3A_51 : i32
      %sign3A_53 = arith.extui %sign3A_52 : i1 to i32
      %sign3A_54 = arith.subi %sign3A_50, %sign3A_53 : i32
      %ne3A_55 = arith.cmpi ne, %sign3A_47, %sign3A_54 : i32
      %rem3A_56 = arith.remsi %add3A_38, %jit3A_39 : i32
      %ne3A_57 = arith.constant 0 : i32
      %ne3A_58 = arith.cmpi ne, %rem3A_56, %ne3A_57 : i32
      %and3A_59 = arith.andi %ne3A_55, %ne3A_58 : i1
      %sub3A_60 = arith.constant 1 : i32
      %sub3A_61 = arith.subi %div3A_40, %sub3A_60 : i32
      %select_n3A_62 = arith.select %and3A_59, %sub3A_61, %div3A_40 : i32
      %mul3A_63 = arith.constant 25 : i32
      %mul3A_64 = arith.muli %select_n3A_62, %mul3A_63 : i32
      %sub3A_65 = arith.subi %add3A_38, %mul3A_64 : i32
      %mul3A_66 = arith.constant 40 : i32
      %mul3A_67 = arith.muli %sub3A_65, %mul3A_66 : i32
      %multiple_of3A = tpu.assume_multiple %mul3A_67, 40 : i32
      %scan3A = arith.constant 0 : i32
      %scan3A_68 = arith.constant 0 : i32
      %scan3A_69 = arith.constant 40 : i32
      %scan3A_70 = arith.addi %scan3A_68, %scan3A_69 : i32
      %scan3A_71 = arith.constant 1 : i32
      %scan3A_72 = scf.for %scan3A_75 = %scan3A_68 to %scan3A_70 step %scan3A_71 iter_args(%scan3A_76 = %scan3A) -> (i32)  : i32 {
        %add3A_77 = arith.addi %multiple_of3A, %scan3A_75 : i32
        %get3A = arith.index_cast %select_n3A_62 : i32 to index
        %get3A_78 = arith.constant 0 : index
        %get3A_79 = tpu.vector_load %arg4[%get3A, %get3A_78] {strides = array<i32>} : memref<26x1024xi32, #tpu.memory_space<vmem>>, vector<1x16xi32>,
        %get3A_80 = vector.shape_cast %get3A_79 : vector<1x16xi32> to vector<16xi32>
        %eq3A = vector.broadcast %add3A_77 : i32 to vector<16xi32>
        %eq3A_81 = arith.cmpi eq, %get3A_80, %eq3A : vector<16xi32>
        %jit3A_82 = arith.constant 1.000000e+00 : f32
        %jit3A_83 = arith.constant 0.000000e+00 : f32
        %broadcast_in_dim3A = vector.broadcast %jit3A_82 : f32 to vector<16xf32>
        %broadcast_in_dim3A_84 = vector.broadcast %jit3A_83 : f32 to vector<16xf32>
        %select_n3A_85 = arith.select %eq3A_81, %broadcast_in_dim3A, %broadcast_in_dim3A_84 : vector<16xi1>, vector<16xf32>
        %swap3A = arith.index_cast %scan3A_75 : i32 to index
        %swap3A_86 = arith.constant 0 : index
        %swap3A_87 = tpu.vector_load %arg5[%swap3A, %swap3A_86] {strides = array<i32>} : memref<40x1024xf32, #tpu.memory_space<vmem>>, vector<1x16xf32>,
        %swap3A_88 = vector.shape_cast %swap3A_87 : vector<1x16xf32> to vector<16xf32>
        %swap3A_89 = vector.shape_cast %select_n3A_85 : vector<16xf32> to vector<1x16xf32>
        tpu.vector_store %arg5[%swap3A, %swap3A_86], %swap3A_89 {strides = array<i32>} : memref<40x1024xf32, #tpu.memory_space<vmem>>, vector<1x16xf32>,
        %get3A_90 = arith.index_cast %select_n3A_62 : i32 to index
        %get3A_91 = arith.constant 16 : index
        %get3A_92 = tpu.vector_load %arg4[%get3A_90, %get3A_91] {strides = array<i32>} : memref<26x1024xi32, #tpu.memory_space<vmem>>, vector<1x16xi32>,
        %get3A_93 = vector.shape_cast %get3A_92 : vector<1x16xi32> to vector<16xi32>
        %eq3A_94 = vector.broadcast %add3A_77 : i32 to vector<16xi32>
        %eq3A_95 = arith.cmpi eq, %get3A_93, %eq3A_94 : vector<16xi32>
        %jit3A_96 = arith.constant 1.000000e+00 : f32
        %jit3A_97 = arith.constant 0.000000e+00 : f32
        %broadcast_in_dim3A_98 = vector.broadcast %jit3A_96 : f32 to vector<16xf32>
        %broadcast_in_dim3A_99 = vector.broadcast %jit3A_97 : f32 to vector<16xf32>
        %select_n3A_100 = arith.select %eq3A_95, %broadcast_in_dim3A_98, %broadcast_in_dim3A_99 : vector<16xi1>, vector<16xf32>
        %swap3A_101 = arith.index_cast %scan3A_75 : i32 to index
        %swap3A_102 = arith.constant 16 : index
        %swap3A_103 = tpu.vector_load %arg5[%swap3A_101, %swap3A_102] {strides = array<i32>} : memref<40x1024xf32, #tpu.memory_space<vmem>>, vector<1x16xf32>,
        %swap3A_104 = vector.shape_cast %swap3A_103 : vector<1x16xf32> to vector<16xf32>
        %swap3A_105 = vector.shape_cast %select_n3A_100 : vector<16xf32> to vector<1x16xf32>
        tpu.vector_store %arg5[%swap3A_101, %swap3A_102], %swap3A_105 {strides = array<i32>} : memref<40x1024xf32, #tpu.memory_space<vmem>>, vector<1x16xf32>,
        %get3A_106 = arith.index_cast %select_n3A_62 : i32 to index
        %get3A_107 = arith.constant 32 : index
        %get3A_108 = tpu.vector_load %arg4[%get3A_106, %get3A_107] {strides = array<i32>} : memref<26x1024xi32, #tpu.memory_space<vmem>>, vector<1x16xi32>,
        %get3A_109 = vector.shape_cast %get3A_108 : vector<1x16xi32> to vector<16xi32>
        %eq3A_110 = vector.broadcast %add3A_77 : i32 to vector<16xi32>
        %eq3A_111 = arith.cmpi eq, %get3A_109, %eq3A_110 : vector<16xi32>
        %jit3A_112 = arith.constant 1.000000e+00 : f32
        %jit3A_113 = arith.constant 0.000000e+00 : f32
        %broadcast_in_dim3A_114 = vector.broadcast %jit3A_112 : f32 to vector<16xf32>
        %broadcast_in_dim3A_115 = vector.broadcast %jit3A_113 : f32 to vector<16xf32>
        %select_n3A_116 = arith.select %eq3A_111, %broadcast_in_dim3A_114, %broadcast_in_dim3A_115 : vector<16xi1>, vector<16xf32>
        %swap3A_117 = arith.index_cast %scan3A_75 : i32 to index
        %swap3A_118 = arith.constant 32 : index
        %swap3A_119 = tpu.vector_load %arg5[%swap3A_117, %swap3A_118] {strides = array<i32>} : memref<40x1024xf32, #tpu.memory_space<vmem>>, vector<1x16xf32>,
        %swap3A_120 = vector.shape_cast %swap3A_119 : vector<1x16xf32> to vector<16xf32>
        %swap3A_121 = vector.shape_cast %select_n3A_116 : vector<16xf32> to vector<1x16xf32>
        tpu.vector_store %arg5[%swap3A_117, %swap3A_118], %swap3A_121 {strides = array<i32>} : memref<40x1024xf32, #tpu.memory_space<vmem>>, vector<1x16xf32>,
        %get3A_122 = arith.index_cast %select_n3A_62 : i32 to index
        %get3A_123 = arith.constant 48 : index
        %get3A_124 = tpu.vector_load %arg4[%get3A_122, %get3A_123] {strides = array<i32>} : memref<26x1024xi32, #tpu.memory_space<vmem>>, vector<1x16xi32>,
        %get3A_125 = vector.shape_cast %get3A_124 : vector<1x16xi32> to vector<16xi32>
        %eq3A_126 = vector.broadcast %add3A_77 : i32 to vector<16xi32>
        %eq3A_127 = arith.cmpi eq, %get3A_125, %eq3A_126 : vector<16xi32>
        %jit3A_128 = arith.constant 1.000000e+00 : f32
        %jit3A_129 = arith.constant 0.000000e+00 : f32
        %broadcast_in_dim3A_130 = vector.broadcast %jit3A_128 : f32 to vector<16xf32>
        %broadcast_in_dim3A_131 = vector.broadcast %jit3A_129 : f32 to vector<16xf32>
        %select_n3A_132 = arith.select %eq3A_127, %broadcast_in_dim3A_130, %broadcast_in_dim3A_131 : vector<16xi1>, vector<16xf32>
        %swap3A_133 = arith.index_cast %scan3A_75 : i32 to index
        %swap3A_134 = arith.constant 48 : index
        %swap3A_135 = tpu.vector_load %arg5[%swap3A_133, %swap3A_134] {strides = array<i32>} : memref<40x1024xf32, #tpu.memory_space<vmem>>, vector<1x16xf32>,
        %swap3A_136 = vector.shape_cast %swap3A_135 : vector<1x16xf32> to vector<16xf32>
        %swap3A_137 = vector.shape_cast %select_n3A_132 : vector<16xf32> to vector<1x16xf32>
        tpu.vector_store %arg5[%swap3A_133, %swap3A_134], %swap3A_137 {strides = array<i32>} : memref<40x1024xf32, #tpu.memory_space<vmem>>, vector<1x16xf32>,
        %get3A_138 = arith.index_cast %select_n3A_62 : i32 to index
        %get3A_139 = arith.constant 64 : index
        %get3A_140 = tpu.vector_load %arg4[%get3A_138, %get3A_139] {strides = array<i32>} : memref<26x1024xi32, #tpu.memory_space<vmem>>, vector<1x16xi32>,
        %get3A_141 = vector.shape_cast %get3A_140 : vector<1x16xi32> to vector<16xi32>
        %eq3A_142 = vector.broadcast %add3A_77 : i32 to vector<16xi32>
        %eq3A_143 = arith.cmpi eq, %get3A_141, %eq3A_142 : vector<16xi32>
        %jit3A_144 = arith.constant 1.000000e+00 : f32
        %jit3A_145 = arith.constant 0.000000e+00 : f32
        %broadcast_in_dim3A_146 = vector.broadcast %jit3A_144 : f32 to vector<16xf32>
        %broadcast_in_dim3A_147 = vector.broadcast %jit3A_145 : f32 to vector<16xf32>
        %select_n3A_148 = arith.select %eq3A_143, %broadcast_in_dim3A_146, %broadcast_in_dim3A_147 : vector<16xi1>, vector<16xf32>
        %swap3A_149 = arith.index_cast %scan3A_75 : i32 to index
        %swap3A_150 = arith.constant 64 : index
        %swap3A_151 = tpu.vector_load %arg5[%swap3A_149, %swap3A_150] {strides = array<i32>} : memref<40x1024xf32, #tpu.memory_space<vmem>>, vector<1x16xf32>,
        %swap3A_152 = vector.shape_cast %swap3A_151 : vector<1x16xf32> to vector<16xf32>
        %swap3A_153 = vector.shape_cast %select_n3A_148 : vector<16xf32> to vector<1x16xf32>
        tpu.vector_store %arg5[%swap3A_149, %swap3A_150], %swap3A_153 {strides = array<i32>} : memref<40x1024xf32, #tpu.memory_space<vmem>>, vector<1x16xf32>,
        %get3A_154 = arith.index_cast %select_n3A_62 : i32 to index
        %get3A_155 = arith.constant 80 : index
        %get3A_156 = tpu.vector_load %arg4[%get3A_154, %get3A_155] {strides = array<i32>} : memref<26x1024xi32, #tpu.memory_space<vmem>>, vector<1x16xi32>,
        %get3A_157 = vector.shape_cast %get3A_156 : vector<1x16xi32> to vector<16xi32>
        %eq3A_158 = vector.broadcast %add3A_77 : i32 to vector<16xi32>
        %eq3A_159 = arith.cmpi eq, %get3A_157, %eq3A_158 : vector<16xi32>
        %jit3A_160 = arith.constant 1.000000e+00 : f32
        %jit3A_161 = arith.constant 0.000000e+00 : f32
        %broadcast_in_dim3A_162 = vector.broadcast %jit3A_160 : f32 to vector<16xf32>
        %broadcast_in_dim3A_163 = vector.broadcast %jit3A_161 : f32 to vector<16xf32>
        %select_n3A_164 = arith.select %eq3A_159, %broadcast_in_dim3A_162, %broadcast_in_dim3A_163 : vector<16xi1>, vector<16xf32>
        %swap3A_165 = arith.index_cast %scan3A_75 : i32 to index
        %swap3A_166 = arith.constant 80 : index
        %swap3A_167 = tpu.vector_load %arg5[%swap3A_165, %swap3A_166] {strides = array<i32>} : memref<40x1024xf32, #tpu.memory_space<vmem>>, vector<1x16xf32>,
        %swap3A_168 = vector.shape_cast %swap3A_167 : vector<1x16xf32> to vector<16xf32>
        %swap3A_169 = vector.shape_cast %select_n3A_164 : vector<16xf32> to vector<1x16xf32>
        tpu.vector_store %arg5[%swap3A_165, %swap3A_166], %swap3A_169 {strides = array<i32>} : memref<40x1024xf32, #tpu.memory_space<vmem>>, vector<1x16xf32>,
        %get3A_170 = arith.index_cast %select_n3A_62 : i32 to index
        %get3A_171 = arith.constant 96 : index
        %get3A_172 = tpu.vector_load %arg4[%get3A_170, %get3A_171] {strides = array<i32>} : memref<26x1024xi32, #tpu.memory_space<vmem>>, vector<1x16xi32>,
        %get3A_173 = vector.shape_cast %get3A_172 : vector<1x16xi32> to vector<16xi32>
        %eq3A_174 = vector.broadcast %add3A_77 : i32 to vector<16xi32>
        %eq3A_175 = arith.cmpi eq, %get3A_173, %eq3A_174 : vector<16xi32>
        %jit3A_176 = arith.constant 1.000000e+00 : f32
        %jit3A_177 = arith.constant 0.000000e+00 : f32
        %broadcast_in_dim3A_178 = vector.broadcast %jit3A_176 : f32 to vector<16xf32>
        %broadcast_in_dim3A_179 = vector.broadcast %jit3A_177 : f32 to vector<16xf32>
        %select_n3A_180 = arith.select %eq3A_175, %broadcast_in_dim3A_178, %broadcast_in_dim3A_179 : vector<16xi1>, vector<16xf32>
        %swap3A_181 = arith.index_cast %scan3A_75 : i32 to index
        %swap3A_182 = arith.constant 96 : index
        %swap3A_183 = tpu.vector_load %arg5[%swap3A_181, %swap3A_182] {strides = array<i32>} : memref<40x1024xf32, #tpu.memory_space<vmem>>, vector<1x16xf32>,
        %swap3A_184 = vector.shape_cast %swap3A_183 : vector<1x16xf32> to vector<16xf32>
        %swap3A_185 = vector.shape_cast %select_n3A_180 : vector<16xf32> to vector<1x16xf32>
        tpu.vector_store %arg5[%swap3A_181, %swap3A_182], %swap3A_185 {strides = array<i32>} : memref<40x1024xf32, #tpu.memory_space<vmem>>, vector<1x16xf32>,
        %get3A_186 = arith.index_cast %select_n3A_62 : i32 to index
        %get3A_187 = arith.constant 112 : index
        %get3A_188 = tpu.vector_load %arg4[%get3A_186, %get3A_187] {strides = array<i32>} : memref<26x1024xi32, #tpu.memory_space<vmem>>, vector<1x16xi32>,
        %get3A_189 = vector.shape_cast %get3A_188 : vector<1x16xi32> to vector<16xi32>
        %eq3A_190 = vector.broadcast %add3A_77 : i32 to vector<16xi32>
        %eq3A_191 = arith.cmpi eq, %get3A_189, %eq3A_190 : vector<16xi32>
        %jit3A_192 = arith.constant 1.000000e+00 : f32
        %jit3A_193 = arith.constant 0.000000e+00 : f32
        %broadcast_in_dim3A_194 = vector.broadcast %jit3A_192 : f32 to vector<16xf32>
        %broadcast_in_dim3A_195 = vector.broadcast %jit3A_193 : f32 to vector<16xf32>
        %select_n3A_196 = arith.select %eq3A_191, %broadcast_in_dim3A_194, %broadcast_in_dim3A_195 : vector<16xi1>, vector<16xf32>
        %swap3A_197 = arith.index_cast %scan3A_75 : i32 to index
        %swap3A_198 = arith.constant 112 : index
        %swap3A_199 = tpu.vector_load %arg5[%swap3A_197, %swap3A_198] {strides = array<i32>} : memref<40x1024xf32, #tpu.memory_space<vmem>>, vector<1x16xf32>,
        %swap3A_200 = vector.shape_cast %swap3A_199 : vector<1x16xf32> to vector<16xf32>
        %swap3A_201 = vector.shape_cast %select_n3A_196 : vector<16xf32> to vector<1x16xf32>
        tpu.vector_store %arg5[%swap3A_197, %swap3A_198], %swap3A_201 {strides = array<i32>} : memref<40x1024xf32, #tpu.memory_space<vmem>>, vector<1x16xf32>,
        %get3A_202 = arith.index_cast %select_n3A_62 : i32 to index
        %get3A_203 = arith.constant 128 : index
        %get3A_204 = tpu.vector_load %arg4[%get3A_202, %get3A_203] {strides = array<i32>} : memref<26x1024xi32, #tpu.memory_space<vmem>>, vector<1x16xi32>,
        %get3A_205 = vector.shape_cast %get3A_204 : vector<1x16xi32> to vector<16xi32>
        %eq3A_206 = vector.broadcast %add3A_77 : i32 to vector<16xi32>
        %eq3A_207 = arith.cmpi eq, %get3A_205, %eq3A_206 : vector<16xi32>
        %jit3A_208 = arith.constant 1.000000e+00 : f32
        %jit3A_209 = arith.constant 0.000000e+00 : f32
        %broadcast_in_dim3A_210 = vector.broadcast %jit3A_208 : f32 to vector<16xf32>
        %broadcast_in_dim3A_211 = vector.broadcast %jit3A_209 : f32 to vector<16xf32>
        %select_n3A_212 = arith.select %eq3A_207, %broadcast_in_dim3A_210, %broadcast_in_dim3A_211 : vector<16xi1>, vector<16xf32>
        %swap3A_213 = arith.index_cast %scan3A_75 : i32 to index
        %swap3A_214 = arith.constant 128 : index
        %swap3A_215 = tpu.vector_load %arg5[%swap3A_213, %swap3A_214] {strides = array<i32>} : memref<40x1024xf32, #tpu.memory_space<vmem>>, vector<1x16xf32>,
        %swap3A_216 = vector.shape_cast %swap3A_215 : vector<1x16xf32> to vector<16xf32>
        %swap3A_217 = vector.shape_cast %select_n3A_212 : vector<16xf32> to vector<1x16xf32>
        tpu.vector_store %arg5[%swap3A_213, %swap3A_214], %swap3A_217 {strides = array<i32>} : memref<40x1024xf32, #tpu.memory_space<vmem>>, vector<1x16xf32>,
        %get3A_218 = arith.index_cast %select_n3A_62 : i32 to index
        %get3A_219 = arith.constant 144 : index
        %get3A_220 = tpu.vector_load %arg4[%get3A_218, %get3A_219] {strides = array<i32>} : memref<26x1024xi32, #tpu.memory_space<vmem>>, vector<1x16xi32>,
        %get3A_221 = vector.shape_cast %get3A_220 : vector<1x16xi32> to vector<16xi32>
        %eq3A_222 = vector.broadcast %add3A_77 : i32 to vector<16xi32>
        %eq3A_223 = arith.cmpi eq, %get3A_221, %eq3A_222 : vector<16xi32>
        %jit3A_224 = arith.constant 1.000000e+00 : f32
        %jit3A_225 = arith.constant 0.000000e+00 : f32
        %broadcast_in_dim3A_226 = vector.broadcast %jit3A_224 : f32 to vector<16xf32>
        %broadcast_in_dim3A_227 = vector.broadcast %jit3A_225 : f32 to vector<16xf32>
        %select_n3A_228 = arith.select %eq3A_223, %broadcast_in_dim3A_226, %broadcast_in_dim3A_227 : vector<16xi1>, vector<16xf32>
        %swap3A_229 = arith.index_cast %scan3A_75 : i32 to index
        %swap3A_230 = arith.constant 144 : index
        %swap3A_231 = tpu.vector_load %arg5[%swap3A_229, %swap3A_230] {strides = array<i32>} : memref<40x1024xf32, #tpu.memory_space<vmem>>, vector<1x16xf32>,
        %swap3A_232 = vector.shape_cast %swap3A_231 : vector<1x16xf32> to vector<16xf32>
        %swap3A_233 = vector.shape_cast %select_n3A_228 : vector<16xf32> to vector<1x16xf32>
        tpu.vector_store %arg5[%swap3A_229, %swap3A_230], %swap3A_233 {strides = array<i32>} : memref<40x1024xf32, #tpu.memory_space<vmem>>, vector<1x16xf32>,
        %get3A_234 = arith.index_cast %select_n3A_62 : i32 to index
        %get3A_235 = arith.constant 160 : index
        %get3A_236 = tpu.vector_load %arg4[%get3A_234, %get3A_235] {strides = array<i32>} : memref<26x1024xi32, #tpu.memory_space<vmem>>, vector<1x16xi32>,
        %get3A_237 = vector.shape_cast %get3A_236 : vector<1x16xi32> to vector<16xi32>
        %eq3A_238 = vector.broadcast %add3A_77 : i32 to vector<16xi32>
        %eq3A_239 = arith.cmpi eq, %get3A_237, %eq3A_238 : vector<16xi32>
        %jit3A_240 = arith.constant 1.000000e+00 : f32
        %jit3A_241 = arith.constant 0.000000e+00 : f32
        %broadcast_in_dim3A_242 = vector.broadcast %jit3A_240 : f32 to vector<16xf32>
        %broadcast_in_dim3A_243 = vector.broadcast %jit3A_241 : f32 to vector<16xf32>
        %select_n3A_244 = arith.select %eq3A_239, %broadcast_in_dim3A_242, %broadcast_in_dim3A_243 : vector<16xi1>, vector<16xf32>
        %swap3A_245 = arith.index_cast %scan3A_75 : i32 to index
        %swap3A_246 = arith.constant 160 : index
        %swap3A_247 = tpu.vector_load %arg5[%swap3A_245, %swap3A_246] {strides = array<i32>} : memref<40x1024xf32, #tpu.memory_space<vmem>>, vector<1x16xf32>,
        %swap3A_248 = vector.shape_cast %swap3A_247 : vector<1x16xf32> to vector<16xf32>
        %swap3A_249 = vector.shape_cast %select_n3A_244 : vector<16xf32> to vector<1x16xf32>
        tpu.vector_store %arg5[%swap3A_245, %swap3A_246], %swap3A_249 {strides = array<i32>} : memref<40x1024xf32, #tpu.memory_space<vmem>>, vector<1x16xf32>,
        %get3A_250 = arith.index_cast %select_n3A_62 : i32 to index
        %get3A_251 = arith.constant 176 : index
        %get3A_252 = tpu.vector_load %arg4[%get3A_250, %get3A_251] {strides = array<i32>} : memref<26x1024xi32, #tpu.memory_space<vmem>>, vector<1x16xi32>,
        %get3A_253 = vector.shape_cast %get3A_252 : vector<1x16xi32> to vector<16xi32>
        %eq3A_254 = vector.broadcast %add3A_77 : i32 to vector<16xi32>
        %eq3A_255 = arith.cmpi eq, %get3A_253, %eq3A_254 : vector<16xi32>
        %jit3A_256 = arith.constant 1.000000e+00 : f32
        %jit3A_257 = arith.constant 0.000000e+00 : f32
        %broadcast_in_dim3A_258 = vector.broadcast %jit3A_256 : f32 to vector<16xf32>
        %broadcast_in_dim3A_259 = vector.broadcast %jit3A_257 : f32 to vector<16xf32>
        %select_n3A_260 = arith.select %eq3A_255, %broadcast_in_dim3A_258, %broadcast_in_dim3A_259 : vector<16xi1>, vector<16xf32>
        %swap3A_261 = arith.index_cast %scan3A_75 : i32 to index
        %swap3A_262 = arith.constant 176 : index
        %swap3A_263 = tpu.vector_load %arg5[%swap3A_261, %swap3A_262] {strides = array<i32>} : memref<40x1024xf32, #tpu.memory_space<vmem>>, vector<1x16xf32>,
        %swap3A_264 = vector.shape_cast %swap3A_263 : vector<1x16xf32> to vector<16xf32>
        %swap3A_265 = vector.shape_cast %select_n3A_260 : vector<16xf32> to vector<1x16xf32>
        tpu.vector_store %arg5[%swap3A_261, %swap3A_262], %swap3A_265 {strides = array<i32>} : memref<40x1024xf32, #tpu.memory_space<vmem>>, vector<1x16xf32>,
        %get3A_266 = arith.index_cast %select_n3A_62 : i32 to index
        %get3A_267 = arith.constant 192 : index
        %get3A_268 = tpu.vector_load %arg4[%get3A_266, %get3A_267] {strides = array<i32>} : memref<26x1024xi32, #tpu.memory_space<vmem>>, vector<1x16xi32>,
        %get3A_269 = vector.shape_cast %get3A_268 : vector<1x16xi32> to vector<16xi32>
        %eq3A_270 = vector.broadcast %add3A_77 : i32 to vector<16xi32>
        %eq3A_271 = arith.cmpi eq, %get3A_269, %eq3A_270 : vector<16xi32>
        %jit3A_272 = arith.constant 1.000000e+00 : f32
        %jit3A_273 = arith.constant 0.000000e+00 : f32
        %broadcast_in_dim3A_274 = vector.broadcast %jit3A_272 : f32 to vector<16xf32>
        %broadcast_in_dim3A_275 = vector.broadcast %jit3A_273 : f32 to vector<16xf32>
        %select_n3A_276 = arith.select %eq3A_271, %broadcast_in_dim3A_274, %broadcast_in_dim3A_275 : vector<16xi1>, vector<16xf32>
        %swap3A_277 = arith.index_cast %scan3A_75 : i32 to index
        %swap3A_278 = arith.constant 192 : index
        %swap3A_279 = tpu.vector_load %arg5[%swap3A_277, %swap3A_278] {strides = array<i32>} : memref<40x1024xf32, #tpu.memory_space<vmem>>, vector<1x16xf32>,
        %swap3A_280 = vector.shape_cast %swap3A_279 : vector<1x16xf32> to vector<16xf32>
        %swap3A_281 = vector.shape_cast %select_n3A_276 : vector<16xf32> to vector<1x16xf32>
        tpu.vector_store %arg5[%swap3A_277, %swap3A_278], %swap3A_281 {strides = array<i32>} : memref<40x1024xf32, #tpu.memory_space<vmem>>, vector<1x16xf32>,
        %get3A_282 = arith.index_cast %select_n3A_62 : i32 to index
        %get3A_283 = arith.constant 208 : index
        %get3A_284 = tpu.vector_load %arg4[%get3A_282, %get3A_283] {strides = array<i32>} : memref<26x1024xi32, #tpu.memory_space<vmem>>, vector<1x16xi32>,
        %get3A_285 = vector.shape_cast %get3A_284 : vector<1x16xi32> to vector<16xi32>
        %eq3A_286 = vector.broadcast %add3A_77 : i32 to vector<16xi32>
        %eq3A_287 = arith.cmpi eq, %get3A_285, %eq3A_286 : vector<16xi32>
        %jit3A_288 = arith.constant 1.000000e+00 : f32
        %jit3A_289 = arith.constant 0.000000e+00 : f32
        %broadcast_in_dim3A_290 = vector.broadcast %jit3A_288 : f32 to vector<16xf32>
        %broadcast_in_dim3A_291 = vector.broadcast %jit3A_289 : f32 to vector<16xf32>
        %select_n3A_292 = arith.select %eq3A_287, %broadcast_in_dim3A_290, %broadcast_in_dim3A_291 : vector<16xi1>, vector<16xf32>
        %swap3A_293 = arith.index_cast %scan3A_75 : i32 to index
        %swap3A_294 = arith.constant 208 : index
        %swap3A_295 = tpu.vector_load %arg5[%swap3A_293, %swap3A_294] {strides = array<i32>} : memref<40x1024xf32, #tpu.memory_space<vmem>>, vector<1x16xf32>,
        %swap3A_296 = vector.shape_cast %swap3A_295 : vector<1x16xf32> to vector<16xf32>
        %swap3A_297 = vector.shape_cast %select_n3A_292 : vector<16xf32> to vector<1x16xf32>
        tpu.vector_store %arg5[%swap3A_293, %swap3A_294], %swap3A_297 {strides = array<i32>} : memref<40x1024xf32, #tpu.memory_space<vmem>>, vector<1x16xf32>,
        %get3A_298 = arith.index_cast %select_n3A_62 : i32 to index
        %get3A_299 = arith.constant 224 : index
        %get3A_300 = tpu.vector_load %arg4[%get3A_298, %get3A_299] {strides = array<i32>} : memref<26x1024xi32, #tpu.memory_space<vmem>>, vector<1x16xi32>,
        %get3A_301 = vector.shape_cast %get3A_300 : vector<1x16xi32> to vector<16xi32>
        %eq3A_302 = vector.broadcast %add3A_77 : i32 to vector<16xi32>
        %eq3A_303 = arith.cmpi eq, %get3A_301, %eq3A_302 : vector<16xi32>
        %jit3A_304 = arith.constant 1.000000e+00 : f32
        %jit3A_305 = arith.constant 0.000000e+00 : f32
        %broadcast_in_dim3A_306 = vector.broadcast %jit3A_304 : f32 to vector<16xf32>
        %broadcast_in_dim3A_307 = vector.broadcast %jit3A_305 : f32 to vector<16xf32>
        %select_n3A_308 = arith.select %eq3A_303, %broadcast_in_dim3A_306, %broadcast_in_dim3A_307 : vector<16xi1>, vector<16xf32>
        %swap3A_309 = arith.index_cast %scan3A_75 : i32 to index
        %swap3A_310 = arith.constant 224 : index
        %swap3A_311 = tpu.vector_load %arg5[%swap3A_309, %swap3A_310] {strides = array<i32>} : memref<40x1024xf32, #tpu.memory_space<vmem>>, vector<1x16xf32>,
        %swap3A_312 = vector.shape_cast %swap3A_311 : vector<1x16xf32> to vector<16xf32>
        %swap3A_313 = vector.shape_cast %select_n3A_308 : vector<16xf32> to vector<1x16xf32>
        tpu.vector_store %arg5[%swap3A_309, %swap3A_310], %swap3A_313 {strides = array<i32>} : memref<40x1024xf32, #tpu.memory_space<vmem>>, vector<1x16xf32>,
        %get3A_314 = arith.index_cast %select_n3A_62 : i32 to index
        %get3A_315 = arith.constant 240 : index
        %get3A_316 = tpu.vector_load %arg4[%get3A_314, %get3A_315] {strides = array<i32>} : memref<26x1024xi32, #tpu.memory_space<vmem>>, vector<1x16xi32>,
        %get3A_317 = vector.shape_cast %get3A_316 : vector<1x16xi32> to vector<16xi32>
        %eq3A_318 = vector.broadcast %add3A_77 : i32 to vector<16xi32>
        %eq3A_319 = arith.cmpi eq, %get3A_317, %eq3A_318 : vector<16xi32>
        %jit3A_320 = arith.constant 1.000000e+00 : f32
        %jit3A_321 = arith.constant 0.000000e+00 : f32
        %broadcast_in_dim3A_322 = vector.broadcast %jit3A_320 : f32 to vector<16xf32>
        %broadcast_in_dim3A_323 = vector.broadcast %jit3A_321 : f32 to vector<16xf32>
        %select_n3A_324 = arith.select %eq3A_319, %broadcast_in_dim3A_322, %broadcast_in_dim3A_323 : vector<16xi1>, vector<16xf32>
        %swap3A_325 = arith.index_cast %scan3A_75 : i32 to index
        %swap3A_326 = arith.constant 240 : index
        %swap3A_327 = tpu.vector_load %arg5[%swap3A_325, %swap3A_326] {strides = array<i32>} : memref<40x1024xf32, #tpu.memory_space<vmem>>, vector<1x16xf32>,
        %swap3A_328 = vector.shape_cast %swap3A_327 : vector<1x16xf32> to vector<16xf32>
        %swap3A_329 = vector.shape_cast %select_n3A_324 : vector<16xf32> to vector<1x16xf32>
        tpu.vector_store %arg5[%swap3A_325, %swap3A_326], %swap3A_329 {strides = array<i32>} : memref<40x1024xf32, #tpu.memory_space<vmem>>, vector<1x16xf32>,
        %get3A_330 = arith.index_cast %select_n3A_62 : i32 to index
        %get3A_331 = arith.constant 256 : index
        %get3A_332 = tpu.vector_load %arg4[%get3A_330, %get3A_331] {strides = array<i32>} : memref<26x1024xi32, #tpu.memory_space<vmem>>, vector<1x16xi32>,
        %get3A_333 = vector.shape_cast %get3A_332 : vector<1x16xi32> to vector<16xi32>
        %eq3A_334 = vector.broadcast %add3A_77 : i32 to vector<16xi32>
        %eq3A_335 = arith.cmpi eq, %get3A_333, %eq3A_334 : vector<16xi32>
        %jit3A_336 = arith.constant 1.000000e+00 : f32
        %jit3A_337 = arith.constant 0.000000e+00 : f32
        %broadcast_in_dim3A_338 = vector.broadcast %jit3A_336 : f32 to vector<16xf32>
        %broadcast_in_dim3A_339 = vector.broadcast %jit3A_337 : f32 to vector<16xf32>
        %select_n3A_340 = arith.select %eq3A_335, %broadcast_in_dim3A_338, %broadcast_in_dim3A_339 : vector<16xi1>, vector<16xf32>
        %swap3A_341 = arith.index_cast %scan3A_75 : i32 to index
        %swap3A_342 = arith.constant 256 : index
        %swap3A_343 = tpu.vector_load %arg5[%swap3A_341, %swap3A_342] {strides = array<i32>} : memref<40x1024xf32, #tpu.memory_space<vmem>>, vector<1x16xf32>,
        %swap3A_344 = vector.shape_cast %swap3A_343 : vector<1x16xf32> to vector<16xf32>
        %swap3A_345 = vector.shape_cast %select_n3A_340 : vector<16xf32> to vector<1x16xf32>
        tpu.vector_store %arg5[%swap3A_341, %swap3A_342], %swap3A_345 {strides = array<i32>} : memref<40x1024xf32, #tpu.memory_space<vmem>>, vector<1x16xf32>,
        %get3A_346 = arith.index_cast %select_n3A_62 : i32 to index
        %get3A_347 = arith.constant 272 : index
        %get3A_348 = tpu.vector_load %arg4[%get3A_346, %get3A_347] {strides = array<i32>} : memref<26x1024xi32, #tpu.memory_space<vmem>>, vector<1x16xi32>,
        %get3A_349 = vector.shape_cast %get3A_348 : vector<1x16xi32> to vector<16xi32>
        %eq3A_350 = vector.broadcast %add3A_77 : i32 to vector<16xi32>
        %eq3A_351 = arith.cmpi eq, %get3A_349, %eq3A_350 : vector<16xi32>
        %jit3A_352 = arith.constant 1.000000e+00 : f32
        %jit3A_353 = arith.constant 0.000000e+00 : f32
        %broadcast_in_dim3A_354 = vector.broadcast %jit3A_352 : f32 to vector<16xf32>
        %broadcast_in_dim3A_355 = vector.broadcast %jit3A_353 : f32 to vector<16xf32>
        %select_n3A_356 = arith.select %eq3A_351, %broadcast_in_dim3A_354, %broadcast_in_dim3A_355 : vector<16xi1>, vector<16xf32>
        %swap3A_357 = arith.index_cast %scan3A_75 : i32 to index
        %swap3A_358 = arith.constant 272 : index
        %swap3A_359 = tpu.vector_load %arg5[%swap3A_357, %swap3A_358] {strides = array<i32>} : memref<40x1024xf32, #tpu.memory_space<vmem>>, vector<1x16xf32>,
        %swap3A_360 = vector.shape_cast %swap3A_359 : vector<1x16xf32> to vector<16xf32>
        %swap3A_361 = vector.shape_cast %select_n3A_356 : vector<16xf32> to vector<1x16xf32>
        tpu.vector_store %arg5[%swap3A_357, %swap3A_358], %swap3A_361 {strides = array<i32>} : memref<40x1024xf32, #tpu.memory_space<vmem>>, vector<1x16xf32>,
        %get3A_362 = arith.index_cast %select_n3A_62 : i32 to index
        %get3A_363 = arith.constant 288 : index
        %get3A_364 = tpu.vector_load %arg4[%get3A_362, %get3A_363] {strides = array<i32>} : memref<26x1024xi32, #tpu.memory_space<vmem>>, vector<1x16xi32>,
        %get3A_365 = vector.shape_cast %get3A_364 : vector<1x16xi32> to vector<16xi32>
        %eq3A_366 = vector.broadcast %add3A_77 : i32 to vector<16xi32>
        %eq3A_367 = arith.cmpi eq, %get3A_365, %eq3A_366 : vector<16xi32>
        %jit3A_368 = arith.constant 1.000000e+00 : f32
        %jit3A_369 = arith.constant 0.000000e+00 : f32
        %broadcast_in_dim3A_370 = vector.broadcast %jit3A_368 : f32 to vector<16xf32>
        %broadcast_in_dim3A_371 = vector.broadcast %jit3A_369 : f32 to vector<16xf32>
        %select_n3A_372 = arith.select %eq3A_367, %broadcast_in_dim3A_370, %broadcast_in_dim3A_371 : vector<16xi1>, vector<16xf32>
        %swap3A_373 = arith.index_cast %scan3A_75 : i32 to index
        %swap3A_374 = arith.constant 288 : index
        %swap3A_375 = tpu.vector_load %arg5[%swap3A_373, %swap3A_374] {strides = array<i32>} : memref<40x1024xf32, #tpu.memory_space<vmem>>, vector<1x16xf32>,
        %swap3A_376 = vector.shape_cast %swap3A_375 : vector<1x16xf32> to vector<16xf32>
        %swap3A_377 = vector.shape_cast %select_n3A_372 : vector<16xf32> to vector<1x16xf32>
        tpu.vector_store %arg5[%swap3A_373, %swap3A_374], %swap3A_377 {strides = array<i32>} : memref<40x1024xf32, #tpu.memory_space<vmem>>, vector<1x16xf32>,
        %get3A_378 = arith.index_cast %select_n3A_62 : i32 to index
        %get3A_379 = arith.constant 304 : index
        %get3A_380 = tpu.vector_load %arg4[%get3A_378, %get3A_379] {strides = array<i32>} : memref<26x1024xi32, #tpu.memory_space<vmem>>, vector<1x16xi32>,
        %get3A_381 = vector.shape_cast %get3A_380 : vector<1x16xi32> to vector<16xi32>
        %eq3A_382 = vector.broadcast %add3A_77 : i32 to vector<16xi32>
        %eq3A_383 = arith.cmpi eq, %get3A_381, %eq3A_382 : vector<16xi32>
        %jit3A_384 = arith.constant 1.000000e+00 : f32
        %jit3A_385 = arith.constant 0.000000e+00 : f32
        %broadcast_in_dim3A_386 = vector.broadcast %jit3A_384 : f32 to vector<16xf32>
        %broadcast_in_dim3A_387 = vector.broadcast %jit3A_385 : f32 to vector<16xf32>
        %select_n3A_388 = arith.select %eq3A_383, %broadcast_in_dim3A_386, %broadcast_in_dim3A_387 : vector<16xi1>, vector<16xf32>
        %swap3A_389 = arith.index_cast %scan3A_75 : i32 to index
        %swap3A_390 = arith.constant 304 : index
        %swap3A_391 = tpu.vector_load %arg5[%swap3A_389, %swap3A_390] {strides = array<i32>} : memref<40x1024xf32, #tpu.memory_space<vmem>>, vector<1x16xf32>,
        %swap3A_392 = vector.shape_cast %swap3A_391 : vector<1x16xf32> to vector<16xf32>
        %swap3A_393 = vector.shape_cast %select_n3A_388 : vector<16xf32> to vector<1x16xf32>
        tpu.vector_store %arg5[%swap3A_389, %swap3A_390], %swap3A_393 {strides = array<i32>} : memref<40x1024xf32, #tpu.memory_space<vmem>>, vector<1x16xf32>,
        %get3A_394 = arith.index_cast %select_n3A_62 : i32 to index
        %get3A_395 = arith.constant 320 : index
        %get3A_396 = tpu.vector_load %arg4[%get3A_394, %get3A_395] {strides = array<i32>} : memref<26x1024xi32, #tpu.memory_space<vmem>>, vector<1x16xi32>,
        %get3A_397 = vector.shape_cast %get3A_396 : vector<1x16xi32> to vector<16xi32>
        %eq3A_398 = vector.broadcast %add3A_77 : i32 to vector<16xi32>
        %eq3A_399 = arith.cmpi eq, %get3A_397, %eq3A_398 : vector<16xi32>
        %jit3A_400 = arith.constant 1.000000e+00 : f32
        %jit3A_401 = arith.constant 0.000000e+00 : f32
        %broadcast_in_dim3A_402 = vector.broadcast %jit3A_400 : f32 to vector<16xf32>
        %broadcast_in_dim3A_403 = vector.broadcast %jit3A_401 : f32 to vector<16xf32>
        %select_n3A_404 = arith.select %eq3A_399, %broadcast_in_dim3A_402, %broadcast_in_dim3A_403 : vector<16xi1>, vector<16xf32>
        %swap3A_405 = arith.index_cast %scan3A_75 : i32 to index
        %swap3A_406 = arith.constant 320 : index
        %swap3A_407 = tpu.vector_load %arg5[%swap3A_405, %swap3A_406] {strides = array<i32>} : memref<40x1024xf32, #tpu.memory_space<vmem>>, vector<1x16xf32>,
        %swap3A_408 = vector.shape_cast %swap3A_407 : vector<1x16xf32> to vector<16xf32>
        %swap3A_409 = vector.shape_cast %select_n3A_404 : vector<16xf32> to vector<1x16xf32>
        tpu.vector_store %arg5[%swap3A_405, %swap3A_406], %swap3A_409 {strides = array<i32>} : memref<40x1024xf32, #tpu.memory_space<vmem>>, vector<1x16xf32>,
        %get3A_410 = arith.index_cast %select_n3A_62 : i32 to index
        %get3A_411 = arith.constant 336 : index
        %get3A_412 = tpu.vector_load %arg4[%get3A_410, %get3A_411] {strides = array<i32>} : memref<26x1024xi32, #tpu.memory_space<vmem>>, vector<1x16xi32>,
        %get3A_413 = vector.shape_cast %get3A_412 : vector<1x16xi32> to vector<16xi32>
        %eq3A_414 = vector.broadcast %add3A_77 : i32 to vector<16xi32>
        %eq3A_415 = arith.cmpi eq, %get3A_413, %eq3A_414 : vector<16xi32>
        %jit3A_416 = arith.constant 1.000000e+00 : f32
        %jit3A_417 = arith.constant 0.000000e+00 : f32
        %broadcast_in_dim3A_418 = vector.broadcast %jit3A_416 : f32 to vector<16xf32>
        %broadcast_in_dim3A_419 = vector.broadcast %jit3A_417 : f32 to vector<16xf32>
        %select_n3A_420 = arith.select %eq3A_415, %broadcast_in_dim3A_418, %broadcast_in_dim3A_419 : vector<16xi1>, vector<16xf32>
        %swap3A_421 = arith.index_cast %scan3A_75 : i32 to index
        %swap3A_422 = arith.constant 336 : index
        %swap3A_423 = tpu.vector_load %arg5[%swap3A_421, %swap3A_422] {strides = array<i32>} : memref<40x1024xf32, #tpu.memory_space<vmem>>, vector<1x16xf32>,
        %swap3A_424 = vector.shape_cast %swap3A_423 : vector<1x16xf32> to vector<16xf32>
        %swap3A_425 = vector.shape_cast %select_n3A_420 : vector<16xf32> to vector<1x16xf32>
        tpu.vector_store %arg5[%swap3A_421, %swap3A_422], %swap3A_425 {strides = array<i32>} : memref<40x1024xf32, #tpu.memory_space<vmem>>, vector<1x16xf32>,
        %get3A_426 = arith.index_cast %select_n3A_62 : i32 to index
        %get3A_427 = arith.constant 352 : index
        %get3A_428 = tpu.vector_load %arg4[%get3A_426, %get3A_427] {strides = array<i32>} : memref<26x1024xi32, #tpu.memory_space<vmem>>, vector<1x16xi32>,
        %get3A_429 = vector.shape_cast %get3A_428 : vector<1x16xi32> to vector<16xi32>
        %eq3A_430 = vector.broadcast %add3A_77 : i32 to vector<16xi32>
        %eq3A_431 = arith.cmpi eq, %get3A_429, %eq3A_430 : vector<16xi32>
        %jit3A_432 = arith.constant 1.000000e+00 : f32
        %jit3A_433 = arith.constant 0.000000e+00 : f32
        %broadcast_in_dim3A_434 = vector.broadcast %jit3A_432 : f32 to vector<16xf32>
        %broadcast_in_dim3A_435 = vector.broadcast %jit3A_433 : f32 to vector<16xf32>
        %select_n3A_436 = arith.select %eq3A_431, %broadcast_in_dim3A_434, %broadcast_in_dim3A_435 : vector<16xi1>, vector<16xf32>
        %swap3A_437 = arith.index_cast %scan3A_75 : i32 to index
        %swap3A_438 = arith.constant 352 : index
        %swap3A_439 = tpu.vector_load %arg5[%swap3A_437, %swap3A_438] {strides = array<i32>} : memref<40x1024xf32, #tpu.memory_space<vmem>>, vector<1x16xf32>,
        %swap3A_440 = vector.shape_cast %swap3A_439 : vector<1x16xf32> to vector<16xf32>
        %swap3A_441 = vector.shape_cast %select_n3A_436 : vector<16xf32> to vector<1x16xf32>
        tpu.vector_store %arg5[%swap3A_437, %swap3A_438], %swap3A_441 {strides = array<i32>} : memref<40x1024xf32, #tpu.memory_space<vmem>>, vector<1x16xf32>,
        %get3A_442 = arith.index_cast %select_n3A_62 : i32 to index
        %get3A_443 = arith.constant 368 : index
        %get3A_444 = tpu.vector_load %arg4[%get3A_442, %get3A_443] {strides = array<i32>} : memref<26x1024xi32, #tpu.memory_space<vmem>>, vector<1x16xi32>,
        %get3A_445 = vector.shape_cast %get3A_444 : vector<1x16xi32> to vector<16xi32>
        %eq3A_446 = vector.broadcast %add3A_77 : i32 to vector<16xi32>
        %eq3A_447 = arith.cmpi eq, %get3A_445, %eq3A_446 : vector<16xi32>
        %jit3A_448 = arith.constant 1.000000e+00 : f32
        %jit3A_449 = arith.constant 0.000000e+00 : f32
        %broadcast_in_dim3A_450 = vector.broadcast %jit3A_448 : f32 to vector<16xf32>
        %broadcast_in_dim3A_451 = vector.broadcast %jit3A_449 : f32 to vector<16xf32>
        %select_n3A_452 = arith.select %eq3A_447, %broadcast_in_dim3A_450, %broadcast_in_dim3A_451 : vector<16xi1>, vector<16xf32>
        %swap3A_453 = arith.index_cast %scan3A_75 : i32 to index
        %swap3A_454 = arith.constant 368 : index
        %swap3A_455 = tpu.vector_load %arg5[%swap3A_453, %swap3A_454] {strides = array<i32>} : memref<40x1024xf32, #tpu.memory_space<vmem>>, vector<1x16xf32>,
        %swap3A_456 = vector.shape_cast %swap3A_455 : vector<1x16xf32> to vector<16xf32>
        %swap3A_457 = vector.shape_cast %select_n3A_452 : vector<16xf32> to vector<1x16xf32>
        tpu.vector_store %arg5[%swap3A_453, %swap3A_454], %swap3A_457 {strides = array<i32>} : memref<40x1024xf32, #tpu.memory_space<vmem>>, vector<1x16xf32>,
        %get3A_458 = arith.index_cast %select_n3A_62 : i32 to index
        %get3A_459 = arith.constant 384 : index
        %get3A_460 = tpu.vector_load %arg4[%get3A_458, %get3A_459] {strides = array<i32>} : memref<26x1024xi32, #tpu.memory_space<vmem>>, vector<1x16xi32>,
        %get3A_461 = vector.shape_cast %get3A_460 : vector<1x16xi32> to vector<16xi32>
        %eq3A_462 = vector.broadcast %add3A_77 : i32 to vector<16xi32>
        %eq3A_463 = arith.cmpi eq, %get3A_461, %eq3A_462 : vector<16xi32>
        %jit3A_464 = arith.constant 1.000000e+00 : f32
        %jit3A_465 = arith.constant 0.000000e+00 : f32
        %broadcast_in_dim3A_466 = vector.broadcast %jit3A_464 : f32 to vector<16xf32>
        %broadcast_in_dim3A_467 = vector.broadcast %jit3A_465 : f32 to vector<16xf32>
        %select_n3A_468 = arith.select %eq3A_463, %broadcast_in_dim3A_466, %broadcast_in_dim3A_467 : vector<16xi1>, vector<16xf32>
        %swap3A_469 = arith.index_cast %scan3A_75 : i32 to index
        %swap3A_470 = arith.constant 384 : index
        %swap3A_471 = tpu.vector_load %arg5[%swap3A_469, %swap3A_470] {strides = array<i32>} : memref<40x1024xf32, #tpu.memory_space<vmem>>, vector<1x16xf32>,
        %swap3A_472 = vector.shape_cast %swap3A_471 : vector<1x16xf32> to vector<16xf32>
        %swap3A_473 = vector.shape_cast %select_n3A_468 : vector<16xf32> to vector<1x16xf32>
        tpu.vector_store %arg5[%swap3A_469, %swap3A_470], %swap3A_473 {strides = array<i32>} : memref<40x1024xf32, #tpu.memory_space<vmem>>, vector<1x16xf32>,
        %get3A_474 = arith.index_cast %select_n3A_62 : i32 to index
        %get3A_475 = arith.constant 400 : index
        %get3A_476 = tpu.vector_load %arg4[%get3A_474, %get3A_475] {strides = array<i32>} : memref<26x1024xi32, #tpu.memory_space<vmem>>, vector<1x16xi32>,
        %get3A_477 = vector.shape_cast %get3A_476 : vector<1x16xi32> to vector<16xi32>
        %eq3A_478 = vector.broadcast %add3A_77 : i32 to vector<16xi32>
        %eq3A_479 = arith.cmpi eq, %get3A_477, %eq3A_478 : vector<16xi32>
        %jit3A_480 = arith.constant 1.000000e+00 : f32
        %jit3A_481 = arith.constant 0.000000e+00 : f32
        %broadcast_in_dim3A_482 = vector.broadcast %jit3A_480 : f32 to vector<16xf32>
        %broadcast_in_dim3A_483 = vector.broadcast %jit3A_481 : f32 to vector<16xf32>
        %select_n3A_484 = arith.select %eq3A_479, %broadcast_in_dim3A_482, %broadcast_in_dim3A_483 : vector<16xi1>, vector<16xf32>
        %swap3A_485 = arith.index_cast %scan3A_75 : i32 to index
        %swap3A_486 = arith.constant 400 : index
        %swap3A_487 = tpu.vector_load %arg5[%swap3A_485, %swap3A_486] {strides = array<i32>} : memref<40x1024xf32, #tpu.memory_space<vmem>>, vector<1x16xf32>,
        %swap3A_488 = vector.shape_cast %swap3A_487 : vector<1x16xf32> to vector<16xf32>
        %swap3A_489 = vector.shape_cast %select_n3A_484 : vector<16xf32> to vector<1x16xf32>
        tpu.vector_store %arg5[%swap3A_485, %swap3A_486], %swap3A_489 {strides = array<i32>} : memref<40x1024xf32, #tpu.memory_space<vmem>>, vector<1x16xf32>,
        %get3A_490 = arith.index_cast %select_n3A_62 : i32 to index
        %get3A_491 = arith.constant 416 : index
        %get3A_492 = tpu.vector_load %arg4[%get3A_490, %get3A_491] {strides = array<i32>} : memref<26x1024xi32, #tpu.memory_space<vmem>>, vector<1x16xi32>,
        %get3A_493 = vector.shape_cast %get3A_492 : vector<1x16xi32> to vector<16xi32>
        %eq3A_494 = vector.broadcast %add3A_77 : i32 to vector<16xi32>
        %eq3A_495 = arith.cmpi eq, %get3A_493, %eq3A_494 : vector<16xi32>
        %jit3A_496 = arith.constant 1.000000e+00 : f32
        %jit3A_497 = arith.constant 0.000000e+00 : f32
        %broadcast_in_dim3A_498 = vector.broadcast %jit3A_496 : f32 to vector<16xf32>
        %broadcast_in_dim3A_499 = vector.broadcast %jit3A_497 : f32 to vector<16xf32>
        %select_n3A_500 = arith.select %eq3A_495, %broadcast_in_dim3A_498, %broadcast_in_dim3A_499 : vector<16xi1>, vector<16xf32>
        %swap3A_501 = arith.index_cast %scan3A_75 : i32 to index
        %swap3A_502 = arith.constant 416 : index
        %swap3A_503 = tpu.vector_load %arg5[%swap3A_501, %swap3A_502] {strides = array<i32>} : memref<40x1024xf32, #tpu.memory_space<vmem>>, vector<1x16xf32>,
        %swap3A_504 = vector.shape_cast %swap3A_503 : vector<1x16xf32> to vector<16xf32>
        %swap3A_505 = vector.shape_cast %select_n3A_500 : vector<16xf32> to vector<1x16xf32>
        tpu.vector_store %arg5[%swap3A_501, %swap3A_502], %swap3A_505 {strides = array<i32>} : memref<40x1024xf32, #tpu.memory_space<vmem>>, vector<1x16xf32>,
        %get3A_506 = arith.index_cast %select_n3A_62 : i32 to index
        %get3A_507 = arith.constant 432 : index
        %get3A_508 = tpu.vector_load %arg4[%get3A_506, %get3A_507] {strides = array<i32>} : memref<26x1024xi32, #tpu.memory_space<vmem>>, vector<1x16xi32>,
        %get3A_509 = vector.shape_cast %get3A_508 : vector<1x16xi32> to vector<16xi32>
        %eq3A_510 = vector.broadcast %add3A_77 : i32 to vector<16xi32>
        %eq3A_511 = arith.cmpi eq, %get3A_509, %eq3A_510 : vector<16xi32>
        %jit3A_512 = arith.constant 1.000000e+00 : f32
        %jit3A_513 = arith.constant 0.000000e+00 : f32
        %broadcast_in_dim3A_514 = vector.broadcast %jit3A_512 : f32 to vector<16xf32>
        %broadcast_in_dim3A_515 = vector.broadcast %jit3A_513 : f32 to vector<16xf32>
        %select_n3A_516 = arith.select %eq3A_511, %broadcast_in_dim3A_514, %broadcast_in_dim3A_515 : vector<16xi1>, vector<16xf32>
        %swap3A_517 = arith.index_cast %scan3A_75 : i32 to index
        %swap3A_518 = arith.constant 432 : index
        %swap3A_519 = tpu.vector_load %arg5[%swap3A_517, %swap3A_518] {strides = array<i32>} : memref<40x1024xf32, #tpu.memory_space<vmem>>, vector<1x16xf32>,
        %swap3A_520 = vector.shape_cast %swap3A_519 : vector<1x16xf32> to vector<16xf32>
        %swap3A_521 = vector.shape_cast %select_n3A_516 : vector<16xf32> to vector<1x16xf32>
        tpu.vector_store %arg5[%swap3A_517, %swap3A_518], %swap3A_521 {strides = array<i32>} : memref<40x1024xf32, #tpu.memory_space<vmem>>, vector<1x16xf32>,
        %get3A_522 = arith.index_cast %select_n3A_62 : i32 to index
        %get3A_523 = arith.constant 448 : index
        %get3A_524 = tpu.vector_load %arg4[%get3A_522, %get3A_523] {strides = array<i32>} : memref<26x1024xi32, #tpu.memory_space<vmem>>, vector<1x16xi32>,
        %get3A_525 = vector.shape_cast %get3A_524 : vector<1x16xi32> to vector<16xi32>
        %eq3A_526 = vector.broadcast %add3A_77 : i32 to vector<16xi32>
        %eq3A_527 = arith.cmpi eq, %get3A_525, %eq3A_526 : vector<16xi32>
        %jit3A_528 = arith.constant 1.000000e+00 : f32
        %jit3A_529 = arith.constant 0.000000e+00 : f32
        %broadcast_in_dim3A_530 = vector.broadcast %jit3A_528 : f32 to vector<16xf32>
        %broadcast_in_dim3A_531 = vector.broadcast %jit3A_529 : f32 to vector<16xf32>
        %select_n3A_532 = arith.select %eq3A_527, %broadcast_in_dim3A_530, %broadcast_in_dim3A_531 : vector<16xi1>, vector<16xf32>
        %swap3A_533 = arith.index_cast %scan3A_75 : i32 to index
        %swap3A_534 = arith.constant 448 : index
        %swap3A_535 = tpu.vector_load %arg5[%swap3A_533, %swap3A_534] {strides = array<i32>} : memref<40x1024xf32, #tpu.memory_space<vmem>>, vector<1x16xf32>,
        %swap3A_536 = vector.shape_cast %swap3A_535 : vector<1x16xf32> to vector<16xf32>
        %swap3A_537 = vector.shape_cast %select_n3A_532 : vector<16xf32> to vector<1x16xf32>
        tpu.vector_store %arg5[%swap3A_533, %swap3A_534], %swap3A_537 {strides = array<i32>} : memref<40x1024xf32, #tpu.memory_space<vmem>>, vector<1x16xf32>,
        %get3A_538 = arith.index_cast %select_n3A_62 : i32 to index
        %get3A_539 = arith.constant 464 : index
        %get3A_540 = tpu.vector_load %arg4[%get3A_538, %get3A_539] {strides = array<i32>} : memref<26x1024xi32, #tpu.memory_space<vmem>>, vector<1x16xi32>,
        %get3A_541 = vector.shape_cast %get3A_540 : vector<1x16xi32> to vector<16xi32>
        %eq3A_542 = vector.broadcast %add3A_77 : i32 to vector<16xi32>
        %eq3A_543 = arith.cmpi eq, %get3A_541, %eq3A_542 : vector<16xi32>
        %jit3A_544 = arith.constant 1.000000e+00 : f32
        %jit3A_545 = arith.constant 0.000000e+00 : f32
        %broadcast_in_dim3A_546 = vector.broadcast %jit3A_544 : f32 to vector<16xf32>
        %broadcast_in_dim3A_547 = vector.broadcast %jit3A_545 : f32 to vector<16xf32>
        %select_n3A_548 = arith.select %eq3A_543, %broadcast_in_dim3A_546, %broadcast_in_dim3A_547 : vector<16xi1>, vector<16xf32>
        %swap3A_549 = arith.index_cast %scan3A_75 : i32 to index
        %swap3A_550 = arith.constant 464 : index
        %swap3A_551 = tpu.vector_load %arg5[%swap3A_549, %swap3A_550] {strides = array<i32>} : memref<40x1024xf32, #tpu.memory_space<vmem>>, vector<1x16xf32>,
        %swap3A_552 = vector.shape_cast %swap3A_551 : vector<1x16xf32> to vector<16xf32>
        %swap3A_553 = vector.shape_cast %select_n3A_548 : vector<16xf32> to vector<1x16xf32>
        tpu.vector_store %arg5[%swap3A_549, %swap3A_550], %swap3A_553 {strides = array<i32>} : memref<40x1024xf32, #tpu.memory_space<vmem>>, vector<1x16xf32>,
        %get3A_554 = arith.index_cast %select_n3A_62 : i32 to index
        %get3A_555 = arith.constant 480 : index
        %get3A_556 = tpu.vector_load %arg4[%get3A_554, %get3A_555] {strides = array<i32>} : memref<26x1024xi32, #tpu.memory_space<vmem>>, vector<1x16xi32>,
        %get3A_557 = vector.shape_cast %get3A_556 : vector<1x16xi32> to vector<16xi32>
        %eq3A_558 = vector.broadcast %add3A_77 : i32 to vector<16xi32>
        %eq3A_559 = arith.cmpi eq, %get3A_557, %eq3A_558 : vector<16xi32>
        %jit3A_560 = arith.constant 1.000000e+00 : f32
        %jit3A_561 = arith.constant 0.000000e+00 : f32
        %broadcast_in_dim3A_562 = vector.broadcast %jit3A_560 : f32 to vector<16xf32>
        %broadcast_in_dim3A_563 = vector.broadcast %jit3A_561 : f32 to vector<16xf32>
        %select_n3A_564 = arith.select %eq3A_559, %broadcast_in_dim3A_562, %broadcast_in_dim3A_563 : vector<16xi1>, vector<16xf32>
        %swap3A_565 = arith.index_cast %scan3A_75 : i32 to index
        %swap3A_566 = arith.constant 480 : index
        %swap3A_567 = tpu.vector_load %arg5[%swap3A_565, %swap3A_566] {strides = array<i32>} : memref<40x1024xf32, #tpu.memory_space<vmem>>, vector<1x16xf32>,
        %swap3A_568 = vector.shape_cast %swap3A_567 : vector<1x16xf32> to vector<16xf32>
        %swap3A_569 = vector.shape_cast %select_n3A_564 : vector<16xf32> to vector<1x16xf32>
        tpu.vector_store %arg5[%swap3A_565, %swap3A_566], %swap3A_569 {strides = array<i32>} : memref<40x1024xf32, #tpu.memory_space<vmem>>, vector<1x16xf32>,
        %get3A_570 = arith.index_cast %select_n3A_62 : i32 to index
        %get3A_571 = arith.constant 496 : index
        %get3A_572 = tpu.vector_load %arg4[%get3A_570, %get3A_571] {strides = array<i32>} : memref<26x1024xi32, #tpu.memory_space<vmem>>, vector<1x16xi32>,
        %get3A_573 = vector.shape_cast %get3A_572 : vector<1x16xi32> to vector<16xi32>
        %eq3A_574 = vector.broadcast %add3A_77 : i32 to vector<16xi32>
        %eq3A_575 = arith.cmpi eq, %get3A_573, %eq3A_574 : vector<16xi32>
        %jit3A_576 = arith.constant 1.000000e+00 : f32
        %jit3A_577 = arith.constant 0.000000e+00 : f32
        %broadcast_in_dim3A_578 = vector.broadcast %jit3A_576 : f32 to vector<16xf32>
        %broadcast_in_dim3A_579 = vector.broadcast %jit3A_577 : f32 to vector<16xf32>
        %select_n3A_580 = arith.select %eq3A_575, %broadcast_in_dim3A_578, %broadcast_in_dim3A_579 : vector<16xi1>, vector<16xf32>
        %swap3A_581 = arith.index_cast %scan3A_75 : i32 to index
        %swap3A_582 = arith.constant 496 : index
        %swap3A_583 = tpu.vector_load %arg5[%swap3A_581, %swap3A_582] {strides = array<i32>} : memref<40x1024xf32, #tpu.memory_space<vmem>>, vector<1x16xf32>,
        %swap3A_584 = vector.shape_cast %swap3A_583 : vector<1x16xf32> to vector<16xf32>
        %swap3A_585 = vector.shape_cast %select_n3A_580 : vector<16xf32> to vector<1x16xf32>
        tpu.vector_store %arg5[%swap3A_581, %swap3A_582], %swap3A_585 {strides = array<i32>} : memref<40x1024xf32, #tpu.memory_space<vmem>>, vector<1x16xf32>,
        %get3A_586 = arith.index_cast %select_n3A_62 : i32 to index
        %get3A_587 = arith.constant 512 : index
        %get3A_588 = tpu.vector_load %arg4[%get3A_586, %get3A_587] {strides = array<i32>} : memref<26x1024xi32, #tpu.memory_space<vmem>>, vector<1x16xi32>,
        %get3A_589 = vector.shape_cast %get3A_588 : vector<1x16xi32> to vector<16xi32>
        %eq3A_590 = vector.broadcast %add3A_77 : i32 to vector<16xi32>
        %eq3A_591 = arith.cmpi eq, %get3A_589, %eq3A_590 : vector<16xi32>
        %jit3A_592 = arith.constant 1.000000e+00 : f32
        %jit3A_593 = arith.constant 0.000000e+00 : f32
        %broadcast_in_dim3A_594 = vector.broadcast %jit3A_592 : f32 to vector<16xf32>
        %broadcast_in_dim3A_595 = vector.broadcast %jit3A_593 : f32 to vector<16xf32>
        %select_n3A_596 = arith.select %eq3A_591, %broadcast_in_dim3A_594, %broadcast_in_dim3A_595 : vector<16xi1>, vector<16xf32>
        %swap3A_597 = arith.index_cast %scan3A_75 : i32 to index
        %swap3A_598 = arith.constant 512 : index
        %swap3A_599 = tpu.vector_load %arg5[%swap3A_597, %swap3A_598] {strides = array<i32>} : memref<40x1024xf32, #tpu.memory_space<vmem>>, vector<1x16xf32>,
        %swap3A_600 = vector.shape_cast %swap3A_599 : vector<1x16xf32> to vector<16xf32>
        %swap3A_601 = vector.shape_cast %select_n3A_596 : vector<16xf32> to vector<1x16xf32>
        tpu.vector_store %arg5[%swap3A_597, %swap3A_598], %swap3A_601 {strides = array<i32>} : memref<40x1024xf32, #tpu.memory_space<vmem>>, vector<1x16xf32>,
        %get3A_602 = arith.index_cast %select_n3A_62 : i32 to index
        %get3A_603 = arith.constant 528 : index
        %get3A_604 = tpu.vector_load %arg4[%get3A_602, %get3A_603] {strides = array<i32>} : memref<26x1024xi32, #tpu.memory_space<vmem>>, vector<1x16xi32>,
        %get3A_605 = vector.shape_cast %get3A_604 : vector<1x16xi32> to vector<16xi32>
        %eq3A_606 = vector.broadcast %add3A_77 : i32 to vector<16xi32>
        %eq3A_607 = arith.cmpi eq, %get3A_605, %eq3A_606 : vector<16xi32>
        %jit3A_608 = arith.constant 1.000000e+00 : f32
        %jit3A_609 = arith.constant 0.000000e+00 : f32
        %broadcast_in_dim3A_610 = vector.broadcast %jit3A_608 : f32 to vector<16xf32>
        %broadcast_in_dim3A_611 = vector.broadcast %jit3A_609 : f32 to vector<16xf32>
        %select_n3A_612 = arith.select %eq3A_607, %broadcast_in_dim3A_610, %broadcast_in_dim3A_611 : vector<16xi1>, vector<16xf32>
        %swap3A_613 = arith.index_cast %scan3A_75 : i32 to index
        %swap3A_614 = arith.constant 528 : index
        %swap3A_615 = tpu.vector_load %arg5[%swap3A_613, %swap3A_614] {strides = array<i32>} : memref<40x1024xf32, #tpu.memory_space<vmem>>, vector<1x16xf32>,
        %swap3A_616 = vector.shape_cast %swap3A_615 : vector<1x16xf32> to vector<16xf32>
        %swap3A_617 = vector.shape_cast %select_n3A_612 : vector<16xf32> to vector<1x16xf32>
        tpu.vector_store %arg5[%swap3A_613, %swap3A_614], %swap3A_617 {strides = array<i32>} : memref<40x1024xf32, #tpu.memory_space<vmem>>, vector<1x16xf32>,
        %get3A_618 = arith.index_cast %select_n3A_62 : i32 to index
        %get3A_619 = arith.constant 544 : index
        %get3A_620 = tpu.vector_load %arg4[%get3A_618, %get3A_619] {strides = array<i32>} : memref<26x1024xi32, #tpu.memory_space<vmem>>, vector<1x16xi32>,
        %get3A_621 = vector.shape_cast %get3A_620 : vector<1x16xi32> to vector<16xi32>
        %eq3A_622 = vector.broadcast %add3A_77 : i32 to vector<16xi32>
        %eq3A_623 = arith.cmpi eq, %get3A_621, %eq3A_622 : vector<16xi32>
        %jit3A_624 = arith.constant 1.000000e+00 : f32
        %jit3A_625 = arith.constant 0.000000e+00 : f32
        %broadcast_in_dim3A_626 = vector.broadcast %jit3A_624 : f32 to vector<16xf32>
        %broadcast_in_dim3A_627 = vector.broadcast %jit3A_625 : f32 to vector<16xf32>
        %select_n3A_628 = arith.select %eq3A_623, %broadcast_in_dim3A_626, %broadcast_in_dim3A_627 : vector<16xi1>, vector<16xf32>
        %swap3A_629 = arith.index_cast %scan3A_75 : i32 to index
        %swap3A_630 = arith.constant 544 : index
        %swap3A_631 = tpu.vector_load %arg5[%swap3A_629, %swap3A_630] {strides = array<i32>} : memref<40x1024xf32, #tpu.memory_space<vmem>>, vector<1x16xf32>,
        %swap3A_632 = vector.shape_cast %swap3A_631 : vector<1x16xf32> to vector<16xf32>
        %swap3A_633 = vector.shape_cast %select_n3A_628 : vector<16xf32> to vector<1x16xf32>
        tpu.vector_store %arg5[%swap3A_629, %swap3A_630], %swap3A_633 {strides = array<i32>} : memref<40x1024xf32, #tpu.memory_space<vmem>>, vector<1x16xf32>,
        %get3A_634 = arith.index_cast %select_n3A_62 : i32 to index
        %get3A_635 = arith.constant 560 : index
        %get3A_636 = tpu.vector_load %arg4[%get3A_634, %get3A_635] {strides = array<i32>} : memref<26x1024xi32, #tpu.memory_space<vmem>>, vector<1x16xi32>,
        %get3A_637 = vector.shape_cast %get3A_636 : vector<1x16xi32> to vector<16xi32>
        %eq3A_638 = vector.broadcast %add3A_77 : i32 to vector<16xi32>
        %eq3A_639 = arith.cmpi eq, %get3A_637, %eq3A_638 : vector<16xi32>
        %jit3A_640 = arith.constant 1.000000e+00 : f32
        %jit3A_641 = arith.constant 0.000000e+00 : f32
        %broadcast_in_dim3A_642 = vector.broadcast %jit3A_640 : f32 to vector<16xf32>
        %broadcast_in_dim3A_643 = vector.broadcast %jit3A_641 : f32 to vector<16xf32>
        %select_n3A_644 = arith.select %eq3A_639, %broadcast_in_dim3A_642, %broadcast_in_dim3A_643 : vector<16xi1>, vector<16xf32>
        %swap3A_645 = arith.index_cast %scan3A_75 : i32 to index
        %swap3A_646 = arith.constant 560 : index
        %swap3A_647 = tpu.vector_load %arg5[%swap3A_645, %swap3A_646] {strides = array<i32>} : memref<40x1024xf32, #tpu.memory_space<vmem>>, vector<1x16xf32>,
        %swap3A_648 = vector.shape_cast %swap3A_647 : vector<1x16xf32> to vector<16xf32>
        %swap3A_649 = vector.shape_cast %select_n3A_644 : vector<16xf32> to vector<1x16xf32>
        tpu.vector_store %arg5[%swap3A_645, %swap3A_646], %swap3A_649 {strides = array<i32>} : memref<40x1024xf32, #tpu.memory_space<vmem>>, vector<1x16xf32>,
        %get3A_650 = arith.index_cast %select_n3A_62 : i32 to index
        %get3A_651 = arith.constant 576 : index
        %get3A_652 = tpu.vector_load %arg4[%get3A_650, %get3A_651] {strides = array<i32>} : memref<26x1024xi32, #tpu.memory_space<vmem>>, vector<1x16xi32>,
        %get3A_653 = vector.shape_cast %get3A_652 : vector<1x16xi32> to vector<16xi32>
        %eq3A_654 = vector.broadcast %add3A_77 : i32 to vector<16xi32>
        %eq3A_655 = arith.cmpi eq, %get3A_653, %eq3A_654 : vector<16xi32>
        %jit3A_656 = arith.constant 1.000000e+00 : f32
        %jit3A_657 = arith.constant 0.000000e+00 : f32
        %broadcast_in_dim3A_658 = vector.broadcast %jit3A_656 : f32 to vector<16xf32>
        %broadcast_in_dim3A_659 = vector.broadcast %jit3A_657 : f32 to vector<16xf32>
        %select_n3A_660 = arith.select %eq3A_655, %broadcast_in_dim3A_658, %broadcast_in_dim3A_659 : vector<16xi1>, vector<16xf32>
        %swap3A_661 = arith.index_cast %scan3A_75 : i32 to index
        %swap3A_662 = arith.constant 576 : index
        %swap3A_663 = tpu.vector_load %arg5[%swap3A_661, %swap3A_662] {strides = array<i32>} : memref<40x1024xf32, #tpu.memory_space<vmem>>, vector<1x16xf32>,
        %swap3A_664 = vector.shape_cast %swap3A_663 : vector<1x16xf32> to vector<16xf32>
        %swap3A_665 = vector.shape_cast %select_n3A_660 : vector<16xf32> to vector<1x16xf32>
        tpu.vector_store %arg5[%swap3A_661, %swap3A_662], %swap3A_665 {strides = array<i32>} : memref<40x1024xf32, #tpu.memory_space<vmem>>, vector<1x16xf32>,
        %get3A_666 = arith.index_cast %select_n3A_62 : i32 to index
        %get3A_667 = arith.constant 592 : index
        %get3A_668 = tpu.vector_load %arg4[%get3A_666, %get3A_667] {strides = array<i32>} : memref<26x1024xi32, #tpu.memory_space<vmem>>, vector<1x16xi32>,
        %get3A_669 = vector.shape_cast %get3A_668 : vector<1x16xi32> to vector<16xi32>
        %eq3A_670 = vector.broadcast %add3A_77 : i32 to vector<16xi32>
        %eq3A_671 = arith.cmpi eq, %get3A_669, %eq3A_670 : vector<16xi32>
        %jit3A_672 = arith.constant 1.000000e+00 : f32
        %jit3A_673 = arith.constant 0.000000e+00 : f32
        %broadcast_in_dim3A_674 = vector.broadcast %jit3A_672 : f32 to vector<16xf32>
        %broadcast_in_dim3A_675 = vector.broadcast %jit3A_673 : f32 to vector<16xf32>
        %select_n3A_676 = arith.select %eq3A_671, %broadcast_in_dim3A_674, %broadcast_in_dim3A_675 : vector<16xi1>, vector<16xf32>
        %swap3A_677 = arith.index_cast %scan3A_75 : i32 to index
        %swap3A_678 = arith.constant 592 : index
        %swap3A_679 = tpu.vector_load %arg5[%swap3A_677, %swap3A_678] {strides = array<i32>} : memref<40x1024xf32, #tpu.memory_space<vmem>>, vector<1x16xf32>,
        %swap3A_680 = vector.shape_cast %swap3A_679 : vector<1x16xf32> to vector<16xf32>
        %swap3A_681 = vector.shape_cast %select_n3A_676 : vector<16xf32> to vector<1x16xf32>
        tpu.vector_store %arg5[%swap3A_677, %swap3A_678], %swap3A_681 {strides = array<i32>} : memref<40x1024xf32, #tpu.memory_space<vmem>>, vector<1x16xf32>,
        %get3A_682 = arith.index_cast %select_n3A_62 : i32 to index
        %get3A_683 = arith.constant 608 : index
        %get3A_684 = tpu.vector_load %arg4[%get3A_682, %get3A_683] {strides = array<i32>} : memref<26x1024xi32, #tpu.memory_space<vmem>>, vector<1x16xi32>,
        %get3A_685 = vector.shape_cast %get3A_684 : vector<1x16xi32> to vector<16xi32>
        %eq3A_686 = vector.broadcast %add3A_77 : i32 to vector<16xi32>
        %eq3A_687 = arith.cmpi eq, %get3A_685, %eq3A_686 : vector<16xi32>
        %jit3A_688 = arith.constant 1.000000e+00 : f32
        %jit3A_689 = arith.constant 0.000000e+00 : f32
        %broadcast_in_dim3A_690 = vector.broadcast %jit3A_688 : f32 to vector<16xf32>
        %broadcast_in_dim3A_691 = vector.broadcast %jit3A_689 : f32 to vector<16xf32>
        %select_n3A_692 = arith.select %eq3A_687, %broadcast_in_dim3A_690, %broadcast_in_dim3A_691 : vector<16xi1>, vector<16xf32>
        %swap3A_693 = arith.index_cast %scan3A_75 : i32 to index
        %swap3A_694 = arith.constant 608 : index
        %swap3A_695 = tpu.vector_load %arg5[%swap3A_693, %swap3A_694] {strides = array<i32>} : memref<40x1024xf32, #tpu.memory_space<vmem>>, vector<1x16xf32>,
        %swap3A_696 = vector.shape_cast %swap3A_695 : vector<1x16xf32> to vector<16xf32>
        %swap3A_697 = vector.shape_cast %select_n3A_692 : vector<16xf32> to vector<1x16xf32>
        tpu.vector_store %arg5[%swap3A_693, %swap3A_694], %swap3A_697 {strides = array<i32>} : memref<40x1024xf32, #tpu.memory_space<vmem>>, vector<1x16xf32>,
        %get3A_698 = arith.index_cast %select_n3A_62 : i32 to index
        %get3A_699 = arith.constant 624 : index
        %get3A_700 = tpu.vector_load %arg4[%get3A_698, %get3A_699] {strides = array<i32>} : memref<26x1024xi32, #tpu.memory_space<vmem>>, vector<1x16xi32>,
        %get3A_701 = vector.shape_cast %get3A_700 : vector<1x16xi32> to vector<16xi32>
        %eq3A_702 = vector.broadcast %add3A_77 : i32 to vector<16xi32>
        %eq3A_703 = arith.cmpi eq, %get3A_701, %eq3A_702 : vector<16xi32>
        %jit3A_704 = arith.constant 1.000000e+00 : f32
        %jit3A_705 = arith.constant 0.000000e+00 : f32
        %broadcast_in_dim3A_706 = vector.broadcast %jit3A_704 : f32 to vector<16xf32>
        %broadcast_in_dim3A_707 = vector.broadcast %jit3A_705 : f32 to vector<16xf32>
        %select_n3A_708 = arith.select %eq3A_703, %broadcast_in_dim3A_706, %broadcast_in_dim3A_707 : vector<16xi1>, vector<16xf32>
        %swap3A_709 = arith.index_cast %scan3A_75 : i32 to index
        %swap3A_710 = arith.constant 624 : index
        %swap3A_711 = tpu.vector_load %arg5[%swap3A_709, %swap3A_710] {strides = array<i32>} : memref<40x1024xf32, #tpu.memory_space<vmem>>, vector<1x16xf32>,
        %swap3A_712 = vector.shape_cast %swap3A_711 : vector<1x16xf32> to vector<16xf32>
        %swap3A_713 = vector.shape_cast %select_n3A_708 : vector<16xf32> to vector<1x16xf32>
        tpu.vector_store %arg5[%swap3A_709, %swap3A_710], %swap3A_713 {strides = array<i32>} : memref<40x1024xf32, #tpu.memory_space<vmem>>, vector<1x16xf32>,
        %get3A_714 = arith.index_cast %select_n3A_62 : i32 to index
        %get3A_715 = arith.constant 640 : index
        %get3A_716 = tpu.vector_load %arg4[%get3A_714, %get3A_715] {strides = array<i32>} : memref<26x1024xi32, #tpu.memory_space<vmem>>, vector<1x16xi32>,
        %get3A_717 = vector.shape_cast %get3A_716 : vector<1x16xi32> to vector<16xi32>
        %eq3A_718 = vector.broadcast %add3A_77 : i32 to vector<16xi32>
        %eq3A_719 = arith.cmpi eq, %get3A_717, %eq3A_718 : vector<16xi32>
        %jit3A_720 = arith.constant 1.000000e+00 : f32
        %jit3A_721 = arith.constant 0.000000e+00 : f32
        %broadcast_in_dim3A_722 = vector.broadcast %jit3A_720 : f32 to vector<16xf32>
        %broadcast_in_dim3A_723 = vector.broadcast %jit3A_721 : f32 to vector<16xf32>
        %select_n3A_724 = arith.select %eq3A_719, %broadcast_in_dim3A_722, %broadcast_in_dim3A_723 : vector<16xi1>, vector<16xf32>
        %swap3A_725 = arith.index_cast %scan3A_75 : i32 to index
        %swap3A_726 = arith.constant 640 : index
        %swap3A_727 = tpu.vector_load %arg5[%swap3A_725, %swap3A_726] {strides = array<i32>} : memref<40x1024xf32, #tpu.memory_space<vmem>>, vector<1x16xf32>,
        %swap3A_728 = vector.shape_cast %swap3A_727 : vector<1x16xf32> to vector<16xf32>
        %swap3A_729 = vector.shape_cast %select_n3A_724 : vector<16xf32> to vector<1x16xf32>
        tpu.vector_store %arg5[%swap3A_725, %swap3A_726], %swap3A_729 {strides = array<i32>} : memref<40x1024xf32, #tpu.memory_space<vmem>>, vector<1x16xf32>,
        %get3A_730 = arith.index_cast %select_n3A_62 : i32 to index
        %get3A_731 = arith.constant 656 : index
        %get3A_732 = tpu.vector_load %arg4[%get3A_730, %get3A_731] {strides = array<i32>} : memref<26x1024xi32, #tpu.memory_space<vmem>>, vector<1x16xi32>,
        %get3A_733 = vector.shape_cast %get3A_732 : vector<1x16xi32> to vector<16xi32>
        %eq3A_734 = vector.broadcast %add3A_77 : i32 to vector<16xi32>
        %eq3A_735 = arith.cmpi eq, %get3A_733, %eq3A_734 : vector<16xi32>
        %jit3A_736 = arith.constant 1.000000e+00 : f32
        %jit3A_737 = arith.constant 0.000000e+00 : f32
        %broadcast_in_dim3A_738 = vector.broadcast %jit3A_736 : f32 to vector<16xf32>
        %broadcast_in_dim3A_739 = vector.broadcast %jit3A_737 : f32 to vector<16xf32>
        %select_n3A_740 = arith.select %eq3A_735, %broadcast_in_dim3A_738, %broadcast_in_dim3A_739 : vector<16xi1>, vector<16xf32>
        %swap3A_741 = arith.index_cast %scan3A_75 : i32 to index
        %swap3A_742 = arith.constant 656 : index
        %swap3A_743 = tpu.vector_load %arg5[%swap3A_741, %swap3A_742] {strides = array<i32>} : memref<40x1024xf32, #tpu.memory_space<vmem>>, vector<1x16xf32>,
        %swap3A_744 = vector.shape_cast %swap3A_743 : vector<1x16xf32> to vector<16xf32>
        %swap3A_745 = vector.shape_cast %select_n3A_740 : vector<16xf32> to vector<1x16xf32>
        tpu.vector_store %arg5[%swap3A_741, %swap3A_742], %swap3A_745 {strides = array<i32>} : memref<40x1024xf32, #tpu.memory_space<vmem>>, vector<1x16xf32>,
        %get3A_746 = arith.index_cast %select_n3A_62 : i32 to index
        %get3A_747 = arith.constant 672 : index
        %get3A_748 = tpu.vector_load %arg4[%get3A_746, %get3A_747] {strides = array<i32>} : memref<26x1024xi32, #tpu.memory_space<vmem>>, vector<1x16xi32>,
        %get3A_749 = vector.shape_cast %get3A_748 : vector<1x16xi32> to vector<16xi32>
        %eq3A_750 = vector.broadcast %add3A_77 : i32 to vector<16xi32>
        %eq3A_751 = arith.cmpi eq, %get3A_749, %eq3A_750 : vector<16xi32>
        %jit3A_752 = arith.constant 1.000000e+00 : f32
        %jit3A_753 = arith.constant 0.000000e+00 : f32
        %broadcast_in_dim3A_754 = vector.broadcast %jit3A_752 : f32 to vector<16xf32>
        %broadcast_in_dim3A_755 = vector.broadcast %jit3A_753 : f32 to vector<16xf32>
        %select_n3A_756 = arith.select %eq3A_751, %broadcast_in_dim3A_754, %broadcast_in_dim3A_755 : vector<16xi1>, vector<16xf32>
        %swap3A_757 = arith.index_cast %scan3A_75 : i32 to index
        %swap3A_758 = arith.constant 672 : index
        %swap3A_759 = tpu.vector_load %arg5[%swap3A_757, %swap3A_758] {strides = array<i32>} : memref<40x1024xf32, #tpu.memory_space<vmem>>, vector<1x16xf32>,
        %swap3A_760 = vector.shape_cast %swap3A_759 : vector<1x16xf32> to vector<16xf32>
        %swap3A_761 = vector.shape_cast %select_n3A_756 : vector<16xf32> to vector<1x16xf32>
        tpu.vector_store %arg5[%swap3A_757, %swap3A_758], %swap3A_761 {strides = array<i32>} : memref<40x1024xf32, #tpu.memory_space<vmem>>, vector<1x16xf32>,
        %get3A_762 = arith.index_cast %select_n3A_62 : i32 to index
        %get3A_763 = arith.constant 688 : index
        %get3A_764 = tpu.vector_load %arg4[%get3A_762, %get3A_763] {strides = array<i32>} : memref<26x1024xi32, #tpu.memory_space<vmem>>, vector<1x16xi32>,
        %get3A_765 = vector.shape_cast %get3A_764 : vector<1x16xi32> to vector<16xi32>
        %eq3A_766 = vector.broadcast %add3A_77 : i32 to vector<16xi32>
        %eq3A_767 = arith.cmpi eq, %get3A_765, %eq3A_766 : vector<16xi32>
        %jit3A_768 = arith.constant 1.000000e+00 : f32
        %jit3A_769 = arith.constant 0.000000e+00 : f32
        %broadcast_in_dim3A_770 = vector.broadcast %jit3A_768 : f32 to vector<16xf32>
        %broadcast_in_dim3A_771 = vector.broadcast %jit3A_769 : f32 to vector<16xf32>
        %select_n3A_772 = arith.select %eq3A_767, %broadcast_in_dim3A_770, %broadcast_in_dim3A_771 : vector<16xi1>, vector<16xf32>
        %swap3A_773 = arith.index_cast %scan3A_75 : i32 to index
        %swap3A_774 = arith.constant 688 : index
        %swap3A_775 = tpu.vector_load %arg5[%swap3A_773, %swap3A_774] {strides = array<i32>} : memref<40x1024xf32, #tpu.memory_space<vmem>>, vector<1x16xf32>,
        %swap3A_776 = vector.shape_cast %swap3A_775 : vector<1x16xf32> to vector<16xf32>
        %swap3A_777 = vector.shape_cast %select_n3A_772 : vector<16xf32> to vector<1x16xf32>
        tpu.vector_store %arg5[%swap3A_773, %swap3A_774], %swap3A_777 {strides = array<i32>} : memref<40x1024xf32, #tpu.memory_space<vmem>>, vector<1x16xf32>,
        %get3A_778 = arith.index_cast %select_n3A_62 : i32 to index
        %get3A_779 = arith.constant 704 : index
        %get3A_780 = tpu.vector_load %arg4[%get3A_778, %get3A_779] {strides = array<i32>} : memref<26x1024xi32, #tpu.memory_space<vmem>>, vector<1x16xi32>,
        %get3A_781 = vector.shape_cast %get3A_780 : vector<1x16xi32> to vector<16xi32>
        %eq3A_782 = vector.broadcast %add3A_77 : i32 to vector<16xi32>
        %eq3A_783 = arith.cmpi eq, %get3A_781, %eq3A_782 : vector<16xi32>
        %jit3A_784 = arith.constant 1.000000e+00 : f32
        %jit3A_785 = arith.constant 0.000000e+00 : f32
        %broadcast_in_dim3A_786 = vector.broadcast %jit3A_784 : f32 to vector<16xf32>
        %broadcast_in_dim3A_787 = vector.broadcast %jit3A_785 : f32 to vector<16xf32>
        %select_n3A_788 = arith.select %eq3A_783, %broadcast_in_dim3A_786, %broadcast_in_dim3A_787 : vector<16xi1>, vector<16xf32>
        %swap3A_789 = arith.index_cast %scan3A_75 : i32 to index
        %swap3A_790 = arith.constant 704 : index
        %swap3A_791 = tpu.vector_load %arg5[%swap3A_789, %swap3A_790] {strides = array<i32>} : memref<40x1024xf32, #tpu.memory_space<vmem>>, vector<1x16xf32>,
        %swap3A_792 = vector.shape_cast %swap3A_791 : vector<1x16xf32> to vector<16xf32>
        %swap3A_793 = vector.shape_cast %select_n3A_788 : vector<16xf32> to vector<1x16xf32>
        tpu.vector_store %arg5[%swap3A_789, %swap3A_790], %swap3A_793 {strides = array<i32>} : memref<40x1024xf32, #tpu.memory_space<vmem>>, vector<1x16xf32>,
        %get3A_794 = arith.index_cast %select_n3A_62 : i32 to index
        %get3A_795 = arith.constant 720 : index
        %get3A_796 = tpu.vector_load %arg4[%get3A_794, %get3A_795] {strides = array<i32>} : memref<26x1024xi32, #tpu.memory_space<vmem>>, vector<1x16xi32>,
        %get3A_797 = vector.shape_cast %get3A_796 : vector<1x16xi32> to vector<16xi32>
        %eq3A_798 = vector.broadcast %add3A_77 : i32 to vector<16xi32>
        %eq3A_799 = arith.cmpi eq, %get3A_797, %eq3A_798 : vector<16xi32>
        %jit3A_800 = arith.constant 1.000000e+00 : f32
        %jit3A_801 = arith.constant 0.000000e+00 : f32
        %broadcast_in_dim3A_802 = vector.broadcast %jit3A_800 : f32 to vector<16xf32>
        %broadcast_in_dim3A_803 = vector.broadcast %jit3A_801 : f32 to vector<16xf32>
        %select_n3A_804 = arith.select %eq3A_799, %broadcast_in_dim3A_802, %broadcast_in_dim3A_803 : vector<16xi1>, vector<16xf32>
        %swap3A_805 = arith.index_cast %scan3A_75 : i32 to index
        %swap3A_806 = arith.constant 720 : index
        %swap3A_807 = tpu.vector_load %arg5[%swap3A_805, %swap3A_806] {strides = array<i32>} : memref<40x1024xf32, #tpu.memory_space<vmem>>, vector<1x16xf32>,
        %swap3A_808 = vector.shape_cast %swap3A_807 : vector<1x16xf32> to vector<16xf32>
        %swap3A_809 = vector.shape_cast %select_n3A_804 : vector<16xf32> to vector<1x16xf32>
        tpu.vector_store %arg5[%swap3A_805, %swap3A_806], %swap3A_809 {strides = array<i32>} : memref<40x1024xf32, #tpu.memory_space<vmem>>, vector<1x16xf32>,
        %get3A_810 = arith.index_cast %select_n3A_62 : i32 to index
        %get3A_811 = arith.constant 736 : index
        %get3A_812 = tpu.vector_load %arg4[%get3A_810, %get3A_811] {strides = array<i32>} : memref<26x1024xi32, #tpu.memory_space<vmem>>, vector<1x16xi32>,
        %get3A_813 = vector.shape_cast %get3A_812 : vector<1x16xi32> to vector<16xi32>
        %eq3A_814 = vector.broadcast %add3A_77 : i32 to vector<16xi32>
        %eq3A_815 = arith.cmpi eq, %get3A_813, %eq3A_814 : vector<16xi32>
        %jit3A_816 = arith.constant 1.000000e+00 : f32
        %jit3A_817 = arith.constant 0.000000e+00 : f32
        %broadcast_in_dim3A_818 = vector.broadcast %jit3A_816 : f32 to vector<16xf32>
        %broadcast_in_dim3A_819 = vector.broadcast %jit3A_817 : f32 to vector<16xf32>
        %select_n3A_820 = arith.select %eq3A_815, %broadcast_in_dim3A_818, %broadcast_in_dim3A_819 : vector<16xi1>, vector<16xf32>
        %swap3A_821 = arith.index_cast %scan3A_75 : i32 to index
        %swap3A_822 = arith.constant 736 : index
        %swap3A_823 = tpu.vector_load %arg5[%swap3A_821, %swap3A_822] {strides = array<i32>} : memref<40x1024xf32, #tpu.memory_space<vmem>>, vector<1x16xf32>,
        %swap3A_824 = vector.shape_cast %swap3A_823 : vector<1x16xf32> to vector<16xf32>
        %swap3A_825 = vector.shape_cast %select_n3A_820 : vector<16xf32> to vector<1x16xf32>
        tpu.vector_store %arg5[%swap3A_821, %swap3A_822], %swap3A_825 {strides = array<i32>} : memref<40x1024xf32, #tpu.memory_space<vmem>>, vector<1x16xf32>,
        %get3A_826 = arith.index_cast %select_n3A_62 : i32 to index
        %get3A_827 = arith.constant 752 : index
        %get3A_828 = tpu.vector_load %arg4[%get3A_826, %get3A_827] {strides = array<i32>} : memref<26x1024xi32, #tpu.memory_space<vmem>>, vector<1x16xi32>,
        %get3A_829 = vector.shape_cast %get3A_828 : vector<1x16xi32> to vector<16xi32>
        %eq3A_830 = vector.broadcast %add3A_77 : i32 to vector<16xi32>
        %eq3A_831 = arith.cmpi eq, %get3A_829, %eq3A_830 : vector<16xi32>
        %jit3A_832 = arith.constant 1.000000e+00 : f32
        %jit3A_833 = arith.constant 0.000000e+00 : f32
        %broadcast_in_dim3A_834 = vector.broadcast %jit3A_832 : f32 to vector<16xf32>
        %broadcast_in_dim3A_835 = vector.broadcast %jit3A_833 : f32 to vector<16xf32>
        %select_n3A_836 = arith.select %eq3A_831, %broadcast_in_dim3A_834, %broadcast_in_dim3A_835 : vector<16xi1>, vector<16xf32>
        %swap3A_837 = arith.index_cast %scan3A_75 : i32 to index
        %swap3A_838 = arith.constant 752 : index
        %swap3A_839 = tpu.vector_load %arg5[%swap3A_837, %swap3A_838] {strides = array<i32>} : memref<40x1024xf32, #tpu.memory_space<vmem>>, vector<1x16xf32>,
        %swap3A_840 = vector.shape_cast %swap3A_839 : vector<1x16xf32> to vector<16xf32>
        %swap3A_841 = vector.shape_cast %select_n3A_836 : vector<16xf32> to vector<1x16xf32>
        tpu.vector_store %arg5[%swap3A_837, %swap3A_838], %swap3A_841 {strides = array<i32>} : memref<40x1024xf32, #tpu.memory_space<vmem>>, vector<1x16xf32>,
        %get3A_842 = arith.index_cast %select_n3A_62 : i32 to index
        %get3A_843 = arith.constant 768 : index
        %get3A_844 = tpu.vector_load %arg4[%get3A_842, %get3A_843] {strides = array<i32>} : memref<26x1024xi32, #tpu.memory_space<vmem>>, vector<1x16xi32>,
        %get3A_845 = vector.shape_cast %get3A_844 : vector<1x16xi32> to vector<16xi32>
        %eq3A_846 = vector.broadcast %add3A_77 : i32 to vector<16xi32>
        %eq3A_847 = arith.cmpi eq, %get3A_845, %eq3A_846 : vector<16xi32>
        %jit3A_848 = arith.constant 1.000000e+00 : f32
        %jit3A_849 = arith.constant 0.000000e+00 : f32
        %broadcast_in_dim3A_850 = vector.broadcast %jit3A_848 : f32 to vector<16xf32>
        %broadcast_in_dim3A_851 = vector.broadcast %jit3A_849 : f32 to vector<16xf32>
        %select_n3A_852 = arith.select %eq3A_847, %broadcast_in_dim3A_850, %broadcast_in_dim3A_851 : vector<16xi1>, vector<16xf32>
        %swap3A_853 = arith.index_cast %scan3A_75 : i32 to index
        %swap3A_854 = arith.constant 768 : index
        %swap3A_855 = tpu.vector_load %arg5[%swap3A_853, %swap3A_854] {strides = array<i32>} : memref<40x1024xf32, #tpu.memory_space<vmem>>, vector<1x16xf32>,
        %swap3A_856 = vector.shape_cast %swap3A_855 : vector<1x16xf32> to vector<16xf32>
        %swap3A_857 = vector.shape_cast %select_n3A_852 : vector<16xf32> to vector<1x16xf32>
        tpu.vector_store %arg5[%swap3A_853, %swap3A_854], %swap3A_857 {strides = array<i32>} : memref<40x1024xf32, #tpu.memory_space<vmem>>, vector<1x16xf32>,
        %get3A_858 = arith.index_cast %select_n3A_62 : i32 to index
        %get3A_859 = arith.constant 784 : index
        %get3A_860 = tpu.vector_load %arg4[%get3A_858, %get3A_859] {strides = array<i32>} : memref<26x1024xi32, #tpu.memory_space<vmem>>, vector<1x16xi32>,
        %get3A_861 = vector.shape_cast %get3A_860 : vector<1x16xi32> to vector<16xi32>
        %eq3A_862 = vector.broadcast %add3A_77 : i32 to vector<16xi32>
        %eq3A_863 = arith.cmpi eq, %get3A_861, %eq3A_862 : vector<16xi32>
        %jit3A_864 = arith.constant 1.000000e+00 : f32
        %jit3A_865 = arith.constant 0.000000e+00 : f32
        %broadcast_in_dim3A_866 = vector.broadcast %jit3A_864 : f32 to vector<16xf32>
        %broadcast_in_dim3A_867 = vector.broadcast %jit3A_865 : f32 to vector<16xf32>
        %select_n3A_868 = arith.select %eq3A_863, %broadcast_in_dim3A_866, %broadcast_in_dim3A_867 : vector<16xi1>, vector<16xf32>
        %swap3A_869 = arith.index_cast %scan3A_75 : i32 to index
        %swap3A_870 = arith.constant 784 : index
        %swap3A_871 = tpu.vector_load %arg5[%swap3A_869, %swap3A_870] {strides = array<i32>} : memref<40x1024xf32, #tpu.memory_space<vmem>>, vector<1x16xf32>,
        %swap3A_872 = vector.shape_cast %swap3A_871 : vector<1x16xf32> to vector<16xf32>
        %swap3A_873 = vector.shape_cast %select_n3A_868 : vector<16xf32> to vector<1x16xf32>
        tpu.vector_store %arg5[%swap3A_869, %swap3A_870], %swap3A_873 {strides = array<i32>} : memref<40x1024xf32, #tpu.memory_space<vmem>>, vector<1x16xf32>,
        %get3A_874 = arith.index_cast %select_n3A_62 : i32 to index
        %get3A_875 = arith.constant 800 : index
        %get3A_876 = tpu.vector_load %arg4[%get3A_874, %get3A_875] {strides = array<i32>} : memref<26x1024xi32, #tpu.memory_space<vmem>>, vector<1x16xi32>,
        %get3A_877 = vector.shape_cast %get3A_876 : vector<1x16xi32> to vector<16xi32>
        %eq3A_878 = vector.broadcast %add3A_77 : i32 to vector<16xi32>
        %eq3A_879 = arith.cmpi eq, %get3A_877, %eq3A_878 : vector<16xi32>
        %jit3A_880 = arith.constant 1.000000e+00 : f32
        %jit3A_881 = arith.constant 0.000000e+00 : f32
        %broadcast_in_dim3A_882 = vector.broadcast %jit3A_880 : f32 to vector<16xf32>
        %broadcast_in_dim3A_883 = vector.broadcast %jit3A_881 : f32 to vector<16xf32>
        %select_n3A_884 = arith.select %eq3A_879, %broadcast_in_dim3A_882, %broadcast_in_dim3A_883 : vector<16xi1>, vector<16xf32>
        %swap3A_885 = arith.index_cast %scan3A_75 : i32 to index
        %swap3A_886 = arith.constant 800 : index
        %swap3A_887 = tpu.vector_load %arg5[%swap3A_885, %swap3A_886] {strides = array<i32>} : memref<40x1024xf32, #tpu.memory_space<vmem>>, vector<1x16xf32>,
        %swap3A_888 = vector.shape_cast %swap3A_887 : vector<1x16xf32> to vector<16xf32>
        %swap3A_889 = vector.shape_cast %select_n3A_884 : vector<16xf32> to vector<1x16xf32>
        tpu.vector_store %arg5[%swap3A_885, %swap3A_886], %swap3A_889 {strides = array<i32>} : memref<40x1024xf32, #tpu.memory_space<vmem>>, vector<1x16xf32>,
        %get3A_890 = arith.index_cast %select_n3A_62 : i32 to index
        %get3A_891 = arith.constant 816 : index
        %get3A_892 = tpu.vector_load %arg4[%get3A_890, %get3A_891] {strides = array<i32>} : memref<26x1024xi32, #tpu.memory_space<vmem>>, vector<1x16xi32>,
        %get3A_893 = vector.shape_cast %get3A_892 : vector<1x16xi32> to vector<16xi32>
        %eq3A_894 = vector.broadcast %add3A_77 : i32 to vector<16xi32>
        %eq3A_895 = arith.cmpi eq, %get3A_893, %eq3A_894 : vector<16xi32>
        %jit3A_896 = arith.constant 1.000000e+00 : f32
        %jit3A_897 = arith.constant 0.000000e+00 : f32
        %broadcast_in_dim3A_898 = vector.broadcast %jit3A_896 : f32 to vector<16xf32>
        %broadcast_in_dim3A_899 = vector.broadcast %jit3A_897 : f32 to vector<16xf32>
        %select_n3A_900 = arith.select %eq3A_895, %broadcast_in_dim3A_898, %broadcast_in_dim3A_899 : vector<16xi1>, vector<16xf32>
        %swap3A_901 = arith.index_cast %scan3A_75 : i32 to index
        %swap3A_902 = arith.constant 816 : index
        %swap3A_903 = tpu.vector_load %arg5[%swap3A_901, %swap3A_902] {strides = array<i32>} : memref<40x1024xf32, #tpu.memory_space<vmem>>, vector<1x16xf32>,
        %swap3A_904 = vector.shape_cast %swap3A_903 : vector<1x16xf32> to vector<16xf32>
        %swap3A_905 = vector.shape_cast %select_n3A_900 : vector<16xf32> to vector<1x16xf32>
        tpu.vector_store %arg5[%swap3A_901, %swap3A_902], %swap3A_905 {strides = array<i32>} : memref<40x1024xf32, #tpu.memory_space<vmem>>, vector<1x16xf32>,
        %get3A_906 = arith.index_cast %select_n3A_62 : i32 to index
        %get3A_907 = arith.constant 832 : index
        %get3A_908 = tpu.vector_load %arg4[%get3A_906, %get3A_907] {strides = array<i32>} : memref<26x1024xi32, #tpu.memory_space<vmem>>, vector<1x16xi32>,
        %get3A_909 = vector.shape_cast %get3A_908 : vector<1x16xi32> to vector<16xi32>
        %eq3A_910 = vector.broadcast %add3A_77 : i32 to vector<16xi32>
        %eq3A_911 = arith.cmpi eq, %get3A_909, %eq3A_910 : vector<16xi32>
        %jit3A_912 = arith.constant 1.000000e+00 : f32
        %jit3A_913 = arith.constant 0.000000e+00 : f32
        %broadcast_in_dim3A_914 = vector.broadcast %jit3A_912 : f32 to vector<16xf32>
        %broadcast_in_dim3A_915 = vector.broadcast %jit3A_913 : f32 to vector<16xf32>
        %select_n3A_916 = arith.select %eq3A_911, %broadcast_in_dim3A_914, %broadcast_in_dim3A_915 : vector<16xi1>, vector<16xf32>
        %swap3A_917 = arith.index_cast %scan3A_75 : i32 to index
        %swap3A_918 = arith.constant 832 : index
        %swap3A_919 = tpu.vector_load %arg5[%swap3A_917, %swap3A_918] {strides = array<i32>} : memref<40x1024xf32, #tpu.memory_space<vmem>>, vector<1x16xf32>,
        %swap3A_920 = vector.shape_cast %swap3A_919 : vector<1x16xf32> to vector<16xf32>
        %swap3A_921 = vector.shape_cast %select_n3A_916 : vector<16xf32> to vector<1x16xf32>
        tpu.vector_store %arg5[%swap3A_917, %swap3A_918], %swap3A_921 {strides = array<i32>} : memref<40x1024xf32, #tpu.memory_space<vmem>>, vector<1x16xf32>,
        %get3A_922 = arith.index_cast %select_n3A_62 : i32 to index
        %get3A_923 = arith.constant 848 : index
        %get3A_924 = tpu.vector_load %arg4[%get3A_922, %get3A_923] {strides = array<i32>} : memref<26x1024xi32, #tpu.memory_space<vmem>>, vector<1x16xi32>,
        %get3A_925 = vector.shape_cast %get3A_924 : vector<1x16xi32> to vector<16xi32>
        %eq3A_926 = vector.broadcast %add3A_77 : i32 to vector<16xi32>
        %eq3A_927 = arith.cmpi eq, %get3A_925, %eq3A_926 : vector<16xi32>
        %jit3A_928 = arith.constant 1.000000e+00 : f32
        %jit3A_929 = arith.constant 0.000000e+00 : f32
        %broadcast_in_dim3A_930 = vector.broadcast %jit3A_928 : f32 to vector<16xf32>
        %broadcast_in_dim3A_931 = vector.broadcast %jit3A_929 : f32 to vector<16xf32>
        %select_n3A_932 = arith.select %eq3A_927, %broadcast_in_dim3A_930, %broadcast_in_dim3A_931 : vector<16xi1>, vector<16xf32>
        %swap3A_933 = arith.index_cast %scan3A_75 : i32 to index
        %swap3A_934 = arith.constant 848 : index
        %swap3A_935 = tpu.vector_load %arg5[%swap3A_933, %swap3A_934] {strides = array<i32>} : memref<40x1024xf32, #tpu.memory_space<vmem>>, vector<1x16xf32>,
        %swap3A_936 = vector.shape_cast %swap3A_935 : vector<1x16xf32> to vector<16xf32>
        %swap3A_937 = vector.shape_cast %select_n3A_932 : vector<16xf32> to vector<1x16xf32>
        tpu.vector_store %arg5[%swap3A_933, %swap3A_934], %swap3A_937 {strides = array<i32>} : memref<40x1024xf32, #tpu.memory_space<vmem>>, vector<1x16xf32>,
        %get3A_938 = arith.index_cast %select_n3A_62 : i32 to index
        %get3A_939 = arith.constant 864 : index
        %get3A_940 = tpu.vector_load %arg4[%get3A_938, %get3A_939] {strides = array<i32>} : memref<26x1024xi32, #tpu.memory_space<vmem>>, vector<1x16xi32>,
        %get3A_941 = vector.shape_cast %get3A_940 : vector<1x16xi32> to vector<16xi32>
        %eq3A_942 = vector.broadcast %add3A_77 : i32 to vector<16xi32>
        %eq3A_943 = arith.cmpi eq, %get3A_941, %eq3A_942 : vector<16xi32>
        %jit3A_944 = arith.constant 1.000000e+00 : f32
        %jit3A_945 = arith.constant 0.000000e+00 : f32
        %broadcast_in_dim3A_946 = vector.broadcast %jit3A_944 : f32 to vector<16xf32>
        %broadcast_in_dim3A_947 = vector.broadcast %jit3A_945 : f32 to vector<16xf32>
        %select_n3A_948 = arith.select %eq3A_943, %broadcast_in_dim3A_946, %broadcast_in_dim3A_947 : vector<16xi1>, vector<16xf32>
        %swap3A_949 = arith.index_cast %scan3A_75 : i32 to index
        %swap3A_950 = arith.constant 864 : index
        %swap3A_951 = tpu.vector_load %arg5[%swap3A_949, %swap3A_950] {strides = array<i32>} : memref<40x1024xf32, #tpu.memory_space<vmem>>, vector<1x16xf32>,
        %swap3A_952 = vector.shape_cast %swap3A_951 : vector<1x16xf32> to vector<16xf32>
        %swap3A_953 = vector.shape_cast %select_n3A_948 : vector<16xf32> to vector<1x16xf32>
        tpu.vector_store %arg5[%swap3A_949, %swap3A_950], %swap3A_953 {strides = array<i32>} : memref<40x1024xf32, #tpu.memory_space<vmem>>, vector<1x16xf32>,
        %get3A_954 = arith.index_cast %select_n3A_62 : i32 to index
        %get3A_955 = arith.constant 880 : index
        %get3A_956 = tpu.vector_load %arg4[%get3A_954, %get3A_955] {strides = array<i32>} : memref<26x1024xi32, #tpu.memory_space<vmem>>, vector<1x16xi32>,
        %get3A_957 = vector.shape_cast %get3A_956 : vector<1x16xi32> to vector<16xi32>
        %eq3A_958 = vector.broadcast %add3A_77 : i32 to vector<16xi32>
        %eq3A_959 = arith.cmpi eq, %get3A_957, %eq3A_958 : vector<16xi32>
        %jit3A_960 = arith.constant 1.000000e+00 : f32
        %jit3A_961 = arith.constant 0.000000e+00 : f32
        %broadcast_in_dim3A_962 = vector.broadcast %jit3A_960 : f32 to vector<16xf32>
        %broadcast_in_dim3A_963 = vector.broadcast %jit3A_961 : f32 to vector<16xf32>
        %select_n3A_964 = arith.select %eq3A_959, %broadcast_in_dim3A_962, %broadcast_in_dim3A_963 : vector<16xi1>, vector<16xf32>
        %swap3A_965 = arith.index_cast %scan3A_75 : i32 to index
        %swap3A_966 = arith.constant 880 : index
        %swap3A_967 = tpu.vector_load %arg5[%swap3A_965, %swap3A_966] {strides = array<i32>} : memref<40x1024xf32, #tpu.memory_space<vmem>>, vector<1x16xf32>,
        %swap3A_968 = vector.shape_cast %swap3A_967 : vector<1x16xf32> to vector<16xf32>
        %swap3A_969 = vector.shape_cast %select_n3A_964 : vector<16xf32> to vector<1x16xf32>
        tpu.vector_store %arg5[%swap3A_965, %swap3A_966], %swap3A_969 {strides = array<i32>} : memref<40x1024xf32, #tpu.memory_space<vmem>>, vector<1x16xf32>,
        %get3A_970 = arith.index_cast %select_n3A_62 : i32 to index
        %get3A_971 = arith.constant 896 : index
        %get3A_972 = tpu.vector_load %arg4[%get3A_970, %get3A_971] {strides = array<i32>} : memref<26x1024xi32, #tpu.memory_space<vmem>>, vector<1x16xi32>,
        %get3A_973 = vector.shape_cast %get3A_972 : vector<1x16xi32> to vector<16xi32>
        %eq3A_974 = vector.broadcast %add3A_77 : i32 to vector<16xi32>
        %eq3A_975 = arith.cmpi eq, %get3A_973, %eq3A_974 : vector<16xi32>
        %jit3A_976 = arith.constant 1.000000e+00 : f32
        %jit3A_977 = arith.constant 0.000000e+00 : f32
        %broadcast_in_dim3A_978 = vector.broadcast %jit3A_976 : f32 to vector<16xf32>
        %broadcast_in_dim3A_979 = vector.broadcast %jit3A_977 : f32 to vector<16xf32>
        %select_n3A_980 = arith.select %eq3A_975, %broadcast_in_dim3A_978, %broadcast_in_dim3A_979 : vector<16xi1>, vector<16xf32>
        %swap3A_981 = arith.index_cast %scan3A_75 : i32 to index
        %swap3A_982 = arith.constant 896 : index
        %swap3A_983 = tpu.vector_load %arg5[%swap3A_981, %swap3A_982] {strides = array<i32>} : memref<40x1024xf32, #tpu.memory_space<vmem>>, vector<1x16xf32>,
        %swap3A_984 = vector.shape_cast %swap3A_983 : vector<1x16xf32> to vector<16xf32>
        %swap3A_985 = vector.shape_cast %select_n3A_980 : vector<16xf32> to vector<1x16xf32>
        tpu.vector_store %arg5[%swap3A_981, %swap3A_982], %swap3A_985 {strides = array<i32>} : memref<40x1024xf32, #tpu.memory_space<vmem>>, vector<1x16xf32>,
        %get3A_986 = arith.index_cast %select_n3A_62 : i32 to index
        %get3A_987 = arith.constant 912 : index
        %get3A_988 = tpu.vector_load %arg4[%get3A_986, %get3A_987] {strides = array<i32>} : memref<26x1024xi32, #tpu.memory_space<vmem>>, vector<1x16xi32>,
        %get3A_989 = vector.shape_cast %get3A_988 : vector<1x16xi32> to vector<16xi32>
        %eq3A_990 = vector.broadcast %add3A_77 : i32 to vector<16xi32>
        %eq3A_991 = arith.cmpi eq, %get3A_989, %eq3A_990 : vector<16xi32>
        %jit3A_992 = arith.constant 1.000000e+00 : f32
        %jit3A_993 = arith.constant 0.000000e+00 : f32
        %broadcast_in_dim3A_994 = vector.broadcast %jit3A_992 : f32 to vector<16xf32>
        %broadcast_in_dim3A_995 = vector.broadcast %jit3A_993 : f32 to vector<16xf32>
        %select_n3A_996 = arith.select %eq3A_991, %broadcast_in_dim3A_994, %broadcast_in_dim3A_995 : vector<16xi1>, vector<16xf32>
        %swap3A_997 = arith.index_cast %scan3A_75 : i32 to index
        %swap3A_998 = arith.constant 912 : index
        %swap3A_999 = tpu.vector_load %arg5[%swap3A_997, %swap3A_998] {strides = array<i32>} : memref<40x1024xf32, #tpu.memory_space<vmem>>, vector<1x16xf32>,
        %swap3A_1000 = vector.shape_cast %swap3A_999 : vector<1x16xf32> to vector<16xf32>
        %swap3A_1001 = vector.shape_cast %select_n3A_996 : vector<16xf32> to vector<1x16xf32>
        tpu.vector_store %arg5[%swap3A_997, %swap3A_998], %swap3A_1001 {strides = array<i32>} : memref<40x1024xf32, #tpu.memory_space<vmem>>, vector<1x16xf32>,
        %get3A_1002 = arith.index_cast %select_n3A_62 : i32 to index
        %get3A_1003 = arith.constant 928 : index
        %get3A_1004 = tpu.vector_load %arg4[%get3A_1002, %get3A_1003] {strides = array<i32>} : memref<26x1024xi32, #tpu.memory_space<vmem>>, vector<1x16xi32>,
        %get3A_1005 = vector.shape_cast %get3A_1004 : vector<1x16xi32> to vector<16xi32>
        %eq3A_1006 = vector.broadcast %add3A_77 : i32 to vector<16xi32>
        %eq3A_1007 = arith.cmpi eq, %get3A_1005, %eq3A_1006 : vector<16xi32>
        %jit3A_1008 = arith.constant 1.000000e+00 : f32
        %jit3A_1009 = arith.constant 0.000000e+00 : f32
        %broadcast_in_dim3A_1010 = vector.broadcast %jit3A_1008 : f32 to vector<16xf32>
        %broadcast_in_dim3A_1011 = vector.broadcast %jit3A_1009 : f32 to vector<16xf32>
        %select_n3A_1012 = arith.select %eq3A_1007, %broadcast_in_dim3A_1010, %broadcast_in_dim3A_1011 : vector<16xi1>, vector<16xf32>
        %swap3A_1013 = arith.index_cast %scan3A_75 : i32 to index
        %swap3A_1014 = arith.constant 928 : index
        %swap3A_1015 = tpu.vector_load %arg5[%swap3A_1013, %swap3A_1014] {strides = array<i32>} : memref<40x1024xf32, #tpu.memory_space<vmem>>, vector<1x16xf32>,
        %swap3A_1016 = vector.shape_cast %swap3A_1015 : vector<1x16xf32> to vector<16xf32>
        %swap3A_1017 = vector.shape_cast %select_n3A_1012 : vector<16xf32> to vector<1x16xf32>
        tpu.vector_store %arg5[%swap3A_1013, %swap3A_1014], %swap3A_1017 {strides = array<i32>} : memref<40x1024xf32, #tpu.memory_space<vmem>>, vector<1x16xf32>,
        %get3A_1018 = arith.index_cast %select_n3A_62 : i32 to index
        %get3A_1019 = arith.constant 944 : index
        %get3A_1020 = tpu.vector_load %arg4[%get3A_1018, %get3A_1019] {strides = array<i32>} : memref<26x1024xi32, #tpu.memory_space<vmem>>, vector<1x16xi32>,
        %get3A_1021 = vector.shape_cast %get3A_1020 : vector<1x16xi32> to vector<16xi32>
        %eq3A_1022 = vector.broadcast %add3A_77 : i32 to vector<16xi32>
        %eq3A_1023 = arith.cmpi eq, %get3A_1021, %eq3A_1022 : vector<16xi32>
        %jit3A_1024 = arith.constant 1.000000e+00 : f32
        %jit3A_1025 = arith.constant 0.000000e+00 : f32
        %broadcast_in_dim3A_1026 = vector.broadcast %jit3A_1024 : f32 to vector<16xf32>
        %broadcast_in_dim3A_1027 = vector.broadcast %jit3A_1025 : f32 to vector<16xf32>
        %select_n3A_1028 = arith.select %eq3A_1023, %broadcast_in_dim3A_1026, %broadcast_in_dim3A_1027 : vector<16xi1>, vector<16xf32>
        %swap3A_1029 = arith.index_cast %scan3A_75 : i32 to index
        %swap3A_1030 = arith.constant 944 : index
        %swap3A_1031 = tpu.vector_load %arg5[%swap3A_1029, %swap3A_1030] {strides = array<i32>} : memref<40x1024xf32, #tpu.memory_space<vmem>>, vector<1x16xf32>,
        %swap3A_1032 = vector.shape_cast %swap3A_1031 : vector<1x16xf32> to vector<16xf32>
        %swap3A_1033 = vector.shape_cast %select_n3A_1028 : vector<16xf32> to vector<1x16xf32>
        tpu.vector_store %arg5[%swap3A_1029, %swap3A_1030], %swap3A_1033 {strides = array<i32>} : memref<40x1024xf32, #tpu.memory_space<vmem>>, vector<1x16xf32>,
        %get3A_1034 = arith.index_cast %select_n3A_62 : i32 to index
        %get3A_1035 = arith.constant 960 : index
        %get3A_1036 = tpu.vector_load %arg4[%get3A_1034, %get3A_1035] {strides = array<i32>} : memref<26x1024xi32, #tpu.memory_space<vmem>>, vector<1x16xi32>,
        %get3A_1037 = vector.shape_cast %get3A_1036 : vector<1x16xi32> to vector<16xi32>
        %eq3A_1038 = vector.broadcast %add3A_77 : i32 to vector<16xi32>
        %eq3A_1039 = arith.cmpi eq, %get3A_1037, %eq3A_1038 : vector<16xi32>
        %jit3A_1040 = arith.constant 1.000000e+00 : f32
        %jit3A_1041 = arith.constant 0.000000e+00 : f32
        %broadcast_in_dim3A_1042 = vector.broadcast %jit3A_1040 : f32 to vector<16xf32>
        %broadcast_in_dim3A_1043 = vector.broadcast %jit3A_1041 : f32 to vector<16xf32>
        %select_n3A_1044 = arith.select %eq3A_1039, %broadcast_in_dim3A_1042, %broadcast_in_dim3A_1043 : vector<16xi1>, vector<16xf32>
        %swap3A_1045 = arith.index_cast %scan3A_75 : i32 to index
        %swap3A_1046 = arith.constant 960 : index
        %swap3A_1047 = tpu.vector_load %arg5[%swap3A_1045, %swap3A_1046] {strides = array<i32>} : memref<40x1024xf32, #tpu.memory_space<vmem>>, vector<1x16xf32>,
        %swap3A_1048 = vector.shape_cast %swap3A_1047 : vector<1x16xf32> to vector<16xf32>
        %swap3A_1049 = vector.shape_cast %select_n3A_1044 : vector<16xf32> to vector<1x16xf32>
        tpu.vector_store %arg5[%swap3A_1045, %swap3A_1046], %swap3A_1049 {strides = array<i32>} : memref<40x1024xf32, #tpu.memory_space<vmem>>, vector<1x16xf32>,
        %get3A_1050 = arith.index_cast %select_n3A_62 : i32 to index
        %get3A_1051 = arith.constant 976 : index
        %get3A_1052 = tpu.vector_load %arg4[%get3A_1050, %get3A_1051] {strides = array<i32>} : memref<26x1024xi32, #tpu.memory_space<vmem>>, vector<1x16xi32>,
        %get3A_1053 = vector.shape_cast %get3A_1052 : vector<1x16xi32> to vector<16xi32>
        %eq3A_1054 = vector.broadcast %add3A_77 : i32 to vector<16xi32>
        %eq3A_1055 = arith.cmpi eq, %get3A_1053, %eq3A_1054 : vector<16xi32>
        %jit3A_1056 = arith.constant 1.000000e+00 : f32
        %jit3A_1057 = arith.constant 0.000000e+00 : f32
        %broadcast_in_dim3A_1058 = vector.broadcast %jit3A_1056 : f32 to vector<16xf32>
        %broadcast_in_dim3A_1059 = vector.broadcast %jit3A_1057 : f32 to vector<16xf32>
        %select_n3A_1060 = arith.select %eq3A_1055, %broadcast_in_dim3A_1058, %broadcast_in_dim3A_1059 : vector<16xi1>, vector<16xf32>
        %swap3A_1061 = arith.index_cast %scan3A_75 : i32 to index
        %swap3A_1062 = arith.constant 976 : index
        %swap3A_1063 = tpu.vector_load %arg5[%swap3A_1061, %swap3A_1062] {strides = array<i32>} : memref<40x1024xf32, #tpu.memory_space<vmem>>, vector<1x16xf32>,
        %swap3A_1064 = vector.shape_cast %swap3A_1063 : vector<1x16xf32> to vector<16xf32>
        %swap3A_1065 = vector.shape_cast %select_n3A_1060 : vector<16xf32> to vector<1x16xf32>
        tpu.vector_store %arg5[%swap3A_1061, %swap3A_1062], %swap3A_1065 {strides = array<i32>} : memref<40x1024xf32, #tpu.memory_space<vmem>>, vector<1x16xf32>,
        %get3A_1066 = arith.index_cast %select_n3A_62 : i32 to index
        %get3A_1067 = arith.constant 992 : index
        %get3A_1068 = tpu.vector_load %arg4[%get3A_1066, %get3A_1067] {strides = array<i32>} : memref<26x1024xi32, #tpu.memory_space<vmem>>, vector<1x16xi32>,
        %get3A_1069 = vector.shape_cast %get3A_1068 : vector<1x16xi32> to vector<16xi32>
        %eq3A_1070 = vector.broadcast %add3A_77 : i32 to vector<16xi32>
        %eq3A_1071 = arith.cmpi eq, %get3A_1069, %eq3A_1070 : vector<16xi32>
        %jit3A_1072 = arith.constant 1.000000e+00 : f32
        %jit3A_1073 = arith.constant 0.000000e+00 : f32
        %broadcast_in_dim3A_1074 = vector.broadcast %jit3A_1072 : f32 to vector<16xf32>
        %broadcast_in_dim3A_1075 = vector.broadcast %jit3A_1073 : f32 to vector<16xf32>
        %select_n3A_1076 = arith.select %eq3A_1071, %broadcast_in_dim3A_1074, %broadcast_in_dim3A_1075 : vector<16xi1>, vector<16xf32>
        %swap3A_1077 = arith.index_cast %scan3A_75 : i32 to index
        %swap3A_1078 = arith.constant 992 : index
        %swap3A_1079 = tpu.vector_load %arg5[%swap3A_1077, %swap3A_1078] {strides = array<i32>} : memref<40x1024xf32, #tpu.memory_space<vmem>>, vector<1x16xf32>,
        %swap3A_1080 = vector.shape_cast %swap3A_1079 : vector<1x16xf32> to vector<16xf32>
        %swap3A_1081 = vector.shape_cast %select_n3A_1076 : vector<16xf32> to vector<1x16xf32>
        tpu.vector_store %arg5[%swap3A_1077, %swap3A_1078], %swap3A_1081 {strides = array<i32>} : memref<40x1024xf32, #tpu.memory_space<vmem>>, vector<1x16xf32>,
        %get3A_1082 = arith.index_cast %select_n3A_62 : i32 to index
        %get3A_1083 = arith.constant 1008 : index
        %get3A_1084 = tpu.vector_load %arg4[%get3A_1082, %get3A_1083] {strides = array<i32>} : memref<26x1024xi32, #tpu.memory_space<vmem>>, vector<1x16xi32>,
        %get3A_1085 = vector.shape_cast %get3A_1084 : vector<1x16xi32> to vector<16xi32>
        %eq3A_1086 = vector.broadcast %add3A_77 : i32 to vector<16xi32>
        %eq3A_1087 = arith.cmpi eq, %get3A_1085, %eq3A_1086 : vector<16xi32>
        %jit3A_1088 = arith.constant 1.000000e+00 : f32
        %jit3A_1089 = arith.constant 0.000000e+00 : f32
        %broadcast_in_dim3A_1090 = vector.broadcast %jit3A_1088 : f32 to vector<16xf32>
        %broadcast_in_dim3A_1091 = vector.broadcast %jit3A_1089 : f32 to vector<16xf32>
        %select_n3A_1092 = arith.select %eq3A_1087, %broadcast_in_dim3A_1090, %broadcast_in_dim3A_1091 : vector<16xi1>, vector<16xf32>
        %swap3A_1093 = arith.index_cast %scan3A_75 : i32 to index
        %swap3A_1094 = arith.constant 1008 : index
        %swap3A_1095 = tpu.vector_load %arg5[%swap3A_1093, %swap3A_1094] {strides = array<i32>} : memref<40x1024xf32, #tpu.memory_space<vmem>>, vector<1x16xf32>,
        %swap3A_1096 = vector.shape_cast %swap3A_1095 : vector<1x16xf32> to vector<16xf32>
        %swap3A_1097 = vector.shape_cast %select_n3A_1092 : vector<16xf32> to vector<1x16xf32>
        tpu.vector_store %arg5[%swap3A_1093, %swap3A_1094], %swap3A_1097 {strides = array<i32>} : memref<40x1024xf32, #tpu.memory_space<vmem>>, vector<1x16xf32>,
        %scan3A_1098 = arith.constant 0 : i32
        scf.yield %scan3A_1098 : i32
      }
      %scan3A_73 = arith.constant 40 : i32
      "tpu.region"() ({
        %run_scoped3A = tpu.sem_alloc : memref<!tpu.dma_semaphore, #tpu.memory_space<semaphore_mem>>
        %dma_start3A = arith.constant 0 : i32
        %dma_start3A_75 = tpu.memref_slice %arg3[%select_n3A_62, %multiple_of3A, %dma_start3A] : memref<26x1000x1024xf32, #tpu.memory_space<hbm>> -> memref<1x40x1024xf32, #tpu.memory_space<hbm>>
        %dma_start3A_76 = tpu.memref_squeeze %dma_start3A_75 : memref<1x40x1024xf32, #tpu.memory_space<hbm>> -> memref<40x1024xf32, #tpu.memory_space<hbm>>
        %dma_start3A_77 = arith.constant 0 : i32
        %dma_start3A_78 = tpu.memref_slice %arg3[%select_n3A_62, %multiple_of3A, %dma_start3A_77] : memref<26x1000x1024xf32, #tpu.memory_space<hbm>> -> memref<1x40x1024xf32, #tpu.memory_space<hbm>>
        %dma_start3A_79 = tpu.memref_squeeze %dma_start3A_78 : memref<1x40x1024xf32, #tpu.memory_space<hbm>> -> memref<40x1024xf32, #tpu.memory_space<hbm>>
        tpu.enqueue_dma source(%arg5 : memref<40x1024xf32, #tpu.memory_space<vmem>>) target(%dma_start3A_79 : memref<40x1024xf32, #tpu.memory_space<hbm>>) target_semaphore(%run_scoped3A : memref<!tpu.dma_semaphore, #tpu.memory_space<semaphore_mem>>)
        %dma_wait3A = arith.constant 0 : i32
        %dma_wait3A_80 = tpu.memref_slice %arg3[%select_n3A_62, %multiple_of3A, %dma_wait3A] : memref<26x1000x1024xf32, #tpu.memory_space<hbm>> -> memref<1x40x1024xf32, #tpu.memory_space<hbm>>
        %dma_wait3A_81 = tpu.memref_squeeze %dma_wait3A_80 : memref<1x40x1024xf32, #tpu.memory_space<hbm>> -> memref<40x1024xf32, #tpu.memory_space<hbm>>
        %dma_wait3A_82 = arith.constant 0 : i32
        %dma_wait3A_83 = tpu.memref_slice %arg3[%select_n3A_62, %multiple_of3A, %dma_wait3A_82] : memref<26x1000x1024xf32, #tpu.memory_space<hbm>> -> memref<1x40x1024xf32, #tpu.memory_space<hbm>>
        %dma_wait3A_84 = tpu.memref_squeeze %dma_wait3A_83 : memref<1x40x1024xf32, #tpu.memory_space<hbm>> -> memref<40x1024xf32, #tpu.memory_space<hbm>>
        tpu.wait_dma2 semaphore(%run_scoped3A : memref<!tpu.dma_semaphore, #tpu.memory_space<semaphore_mem>>) src(%arg5 : memref<40x1024xf32, #tpu.memory_space<vmem>>) dst(%dma_wait3A_84 : memref<40x1024xf32, #tpu.memory_space<hbm>>)
        tpu.yield
      }) : () -> ()
      %while3A_74 = arith.constant 0 : i32
      scf.yield %while3A_74 : i32
    }
    return
  }
}

</mosaic_0001>

<sc_bundles>
// kernel: kernel.3.cloned.1.call-start
scs
__scs_entry_jumppad:
0x0: {  	(pc) =	sbr.rel $0x88, $3  }
0x1: {  	(tag) =	ssettag $0x0;
	lr =	simm.s32 $0x1  }
0x2: {  	[smem:$0x3FA0] =	sst lr;
	_ =	strace $0xD0000000  }
0x3: {  	_ = 	snop  }
0x4: {  	_ = 	snop  }
0x5: {  	_ = 	snop  }
0x6: {  	_ = 	snop  }
0x7: {  	_ = 	snop  }
__scs_overlays_trampoline_lowered:
0x8: {  	[smem:$0x3FAF] =	sst s0  }
0x9: {  	[smem:$0x3FB0] =	sst s1  }
0xa: {  	[smem:$0x3FB1] =	sst s2  }
0xb: {  	[smem:$0x3FB2] =	sst s3  }
0xc: {  	[smem:$0x3FB3] =	sst s4  }
0xd: {  	[smem:$0x3FB4] =	sst s5  }
0xe: {  	[smem:$0x3FB5] =	sst s6  }
0xf: {  	[smem:$0x3FB6] =	sst s7  }
0x10: {  	[smem:$0x3FB7] =	sst s8  }
0x11: {  	[smem:$0x3FB8] =	sst s9;
	s0 =	simm.s32 @!p0 $0x0  }
0x12: {  	s1 =	sld [smem:$0x3F9E];
	s0 =	simm.s32 @p0 $0x1  }
0x13: {  	[smem:$0x3FB9] =	sst s0;
	s0 =	simm.s32 @!p1 $0x0  }
0x14: {  	s2 =	sld [smem:$0x3F9D];
	s0 =	simm.s32 @p1 $0x1  }
0x15: {  	[smem:$0x3FBA] =	sst s0;
	s0 =	simm.s32 @!p2 $0x0  }
0x16: {  	s3 =	sld [smem:$0x3FDB];
	s0 =	simm.s32 @p2 $0x1  }
0x17: {  	s4 =	simm.s32 $0x1BF5;
	[smem:$0x3FBC] =	sst s0  }
0x18: {  	s0 =	sld [smem:$0x3F9F];
	_ =	swait.ge [sflag:s4], $0x0  }
0x19: {  	s7 =	sld [smem:$0x3FA0]  }
0x1a: {  	s8 =	sadd.s32 $0xFFFFE003, lr  }
0x1b: {  	s9 =	sadd.s32 $0xFFFFFEF7, lr;
	s5 =	simm.s32 $0xFFFFFFFF;
	p2 =	slt.u32 s8, $0xFFFFF086  }
0x1c: {  	p1 =	slt.u32 s9, $0xF7A;
	s5 =	simm.s32 @!p2 $0x0  }
0x1d: {  	s5 =	simm.s32 @p1 $0x1;
	p0 =	seq.s32 s7, s2  }
0x1e: {  	s7 =	smul.u32 @!p0 $0xF7A, s2;
	p2 =	seq.s32 @!p0 s5, $0x0  }
0x1f: {  	s9 =	smul.u32 $0xF7A, s1;
	s8 =	simm.s32 @!p0 $0x1BF5;
	p2 =	por !p2, p0  }
0x20: {  	[sflag:s8] =	ssyncset.s32 @!p0 $0xFFFFF086;
	s6 =	sadd.s32 @!p0 s3, s7;
	s7 =	simm.s32 @!p0 $0x108  }
0x21: {  	s3 =	sadd.s32 s3, s9;
	s6 =	sadd.s32 @!p0 $0x88, s6;
	s7 =	simm.s32 @p2 $0x1082  }
0x22: {  	[simem:s7], [sflag:s8] =	dma.local @!p0 [hbm:s6], $0xF7A  }
0x23: {  	s9 =	sor.u32 $0xD0000000, s2;
	s6 =	simm.s32 $0x108;
	_ =	swait.ge @!p0 [sflag:s8], $0x0  }
0x24: {  	s3 =	sadd.s32 $0x88, s3;
	s6 =	simm.s32 @!p1 $0x1082;
	[sflag:s4] =	ssyncset.s32 $0xFFFFF086  }
0x25: {  	[simem:s6], [sflag:s4] =	dma.local [hbm:s3], $0xF7A  }
0x26: {  	[smem:$0x3FA0] =	sst s1;
	(tag) =	ssettag s2;
	_ =	strace s9  }
0x27: {  	s1 =	sld [smem:$0x3FB0]  }
0x28: {  	s2 =	sld [smem:$0x3FB1]  }
0x29: {  	s4 =	sld [smem:$0x3FB3]  }
0x2a: {  	p0 =	seq.s32 s5, $0x0;
	s5 =	sld [smem:$0x3FB4]  }
0x2b: {  	s6 =	sld [smem:$0x3FB5]  }
0x2c: {  	s7 =	sld [smem:$0x3FB6]  }
0x2d: {  	s3 =	simm.s32 $0x108;
	s8 =	sld [smem:$0x3FB7]  }
0x2e: {  	s3 =	simm.s32 @!p0 $0x1082;
	s9 =	sld [smem:$0x3FB8]  }
0x2f: {  	lr =	sadd.s32 s0, s3;
	s0 =	sld [smem:$0x3FAF]  }
0x30: {  	s3 =	sld [smem:$0x3FB2]  }
0x31: {  	[smem:$0x3FBB] =	sst s10  }
0x32: {  	s10 =	sld [smem:$0x3FB9];
	_ =	sdelay $0x3  }
0x33: {  	p0 =	seq.s32 s10, $0x1;
	s10 =	sld [smem:$0x3FBB];
	_ =	sdelay $0x3  }
0x34: {  	[smem:$0x3FBB] =	sst s10  }
0x35: {  	s10 =	sld [smem:$0x3FBA];
	_ =	sdelay $0x3  }
0x36: {  	p1 =	seq.s32 s10, $0x1;
	s10 =	sld [smem:$0x3FBB];
	_ =	sdelay $0x3  }
0x37: {  	[smem:$0x3FBB] =	sst s10  }
0x38: {  	s10 =	sld [smem:$0x3FBC]  }
0x39: {  	_ = 	snop;
	(pc) =	sbr.ind lr, $3  }
0x3a: {  	_ = 	snop  }
0x3b: {  	_ = 	snop  }
0x3c: {  	p2 =	seq.s32 s10, $0x1;
	s10 =	sld [smem:$0x3FBB]  }
0x3d: {  	_ =	shalt  }
0x3e: {  	_ =	shalt  }
0x3f: {  	_ =	shalt  }
0x40: {  	_ =	shalt  }
0x41: {  	_ =	shalt  }
0x42: {  	_ =	shalt  }
0x43: {  	_ =	shalt  }
0x44: {  	_ =	shalt  }
0x45: {  	_ =	shalt  }
0x46: {  	_ =	shalt  }
0x47: {  	_ =	shalt  }
0x48: {  	_ =	shalt  }
0x49: {  	_ =	shalt  }
0x4a: {  	_ =	shalt  }
0x4b: {  	_ =	shalt  }
0x4c: {  	_ =	shalt  }
0x4d: {  	_ =	shalt  }
0x4e: {  	_ =	shalt  }
0x4f: {  	_ =	shalt  }
0x50: {  	_ =	shalt  }
0x51: {  	_ =	shalt  }
0x52: {  	_ =	shalt  }
0x53: {  	_ =	shalt  }
0x54: {  	_ =	shalt  }
0x55: {  	_ =	shalt  }
0x56: {  	_ =	shalt  }
0x57: {  	_ =	shalt  }
0x58: {  	_ =	shalt  }
0x59: {  	_ =	shalt  }
0x5a: {  	_ =	shalt  }
0x5b: {  	_ =	shalt  }
0x5c: {  	_ =	shalt  }
0x5d: {  	_ =	shalt  }
0x5e: {  	_ =	shalt  }
0x5f: {  	_ =	shalt  }
0x60: {  	_ =	shalt  }
0x61: {  	_ =	shalt  }
0x62: {  	_ =	shalt  }
0x63: {  	_ =	shalt  }
0x64: {  	_ =	shalt  }
0x65: {  	_ =	shalt  }
0x66: {  	_ =	shalt  }
0x67: {  	_ =	shalt  }
0x68: {  	_ =	shalt  }
0x69: {  	_ =	shalt  }
0x6a: {  	_ =	shalt  }
0x6b: {  	_ =	shalt  }
0x6c: {  	_ =	shalt  }
0x6d: {  	_ =	shalt  }
0x6e: {  	_ =	shalt  }
0x6f: {  	_ =	shalt  }
0x70: {  	_ =	shalt  }
0x71: {  	_ =	shalt  }
0x72: {  	_ =	shalt  }
0x73: {  	_ =	shalt  }
0x74: {  	_ =	shalt  }
0x75: {  	_ =	shalt  }
0x76: {  	_ =	shalt  }
0x77: {  	_ =	shalt  }
0x78: {  	_ =	shalt  }
0x79: {  	_ =	shalt  }
0x7a: {  	_ =	shalt  }
0x7b: {  	_ =	shalt  }
0x7c: {  	_ =	shalt  }
0x7d: {  	_ =	shalt  }
0x7e: {  	_ =	shalt  }
0x7f: {  	_ =	shalt  }
0x80: {  	_ =	shalt  }
0x81: {  	_ =	shalt  }
0x82: {  	_ =	shalt  }
0x83: {  	_ =	shalt  }
0x84: {  	_ =	shalt  }
0x85: {  	_ =	shalt  }
0x86: {  	_ =	shalt  }
0x87: {  	_ =	shalt  }
.Lfunc_end0:
.L_simem_size_0:
called_computation_lowered:
.L_overlay_start_0:
0x88: {  	s2 =	sld [smem:$0x3FD9]  }
0x89: {  	s3 =	sld [smem:$0x3FFE];
	_ =	sdelay $0x1  }
0x8a: {  	s1 =	srdreg.scid  }
0x8b: {  	s0 =	sand.u32 $0x1, s1  }
0x8c: {  	s18 =	sshll.u32 s0, $0xA;
	s2 =	sadd.s32 s3, s2  }
0x8d: {  	s2 =	sadd.s32 s2, s18  }
0x8e: {  	[smem:$0x3FC7] =	sst s2  }
0x8f: {  	_ = 	snop  }
0x90: {  	s2 =	sld [smem:$0x3FC9]  }
0x91: {  	s19 =	sld [smem:$0x3FD0];
	(tm) =	ssettm $0x1  }
0x92: {  	s4 =	sld [smem:$0x3FFB];
	_ =	sdelay $0x3  }
0x93: {  	_ =	strace s4  }
0x94: {  	s4 =	sld [smem:$0x3FFC];
	_ =	sdelay $0x3  }
0x95: {  	_ =	strace s4  }
0x96: {  	s4 =	sld [smem:$0x3FFD];
	_ =	sdelay $0x3  }
0x97: {  	_ =	strace s4  }
0x98: {  	_ =	strace $0x8FFFFFFF  }
0x99: {  	s20 =	sld [smem:$0x3FDB];
	_ =	sdelay $0x1  }
0x9a: {  	s5 =	simm.s32 $_scs_section_size  }
0x9b: {  	s6 =	simm.s32 $_size__tile_overlayer_lowered;
	s7 =	simm.s32 $_tile_overlayer_lowered  }
0x9c: {  	s23 =	simm.s32 $0x1BFF;
	s22 =	sshll.u32 s7, $0x1;
	s4 =	sadd.s32 s5, s20  }
0x9d: {  	s8 =	simm.s32 $0x0;
	s21 =	sshll.u32 s6, $0x1;
	s6 =	sadd.s32 s22, s4  }
0x9e: {  	[timem:s8], [sflag:s23] =	dma.local [hbm:s6], s21  }
0x9f: {  	_ =	swait.ge [sflag:s23], s21  }
0xa0: {  	s5 =	ssub.s32 $0x0, s21;
	[sflag:s23] =	ssyncset.done $0x0  }
0xa1: {  	[sflag:s23] =	ssyncadd.s32 s5;
	_ =	sdelay $0x1  }
0xa2: {  	s24 =	simm.s32 $0x1B8B  }
0xa3: {  	_ =	swait.ge [sflag:s24], $0x1  }
0xa4: {  	[sflag:s24] =	ssyncset.done $0x0  }
0xa5: {  	s25 =	simm.s32 $0x1B8E;
	[sflag:s24] =	ssyncadd.s32 $0xFFFFFFFF  }
0xa6: {  	s26 =	simm.s32 $execute0_lowered;
	[smem:$0x3FD2] =	sst s25  }
0xa7: {  	s5 =	sshll.u32 s26, $0x1;
	_ =	strace $0x80000046;
	[dreg:$0x1] =	wrdreg $0xFFFFFFFF  }
0xa8: {  	s28 =	simm.s32 $_size_execute0_lowered;
	s4 =	sadd.s32 s4, s5;
	[dreg:$0x0] =	wrdreg $0x0  }
0xa9: {  	s5 =	sshll.u32 s28, $0x1;
	[dreg:$0x2] =	wrdreg s4  }
0xaa: {  	[dreg:$0x3] =	wrdreg s5  }
0xab: {  	[dreg:$0x4] =	wrdreg $0xC0  }
0xac: {  	_ =	task [dreg:s8], $0x5FFFF  }
0xad: {  	[dreg:$0x1] =	wrdreg $0xFFFFFFFF  }
0xae: {  	[dreg:$0x0] =	wrdreg $0x60  }
0xaf: {  	[dreg:$0x2] =	wrdreg s2  }
0xb0: {  	[dreg:$0x3] =	wrdreg s19  }
0xb1: {  	[dreg:$0x4] =	wrdreg $0x9  }
0xb2: {  	_ =	task.clear_ibuf [dreg:s8], $0x5FFFF;
	_ =	strace $0x90000046  }
0xb3: {  	s29 =	simm.s32 $0x9;
	_ =	strace $0x80000048  }
0xb4: {  	_ =	swait.ge [sflag:s29], $0x1  }
0xb5: {  	[sflag:s29] =	ssyncadd.s32 $0xFFFFFFFF  }
0xb6: {  	_ =	strace $0x90000048  }
0xb7: {  	_ =	sfence  }
0xb8: {  	s30 =	sld [smem:$0x0];
	_ =	sdelay $0x2  }
0xb9: {  	s31 =	sshll.u32 s1, $0xD;
	s1 =	sshrl.u32 s1, $0x2  }
0xba: {  	s3 =	sand.u32 $0x4000, s31;
	s1 =	sadd.s32 s1, s30  }
0xbb: {  	s0 =	sor.u32 s3, s0;
	s1 =	sshll.u32 s1, $0x11  }
0xbc: {  	s0 =	sor.u32 s1, s0  }
0xbd: {  	s0 =	sadd.s32 $0x8F2B, s0  }
0xbe: {  	[sflag:s0] =	ssyncadd.remote.s32 $0x1  }
0xbf: {  	_ =	sfence.sel $0xFFFF  }
0xc0: {  	[dreg:$0x0] =	wrdreg $0xFFFFFFFF;
	(pc) =	sbr.abs _section_cstart, $3  }
0xc1: {  	[dreg:$0x1] =	wrdreg $0xFFFFFFFF  }
0xc2: {  	_ =	task.clear_ibuf [dreg:s8], $0x2FFFF;
	_ =	strace $0x9FFFFFFF  }
0xc3: {  	(tm) =	ssettm $0x7FFFFFFF  }
tec
execute0_lowered:
.L_overlay_start_1:
0x0: {  	(tag) =	ssettag $0x1  }
0x1: {  	s2 =	rddreg [dreg:$0x0];
	s0 =	srdreg.scid  }
0x2: {  	s3 =	rddreg [dreg:$0x1];
	s1 =	stileid.u32;
	s4 =	simm.s32 $0x0  }
0x3: {  	s9 =	simm.s32 $0x8000;
	s10 =	simm.s32 $0x0;
	s5 =	sand.u32 $0x1, s0  }
0x4: {  	s0 =	rddreg [dreg:$0x2];
	s7 =	sshll.u32 s1, $0x1;
	s6 =	ssub.s32 $0x2, s5  }
0x5: {  	[smem:$0x7FF] =	sst s4;
	s5 =	sor.u32 s7, s5;
	s8 =	sshrl.u32 s6, $0x1  }
0x6: {  	_ =	strace $0x80000047;
	s31 =	ssub.s32 $0x2A9, s5;
	s30 =	ssub.s32 s6, s8  }
0x7: {  	v0 =	vimm.f32 $0.0e+00;
	s6 =	sshrl.u32 s31, $0x5;
	s8 =	simm.s32 $0x1;
	s7 =	smax.u32 s30, $0x1  }
.LBB2_1:
0x8: {  	[tilespmem:s4], [sflag:$0x1] =	stream.linear.gather [hbm4b:s2+s4], $0x8000, $0x38;
	[tilespmem:$0x12000] =	vst v63  }
0x9: {  	_ =	swait.ge [sflag:s8], $0x8000  }
0xa: {  	[sflag:s8] =	ssyncset.done $0x0  }
0xb: {  	s11 =	simm.s32 $0x0;
	[sflag:s8] =	ssyncadd.s32 $0xFFFF8000  }
.LBB2_2:
0xc: {  	s12 =	sshll.u32 s11, $0x5  }
0xd: {  	s13 =	sor.u32 s5, s12  }
0xe: {  	s12 =	smulhi.u32 $0x51EB851F, s13;
	s14 =	sshra.s32 s13, $0x1F  }
0xf: {  	s14 =	smul.u32 $0x51EB851F, s14;
	_ =	sdelay $0x1  }
0x10: {  	s12 =	sadd.s32 s14, s12  }
0x11: {  	s14 =	sshrl.u32 s12, $0x1F;
	s12 =	sshra.s32 s12, $0x3  }
0x12: {  	s12 =	sadd.s32 s14, s12  }
0x13: {  	s14 =	smul.u32 $0xFFFFFFE7, s12  }
0x14: {  	s15 =	ssub.s32 $0x0, s13  }
0x15: {  	p0 =	slt.s32 s13, $0x1;
	p1 =	sne.s32 s14, s15  }
0x16: {  	p0 =	por !p0, !p1  }
0x17: {  	s14 =	simm.s32 $0x1;
	p0 =	por !p0, !p0  }
0x18: {  	s24 =	simm.s32 $0x0;
	s14 =	simm.s32 @!p0 $0x0  }
0x19: {  	s25 =	simm.s32 $0xFFFF6000;
	s26 =	simm.s32 $0x0;
	s12 =	ssub.s32 s12, s14  }
0x1a: {  	s14 =	smul.u32 $0xFFFFFFE7, s12;
	s16 =	sshll.u32 s12, $0xA;
	s31 =	sshll.u32 s12, $0x7  }
0x1b: {  	s28 =	simm.s32 $0x0;
	s17 =	sand.u32 $0xFFFFE000, s16;
	s18 =	sand.u32 $0x380, s31  }
0x1c: {  	s13 =	sadd.s32 s13, s14;
	s15 =	sor.u32 s18, s17;
	s23 =	sor.u32 s16, s18  }
0x1d: {  	s14 =	smul.u32 $0x28, s13;
	s16 =	sor.u32 $0x1C00, s23;
	s17 =	sor.u32 $0x1C10, s23  }
0x1e: {  	s18 =	sor.u32 $0x1C20, s23;
	s19 =	sor.u32 $0x1C30, s23;
	s20 =	sor.u32 $0x1C40, s23  }
0x1f: {  	s21 =	sor.u32 $0x1C50, s23;
	s22 =	sor.u32 $0x1C60, s23;
	s23 =	sor.u32 $0x1C70, s23  }
.LBB2_3:
0x20: {  	v1 =	vld [tilespmem:s15+$0x0];
	_ =	sdelay $0x3  }
0x21: {  	s29 =	sadd.s32 $0xA000, s25  }
0x22: {  	s30 =	sand.u32 $0x380, s28;
	s29 =	sand.u32 $0xE000, s29;
	vm0 =	veq.s32 v1, s14  }
0x23: {  	s29 =	sor.u32 s30, s29;
	v1 =	vsel vm0, $0x3F800000, v0  }
0x24: {  	[tilespmem:s29+$0x8000] =	vst v1  }
0x25: {  	v1 =	vld [tilespmem:s15+$0x10];
	_ =	sdelay $0x4  }
0x26: {  	vm13 =	veq.s32 v1, s14  }
0x27: {  	v1 =	vsel vm13, $0x3F800000, v0  }
0x28: {  	[tilespmem:s29+$0x8010] =	vst v1  }
0x29: {  	v1 =	vld [tilespmem:s15+$0x20];
	_ =	sdelay $0x4  }
0x2a: {  	vm14 =	veq.s32 v1, s14  }
0x2b: {  	v1 =	vsel vm14, $0x3F800000, v0  }
0x2c: {  	[tilespmem:s29+$0x8020] =	vst v1  }
0x2d: {  	v1 =	vld [tilespmem:s15+$0x30];
	_ =	sdelay $0x4  }
0x2e: {  	vm15 =	veq.s32 v1, s14  }
0x2f: {  	v1 =	vsel vm15, $0x3F800000, v0  }
0x30: {  	[tilespmem:s29+$0x8030] =	vst v1  }
0x31: {  	v1 =	vld [tilespmem:s15+$0x40];
	_ =	sdelay $0x4  }
0x32: {  	vm4 =	veq.s32 v1, s14  }
0x33: {  	v1 =	vsel vm4, $0x3F800000, v0  }
0x34: {  	[tilespmem:s29+$0x8040] =	vst v1  }
0x35: {  	v1 =	vld [tilespmem:s15+$0x50];
	_ =	sdelay $0x4  }
0x36: {  	vm5 =	veq.s32 v1, s14  }
0x37: {  	v1 =	vsel vm5, $0x3F800000, v0  }
0x38: {  	[tilespmem:s29+$0x8050] =	vst v1  }
0x39: {  	v1 =	vld [tilespmem:s15+$0x60];
	_ =	sdelay $0x4  }
0x3a: {  	vm6 =	veq.s32 v1, s14  }
0x3b: {  	v1 =	vsel vm6, $0x3F800000, v0  }
0x3c: {  	[tilespmem:s29+$0x8060] =	vst v1  }
0x3d: {  	v1 =	vld [tilespmem:s15+$0x70];
	_ =	sdelay $0x4  }
0x3e: {  	vm7 =	veq.s32 v1, s14  }
0x3f: {  	v1 =	vsel vm7, $0x3F800000, v0  }
0x40: {  	[tilespmem:s29+$0x8070] =	vst v1  }
0x41: {  	v1 =	vld [tilespmem:s15+$0x400];
	_ =	sdelay $0x4  }
0x42: {  	vm8 =	veq.s32 v1, s14  }
0x43: {  	v1 =	vsel vm8, $0x3F800000, v0  }
0x44: {  	[tilespmem:s29+$0x8400] =	vst v1  }
0x45: {  	v1 =	vld [tilespmem:s15+$0x410];
	_ =	sdelay $0x4  }
0x46: {  	vm9 =	veq.s32 v1, s14  }
0x47: {  	v1 =	vsel vm9, $0x3F800000, v0  }
0x48: {  	[tilespmem:s29+$0x8410] =	vst v1  }
0x49: {  	v1 =	vld [tilespmem:s15+$0x420];
	_ =	sdelay $0x4  }
0x4a: {  	vm10 =	veq.s32 v1, s14  }
0x4b: {  	v1 =	vsel vm10, $0x3F800000, v0  }
0x4c: {  	[tilespmem:s29+$0x8420] =	vst v1  }
0x4d: {  	v1 =	vld [tilespmem:s15+$0x430];
	_ =	sdelay $0x4  }
0x4e: {  	vm11 =	veq.s32 v1, s14  }
0x4f: {  	v1 =	vsel vm11, $0x3F800000, v0  }
0x50: {  	[tilespmem:s29+$0x8430] =	vst v1  }
0x51: {  	v1 =	vld [tilespmem:s15+$0x440];
	_ =	sdelay $0x4  }
0x52: {  	vm12 =	veq.s32 v1, s14  }
0x53: {  	v1 =	vsel vm12, $0x3F800000, v0  }
0x54: {  	[tilespmem:s29+$0x8440] =	vst v1  }
0x55: {  	v1 =	vld [tilespmem:s15+$0x450];
	_ =	sdelay $0x4  }
0x56: {  	vm13 =	veq.s32 v1, s14  }
0x57: {  	v1 =	vsel vm13, $0x3F800000, v0  }
0x58: {  	[tilespmem:s29+$0x8450] =	vst v1  }
0x59: {  	v1 =	vld [tilespmem:s15+$0x460];
	_ =	sdelay $0x4  }
0x5a: {  	vm14 =	veq.s32 v1, s14  }
0x5b: {  	v1 =	vsel vm14, $0x3F800000, v0  }
0x5c: {  	[tilespmem:s29+$0x8460] =	vst v1  }
0x5d: {  	v1 =	vld [tilespmem:s15+$0x470];
	_ =	sdelay $0x4  }
0x5e: {  	vm15 =	veq.s32 v1, s14  }
0x5f: {  	v1 =	vsel vm15, $0x3F800000, v0  }
0x60: {  	[tilespmem:s29+$0x8470] =	vst v1  }
0x61: {  	v1 =	vld [tilespmem:s15+$0x800];
	_ =	sdelay $0x4  }
0x62: {  	vm4 =	veq.s32 v1, s14  }
0x63: {  	v1 =	vsel vm4, $0x3F800000, v0  }
0x64: {  	[tilespmem:s29+$0x8800] =	vst v1  }
0x65: {  	v1 =	vld [tilespmem:s15+$0x810];
	_ =	sdelay $0x4  }
0x66: {  	vm5 =	veq.s32 v1, s14  }
0x67: {  	v1 =	vsel vm5, $0x3F800000, v0  }
0x68: {  	[tilespmem:s29+$0x8810] =	vst v1  }
0x69: {  	v1 =	vld [tilespmem:s15+$0x820];
	_ =	sdelay $0x4  }
0x6a: {  	vm6 =	veq.s32 v1, s14  }
0x6b: {  	v1 =	vsel vm6, $0x3F800000, v0  }
0x6c: {  	[tilespmem:s29+$0x8820] =	vst v1  }
0x6d: {  	v1 =	vld [tilespmem:s15+$0x830];
	_ =	sdelay $0x4  }
0x6e: {  	vm7 =	veq.s32 v1, s14  }
0x6f: {  	v1 =	vsel vm7, $0x3F800000, v0  }
0x70: {  	[tilespmem:s29+$0x8830] =	vst v1  }
0x71: {  	v1 =	vld [tilespmem:s15+$0x840];
	_ =	sdelay $0x4  }
0x72: {  	vm8 =	veq.s32 v1, s14  }
0x73: {  	v1 =	vsel vm8, $0x3F800000, v0  }
0x74: {  	[tilespmem:s29+$0x8840] =	vst v1  }
0x75: {  	v1 =	vld [tilespmem:s15+$0x850];
	_ =	sdelay $0x4  }
0x76: {  	vm9 =	veq.s32 v1, s14  }
0x77: {  	v1 =	vsel vm9, $0x3F800000, v0  }
0x78: {  	[tilespmem:s29+$0x8850] =	vst v1  }
0x79: {  	v1 =	vld [tilespmem:s15+$0x860];
	_ =	sdelay $0x4  }
0x7a: {  	vm10 =	veq.s32 v1, s14  }
0x7b: {  	v1 =	vsel vm10, $0x3F800000, v0  }
0x7c: {  	[tilespmem:s29+$0x8860] =	vst v1  }
0x7d: {  	v1 =	vld [tilespmem:s15+$0x870];
	_ =	sdelay $0x4  }
0x7e: {  	vm11 =	veq.s32 v1, s14  }
0x7f: {  	v1 =	vsel vm11, $0x3F800000, v0  }
0x80: {  	[tilespmem:s29+$0x8870] =	vst v1  }
0x81: {  	v1 =	vld [tilespmem:s15+$0xC00];
	_ =	sdelay $0x4  }
0x82: {  	vm12 =	veq.s32 v1, s14  }
0x83: {  	v1 =	vsel vm12, $0x3F800000, v0  }
0x84: {  	[tilespmem:s29+$0x8C00] =	vst v1  }
0x85: {  	v1 =	vld [tilespmem:s15+$0xC10];
	_ =	sdelay $0x4  }
0x86: {  	vm13 =	veq.s32 v1, s14  }
0x87: {  	v1 =	vsel vm13, $0x3F800000, v0  }
0x88: {  	[tilespmem:s29+$0x8C10] =	vst v1  }
0x89: {  	v1 =	vld [tilespmem:s15+$0xC20];
	_ =	sdelay $0x4  }
0x8a: {  	vm14 =	veq.s32 v1, s14  }
0x8b: {  	v1 =	vsel vm14, $0x3F800000, v0  }
0x8c: {  	[tilespmem:s29+$0x8C20] =	vst v1  }
0x8d: {  	v1 =	vld [tilespmem:s15+$0xC30];
	_ =	sdelay $0x4  }
0x8e: {  	vm15 =	veq.s32 v1, s14  }
0x8f: {  	v1 =	vsel vm15, $0x3F800000, v0  }
0x90: {  	[tilespmem:s29+$0x8C30] =	vst v1  }
0x91: {  	v1 =	vld [tilespmem:s15+$0xC40];
	_ =	sdelay $0x4  }
0x92: {  	vm4 =	veq.s32 v1, s14  }
0x93: {  	v1 =	vsel vm4, $0x3F800000, v0  }
0x94: {  	[tilespmem:s29+$0x8C40] =	vst v1  }
0x95: {  	v1 =	vld [tilespmem:s15+$0xC50];
	_ =	sdelay $0x4  }
0x96: {  	vm5 =	veq.s32 v1, s14  }
0x97: {  	v1 =	vsel vm5, $0x3F800000, v0  }
0x98: {  	[tilespmem:s29+$0x8C50] =	vst v1  }
0x99: {  	v1 =	vld [tilespmem:s15+$0xC60];
	_ =	sdelay $0x4  }
0x9a: {  	vm6 =	veq.s32 v1, s14  }
0x9b: {  	v1 =	vsel vm6, $0x3F800000, v0  }
0x9c: {  	[tilespmem:s29+$0x8C60] =	vst v1  }
0x9d: {  	v1 =	vld [tilespmem:s15+$0xC70];
	_ =	sdelay $0x4  }
0x9e: {  	vm7 =	veq.s32 v1, s14  }
0x9f: {  	v1 =	vsel vm7, $0x3F800000, v0  }
0xa0: {  	[tilespmem:s29+$0x8C70] =	vst v1  }
0xa1: {  	v1 =	vld [tilespmem:s15+$0x1000];
	_ =	sdelay $0x4  }
0xa2: {  	vm8 =	veq.s32 v1, s14  }
0xa3: {  	v1 =	vsel vm8, $0x3F800000, v0  }
0xa4: {  	[tilespmem:s29+$0x9000] =	vst v1  }
0xa5: {  	v1 =	vld [tilespmem:s15+$0x1010];
	_ =	sdelay $0x4  }
0xa6: {  	vm9 =	veq.s32 v1, s14  }
0xa7: {  	v1 =	vsel vm9, $0x3F800000, v0  }
0xa8: {  	[tilespmem:s29+$0x9010] =	vst v1  }
0xa9: {  	v1 =	vld [tilespmem:s15+$0x1020];
	_ =	sdelay $0x4  }
0xaa: {  	vm10 =	veq.s32 v1, s14  }
0xab: {  	v1 =	vsel vm10, $0x3F800000, v0  }
0xac: {  	[tilespmem:s29+$0x9020] =	vst v1  }
0xad: {  	v1 =	vld [tilespmem:s15+$0x1030];
	_ =	sdelay $0x4  }
0xae: {  	vm11 =	veq.s32 v1, s14  }
0xaf: {  	v1 =	vsel vm11, $0x3F800000, v0  }
0xb0: {  	[tilespmem:s29+$0x9030] =	vst v1  }
0xb1: {  	v1 =	vld [tilespmem:s15+$0x1040];
	_ =	sdelay $0x4  }
0xb2: {  	vm12 =	veq.s32 v1, s14  }
0xb3: {  	v1 =	vsel vm12, $0x3F800000, v0  }
0xb4: {  	[tilespmem:s29+$0x9040] =	vst v1  }
0xb5: {  	v1 =	vld [tilespmem:s15+$0x1050];
	_ =	sdelay $0x4  }
0xb6: {  	vm13 =	veq.s32 v1, s14  }
0xb7: {  	v1 =	vsel vm13, $0x3F800000, v0  }
0xb8: {  	[tilespmem:s29+$0x9050] =	vst v1  }
0xb9: {  	v1 =	vld [tilespmem:s15+$0x1060];
	_ =	sdelay $0x4  }
0xba: {  	vm14 =	veq.s32 v1, s14  }
0xbb: {  	v1 =	vsel vm14, $0x3F800000, v0  }
0xbc: {  	[tilespmem:s29+$0x9060] =	vst v1  }
0xbd: {  	v1 =	vld [tilespmem:s15+$0x1070];
	_ =	sdelay $0x4  }
0xbe: {  	vm15 =	veq.s32 v1, s14  }
0xbf: {  	v1 =	vsel vm15, $0x3F800000, v0  }
0xc0: {  	[tilespmem:s29+$0x9070] =	vst v1  }
0xc1: {  	v1 =	vld [tilespmem:s15+$0x1400];
	_ =	sdelay $0x4  }
0xc2: {  	vm4 =	veq.s32 v1, s14  }
0xc3: {  	v1 =	vsel vm4, $0x3F800000, v0  }
0xc4: {  	[tilespmem:s29+$0x9400] =	vst v1  }
0xc5: {  	v1 =	vld [tilespmem:s15+$0x1410];
	_ =	sdelay $0x4  }
0xc6: {  	vm5 =	veq.s32 v1, s14  }
0xc7: {  	v1 =	vsel vm5, $0x3F800000, v0  }
0xc8: {  	[tilespmem:s29+$0x9410] =	vst v1  }
0xc9: {  	v1 =	vld [tilespmem:s15+$0x1420];
	_ =	sdelay $0x4  }
0xca: {  	vm6 =	veq.s32 v1, s14  }
0xcb: {  	v1 =	vsel vm6, $0x3F800000, v0  }
0xcc: {  	[tilespmem:s29+$0x9420] =	vst v1  }
0xcd: {  	v1 =	vld [tilespmem:s15+$0x1430];
	_ =	sdelay $0x4  }
0xce: {  	vm7 =	veq.s32 v1, s14  }
0xcf: {  	v1 =	vsel vm7, $0x3F800000, v0  }
0xd0: {  	[tilespmem:s29+$0x9430] =	vst v1  }
0xd1: {  	v1 =	vld [tilespmem:s15+$0x1440];
	_ =	sdelay $0x4  }
0xd2: {  	vm8 =	veq.s32 v1, s14  }
0xd3: {  	v1 =	vsel vm8, $0x3F800000, v0  }
0xd4: {  	[tilespmem:s29+$0x9440] =	vst v1  }
0xd5: {  	v1 =	vld [tilespmem:s15+$0x1450];
	_ =	sdelay $0x4  }
0xd6: {  	vm9 =	veq.s32 v1, s14  }
0xd7: {  	v1 =	vsel vm9, $0x3F800000, v0  }
0xd8: {  	[tilespmem:s29+$0x9450] =	vst v1  }
0xd9: {  	v1 =	vld [tilespmem:s15+$0x1460];
	_ =	sdelay $0x4  }
0xda: {  	vm10 =	veq.s32 v1, s14  }
0xdb: {  	v1 =	vsel vm10, $0x3F800000, v0  }
0xdc: {  	[tilespmem:s29+$0x9460] =	vst v1  }
0xdd: {  	v1 =	vld [tilespmem:s15+$0x1470];
	_ =	sdelay $0x4  }
0xde: {  	vm11 =	veq.s32 v1, s14  }
0xdf: {  	v1 =	vsel vm11, $0x3F800000, v0  }
0xe0: {  	[tilespmem:s29+$0x9470] =	vst v1  }
0xe1: {  	v1 =	vld [tilespmem:s15+$0x1800];
	_ =	sdelay $0x4  }
0xe2: {  	vm12 =	veq.s32 v1, s14  }
0xe3: {  	v1 =	vsel vm12, $0x3F800000, v0  }
0xe4: {  	[tilespmem:s29+$0x9800] =	vst v1  }
0xe5: {  	v1 =	vld [tilespmem:s15+$0x1810];
	_ =	sdelay $0x4  }
0xe6: {  	vm13 =	veq.s32 v1, s14  }
0xe7: {  	v1 =	vsel vm13, $0x3F800000, v0  }
0xe8: {  	[tilespmem:s29+$0x9810] =	vst v1  }
0xe9: {  	v1 =	vld [tilespmem:s15+$0x1820];
	_ =	sdelay $0x4  }
0xea: {  	vm14 =	veq.s32 v1, s14  }
0xeb: {  	v1 =	vsel vm14, $0x3F800000, v0  }
0xec: {  	[tilespmem:s29+$0x9820] =	vst v1  }
0xed: {  	v1 =	vld [tilespmem:s15+$0x1830];
	_ =	sdelay $0x4  }
0xee: {  	vm15 =	veq.s32 v1, s14  }
0xef: {  	v1 =	vsel vm15, $0x3F800000, v0  }
0xf0: {  	[tilespmem:s29+$0x9830] =	vst v1  }
0xf1: {  	v1 =	vld [tilespmem:s15+$0x1840];
	_ =	sdelay $0x4  }
0xf2: {  	vm4 =	veq.s32 v1, s14  }
0xf3: {  	v1 =	vsel vm4, $0x3F800000, v0  }
0xf4: {  	[tilespmem:s29+$0x9840] =	vst v1  }
0xf5: {  	v1 =	vld [tilespmem:s15+$0x1850];
	_ =	sdelay $0x4  }
0xf6: {  	vm5 =	veq.s32 v1, s14  }
0xf7: {  	v1 =	vsel vm5, $0x3F800000, v0  }
0xf8: {  	[tilespmem:s29+$0x9850] =	vst v1  }
0xf9: {  	v1 =	vld [tilespmem:s15+$0x1860];
	_ =	sdelay $0x4  }
0xfa: {  	vm6 =	veq.s32 v1, s14  }
0xfb: {  	v1 =	vsel vm6, $0x3F800000, v0  }
0xfc: {  	[tilespmem:s29+$0x9860] =	vst v1  }
0xfd: {  	v1 =	vld [tilespmem:s15+$0x1870];
	_ =	sdelay $0x4  }
0xfe: {  	vm7 =	veq.s32 v1, s14  }
0xff: {  	v1 =	vsel vm7, $0x3F800000, v0  }
0x100: {  	[tilespmem:s29+$0x9870] =	vst v1  }
0x101: {  	v1 =	vld [tilespmem:s16+$0x0];
	_ =	sdelay $0x2  }
0x102: {  	s30 =	sand.u32 $0x7, s24  }
0x103: {  	s29 =	sshll.u32 s30, $0x7  }
0x104: {  	s29 =	sadd.s32 s29, s26;
	vm8 =	veq.s32 v1, s14  }
0x105: {  	s31 =	sor.u32 $0x1C00, s29;
	v1 =	vsel vm8, $0x3F800000, v0  }
0x106: {  	[tilespmem:s31+$0x8000] =	vst v1  }
0x107: {  	v1 =	vld [tilespmem:s17+$0x0];
	_ =	sdelay $0x4  }
0x108: {  	vm9 =	veq.s32 v1, s14  }
0x109: {  	s31 =	sor.u32 $0x1C10, s29;
	v1 =	vsel vm9, $0x3F800000, v0  }
0x10a: {  	[tilespmem:s31+$0x8000] =	vst v1  }
0x10b: {  	v1 =	vld [tilespmem:s18+$0x0];
	_ =	sdelay $0x4  }
0x10c: {  	vm10 =	veq.s32 v1, s14  }
0x10d: {  	s31 =	sor.u32 $0x1C20, s29;
	v1 =	vsel vm10, $0x3F800000, v0  }
0x10e: {  	[tilespmem:s31+$0x8000] =	vst v1  }
0x10f: {  	v1 =	vld [tilespmem:s19+$0x0];
	_ =	sdelay $0x4  }
0x110: {  	vm11 =	veq.s32 v1, s14  }
0x111: {  	s31 =	sor.u32 $0x1C30, s29;
	v1 =	vsel vm11, $0x3F800000, v0  }
0x112: {  	[tilespmem:s31+$0x8000] =	vst v1  }
0x113: {  	v1 =	vld [tilespmem:s20+$0x0];
	_ =	sdelay $0x4  }
0x114: {  	vm12 =	veq.s32 v1, s14  }
0x115: {  	s31 =	sor.u32 $0x1C40, s29;
	v1 =	vsel vm12, $0x3F800000, v0  }
0x116: {  	[tilespmem:s31+$0x8000] =	vst v1  }
0x117: {  	v1 =	vld [tilespmem:s21+$0x0];
	_ =	sdelay $0x4  }
0x118: {  	vm13 =	veq.s32 v1, s14  }
0x119: {  	s31 =	sor.u32 $0x1C50, s29;
	v1 =	vsel vm13, $0x3F800000, v0  }
0x11a: {  	[tilespmem:s31+$0x8000] =	vst v1  }
0x11b: {  	v1 =	vld [tilespmem:s22+$0x0];
	_ =	sdelay $0x4  }
0x11c: {  	vm14 =	veq.s32 v1, s14  }
0x11d: {  	s31 =	sor.u32 $0x1C60, s29;
	v1 =	vsel vm14, $0x3F800000, v0  }
0x11e: {  	[tilespmem:s31+$0x8000] =	vst v1  }
0x11f: {  	v1 =	vld [tilespmem:s23+$0x0];
	_ =	sdelay $0x1  }
0x120: {  	p0 =	sne.s32 s28, $0x1380  }
.Ltmp0:
0x121: {  	_ = 	snop;
	(pc) =	sbr.rel @p0 .LBB2_3-.Ltmp0, $4  }
0x122: {  	_ = 	snop  }
0x123: {  	vm15 =	veq.s32 v1, s14  }
0x124: {  	s25 =	sadd.s32 $0x400, s25;
	s28 =	sadd.s32 $0x80, s28;
	s29 =	sor.u32 $0x1C70, s29;
	v1 =	vsel vm15, $0x3F800000, v0  }
0x125: {  	s24 =	sadd.s32 $0x1, s24;
	s26 =	sadd.s32 $0x400, s26;
	s14 =	sadd.s32 $0x1, s14;
	[tilespmem:s29+$0x8000] =	vst v1  }
0x126: {  	s12 =	smul.u32 $0xFA000, s12  }
0x127: {  	s13 =	smul.u32 $0xA000, s13;
	_ =	sdelay $0x1  }
0x128: {  	s11 =	sadd.s32 $0x1, s11;
	s12 =	sadd.s32 s12, s13  }
0x129: {  	p0 =	sne.s32 s11, s6;
	s12 =	sshrl.u32 s12, $0x3  }
.Ltmp1:
0x12a: {  	s12 =	sadd.s32 s3, s12;
	(pc) =	sbr.rel @p0 .LBB2_2-.Ltmp1, $4  }
0x12b: {  	[hbm4b:s12+s4] =	stream.linear.scatter [tilespmem:s9], [sflag:$0x1], $0xA000, $0x38;
	[tilespmem:$0x12000] =	vst v63  }
0x12c: {  	_ =	swait.ge [sflag:s8], $0xA000  }
0x12d: {  	[sflag:s8] =	ssyncset.done $0x0  }
0x12e: {  	[sflag:s8] =	ssyncadd.s32 $0xFFFF6000  }
0x12f: {  	s10 =	sadd.s32 $0x1, s10  }
0x130: {  	p0 =	sne.s32 s10, s7  }
.Ltmp2:
0x131: {  	_ = 	snop;
	(pc) =	sbr.rel @p0 .LBB2_1-.Ltmp2, $1  }
0x132: {  	_ =	sdelay $0x3  }
0x133: {  	_ =	sfence.sel $0x180000  }
0x134: {  	[bflag:$0x0] =	sbarrier.arrive $0xFFFF  }
0x135: {  	p0 =	sne.s32 s1, $0x0;
	_ =	strace $0x90000047  }
0x136: {  	s0 =	sadd.s32 @!p0 $0x100000, s0;
	[bflag:$0x2] =	sbarrier.arrive $0xFFFF  }
0x137: {  	[sflag:s0] =	ssyncadd.tile.s32 @!p0 $0x1;
	_ =	shalt  }
.Lfunc_end2:
_tile_overlayer_lowered:
.L_overlay_start_2:
0x138: {  	(tag) =	ssettag $0x2  }
0x139: {  	s0 =	rddreg [dreg:$0x0];
	s2 =	stileid.u32  }
0x13a: {  	s1 =	rddreg [dreg:$0x1];
	p0 =	sne.s32 s2, $0x0  }
0x13b: {  	s3 =	rddreg [dreg:$0x2];
	[bflag:$0x3] =	sbarrier.arrive $0xFFFF;
	s2 =	simm.s32 @!p0 $0x1C01  }
0x13c: {  	[timem:s3], [sflag:s2] =	dma.local @!p0 [hbm:s0], s1  }
0x13d: {  	s0 =	simm.s32 @!p0 $0x1  }
0x13e: {  	_ =	swait.ge @!p0 [sflag:s0], s1  }
0x13f: {  	s1 =	ssub.s32 @!p0 $0x0, s1;
	[sflag:s0] =	ssyncset.done @!p0 $0x0  }
0x140: {  	[sflag:s0] =	ssyncadd.s32 @!p0 s1  }
0x141: {  	[bflag:$0x3] =	sbarrier.arrive $0xFFFF  }
0x142: {  	_ =	shalt  }

</sc_bundles>
